<compile_context>
chip_gen: v7x
topology: tpu7x:2x2x1
jax: 0.10.2.dev20260603
libtpu: 0.0.44.dev20260713+nightly
codegen_flags: <defaults>
</compile_context>

<pallas_src>
import functools

import jax
import jax.numpy as jnp
from jax import lax
from jax.experimental import pallas as pl
from jax.experimental.pallas import tpu as pltpu
from jax.experimental.pallas import tpu_sc as plsc

B = 8
IMG_ROWS, IMG_COLS = 512, 512
P = IMG_ROWS * IMG_COLS
TOT = B * P
NC, NS, LANES = 2, 16, 16
NW = NC * NS
TILE_ROWS = IMG_ROWS // 4
SUB_ROWS = 64
M = 16384
X0 = 16.0
SCALE = M / (2.0 * X0)

_mesh = plsc.VectorSubcoreMesh(
    core_axis_name="c", subcore_axis_name="s", num_cores=NC, num_subcores=NS
)
_sc_params = pltpu.CompilerParams(needs_layout_passes=False)


def _stats_body(x_ref, t_ref, o_ref, z_ref):
    x = x_ref[0]
    t = t_ref[0]
    e = jnp.exp(-jnp.abs(x))
    r = 1.0 / (1.0 + e)
    sp = jnp.maximum(x, 0.0) + jnp.log1p(e)
    bce_sum = jnp.sum(sp - t * x)
    s = jnp.where(x >= 0.0, r, e * r)
    n1 = jnp.sum(t)
    sum1 = jnp.sum(t * (1.0 - s))
    lane = lax.broadcasted_iota(jnp.int32, (1, 1, 128), 2)
    o_ref[...] = (
        jnp.where(lane == 0, bce_sum, 0.0)
        + jnp.where(lane == 1, n1, 0.0)
        + jnp.where(lane == 2, sum1, 0.0)
    )
    u = (X0 - x) * SCALE
    u = jnp.minimum(jnp.maximum(u, 0.0), float(M - 1))
    idx = u.astype(jnp.int32)
    z_ref[0] = jnp.where(t == 1.0, M, idx).astype(jnp.int16)


_stats_call = pl.pallas_call(
    _stats_body,
    grid=(B,),
    in_specs=[
        pl.BlockSpec((1, IMG_ROWS, IMG_COLS), lambda i: (i, 0, 0)),
        pl.BlockSpec((1, IMG_ROWS, IMG_COLS), lambda i: (i, 0, 0)),
    ],
    out_specs=[
        pl.BlockSpec((1, 1, 128), lambda i: (i, 0, 0)),
        pl.BlockSpec((1, IMG_ROWS, IMG_COLS), lambda i: (i, 0, 0)),
    ],
    out_shape=[
        jax.ShapeDtypeStruct((B, 1, 128), jnp.float32),
        jax.ShapeDtypeStruct((B, IMG_ROWS, IMG_COLS), jnp.int16),
    ],
)


@functools.partial(
    pl.kernel,
    out_type=jax.ShapeDtypeStruct((B * LANES,), jnp.float32),
    mesh=_mesh,
    compiler_params=_sc_params,
    scratch_types=[
        pltpu.VMEM((SUB_ROWS, IMG_COLS), jnp.int16),
        pltpu.VMEM((SUB_ROWS, IMG_COLS), jnp.int16),
        pltpu.VMEM((M,), jnp.float32),
        pltpu.VMEM((4 * (M // 2),), jnp.float32),
        pltpu.VMEM((LANES,), jnp.float32),
        pltpu.VMEM((LANES,), jnp.float32),
        pltpu.VMEM_SHARED((NS * M,), jnp.float32),
        pltpu.SemaphoreType.DMA,
        pltpu.SemaphoreType.DMA,
    ],
)
def _lovasz_sc_kernel(
    z_hbm, stats_hbm, out_hbm, zb0, zb1, hist, hbuf, srow, lbuf, hshared, sem0, sem1
):
    sid = lax.axis_index("s")
    wid = lax.axis_index("c") * NS + sid
    img = wid // 4
    row0 = (wid % 4) * TILE_ROWS

    def zero_body(j, carry):
        hist[pl.ds(j * LANES, LANES)] = jnp.zeros((LANES,), jnp.float32)
        return carry

    lax.fori_loop(0, M // LANES, zero_body, 0, unroll=4)

    bufs = (zb0, zb1)
    sems = (sem0, sem1)
    nsub = TILE_ROWS // SUB_ROWS

    def start(c):
        return pltpu.async_copy(
            z_hbm.at[img, pl.ds(row0 + c * SUB_ROWS, SUB_ROWS), :],
            bufs[c % 2],
            sems[c % 2],
        )

    ones = jnp.ones((LANES,), jnp.float32)
    pending = start(0)
    for sub in range(nsub):
        cur = pending
        if sub + 1 < nsub:
            pending = start(sub + 1)
        cur.wait()
        zb = bufs[sub % 2]

        def body(r, carry):
            for c in range(IMG_COLS // (2 * LANES)):
                v32 = zb[r, pl.ds(c * 2 * LANES, 2 * LANES)]
                ia, ib = plsc.unpack(v32, format=plsc.PackFormat.INTERLEAVED)
                plsc.addupdate_scatter(hist, [ia], ones, mask=ia < M)
                plsc.addupdate_scatter(hist, [ib], ones, mask=ib < M)
            return carry

        lax.fori_loop(0, SUB_ROWS, body, 0)

    pltpu.sync_copy(hist, hshared.at[pl.ds(sid * M, M)])
    plsc.subcore_barrier()

    @pl.when(sid < 4)
    def _():
        gimg = lax.axis_index("c") * 4 + sid
        pltpu.sync_copy(stats_hbm.at[gimg, pl.ds(0, LANES)], srow)
        row = srow[pl.ds(0, LANES)]
        lanei = lax.iota(jnp.int32, LANES)
        n1 = jnp.sum(jnp.where(lanei == 1, row, 0.0))
        sum1 = jnp.sum(jnp.where(lanei == 2, row, 0.0))
        lanef = lanei.astype(jnp.float32)
        half = M // 2

        carry = (0.0, jnp.zeros((LANES,), jnp.float32))
        for h in range(2):
            for k in range(4):
                pltpu.sync_copy(
                    hshared.at[pl.ds((4 * sid + k) * M + h * half, half)],
                    hbuf.at[pl.ds(k * half, half)],
                )

            def body(j, carry, h=h):
                cacc, sacc = carry
                base16 = j * LANES
                n16 = (
                    hbuf[pl.ds(base16, LANES)]
                    + hbuf[pl.ds(half + base16, LANES)]
                    + hbuf[pl.ds(2 * half + base16, LANES)]
                    + hbuf[pl.ds(3 * half + base16, LANES)]
                )
                chi = cacc + plsc.cumsum(n16)
                clo = chi - n16
                d_w = chi / jnp.maximum(n1 + chi, 1.0) - clo / jnp.maximum(n1 + clo, 1.0)
                bkt = float(h * half) + j.astype(jnp.float32) * LANES + lanef
                xm = X0 - (bkt + 0.5) * (1.0 / SCALE)
                sm = 1.0 / (1.0 + jnp.exp(-xm))
                return cacc + jnp.sum(n16), sacc + sm * d_w

            carry = lax.fori_loop(0, half // LANES, body, carry, unroll=8)
        cacc, sacc = carry
        lov = (float(P) - n1) * (1.0 / float(P)) + jnp.sum(sacc) + sum1 * (1.0 / float(P))
        lbuf[...] = jnp.full((LANES,), lov, jnp.float32)
        pltpu.sync_copy(lbuf, out_hbm.at[pl.ds(gimg * LANES, LANES)])


def _combine_body(stats_ref, lov_ref, o_ref):
    lane_s = lax.broadcasted_iota(jnp.int32, (B, 128), 1)
    lane_l = lax.broadcasted_iota(jnp.int32, (B, LANES), 1)
    bce = jnp.sum(jnp.where(lane_s == 0, stats_ref[...], 0.0)) / float(TOT)
    lov = jnp.sum(jnp.where(lane_l == 0, lov_ref[...], 0.0)) / float(B)
    o_ref[...] = jnp.full((1, 1), 0.5 * bce + 0.5 * lov, jnp.float32)


_combine_call = pl.pallas_call(
    _combine_body,
    out_shape=jax.ShapeDtypeStruct((1, 1), jnp.float32),
)


def kernel(input, target):
    x = input.reshape(B, IMG_ROWS, IMG_COLS)
    t = target.reshape(B, IMG_ROWS, IMG_COLS)
    stats, z = _stats_call(x, t)
    stats2 = stats.reshape(B, 128)
    lov = _lovasz_sc_kernel(z, stats2)
    out = _combine_call(stats2, lov.reshape(B, LANES))
    return out[0, 0]

# --- scband reference (transcript-rebuilt; emitter-appended) ---
"""Pipeline reference for scband-lovasz-dice-loss-45973329937309 (READ-ONLY COPY).

The authoritative reference and input builder live on the scoring server;
editing this copy changes nothing except your own understanding.
"""

import jax, jax.numpy as jnp
import numpy as np

ALPHA = 0.5


def lovasz_grad(gt_sorted):
    # gt_sorted: float [P] of 0/1 labels sorted by descending error
    gts = jnp.sum(gt_sorted)
    intersection = gts - jnp.cumsum(gt_sorted, axis=0)
    union = gts + jnp.cumsum(1.0 - gt_sorted, axis=0)
    jaccard = 1.0 - intersection / union
    # jaccard[1:] = jaccard[1:] - jaccard[:-1]
    jaccard = jnp.concatenate([jaccard[:1], jaccard[1:] - jaccard[:-1]], axis=0)
    return jaccard


def lovasz_hinge_flat(logits, labels):
    # logits, labels: float [P]
    signs = jax.lax.stop_gradient(2.0 * labels - 1.0)
    errors = 1.0 - logits * signs
    perm = jnp.argsort(-errors)  # descending sort of errors
    errors_sorted = errors[perm]
    gt_sorted = labels[perm]
    grad = jax.lax.stop_gradient(lovasz_grad(gt_sorted))
    return jnp.dot(jax.nn.relu(errors_sorted), grad)


def lovasz_hinge(logits, labels):
    # per_image=True: average of per-image flat lovasz hinge losses
    B = logits.shape[0]
    lf = logits.reshape(B, -1)
    tf = labels.reshape(B, -1)
    losses = jax.vmap(lovasz_hinge_flat)(lf, tf)
    return jnp.mean(losses)


def setup_inputs(seed: int = 0) -> dict:
    key = jax.random.key(seed)
    k1, k2 = jax.random.split(key)
    inp = jax.random.normal(k1, (8, 1, 512, 512), dtype=jnp.float32)
    tgt = jax.random.randint(k2, (8, 1, 512, 512), 0, 2).astype(jnp.float32)
    return {"input": inp, "target": tgt}


def reference(input, target):
    # F.binary_cross_entropy_with_logits with mean reduction
    bce = jnp.mean(target * jax.nn.softplus(-input) + (1.0 - target) * jax.nn.softplus(input))
    input_sigmoid = jax.nn.sigmoid(input)
    lovasz = lovasz_hinge(input_sigmoid, target)
    return ALPHA * bce + (1.0 - ALPHA) * lovasz

if __name__ == "__main__":
    import jax
    _d = setup_inputs()
    print(jax.jit(kernel)(*tuple(_d.values())))

</pallas_src>

<mosaic_0001>
#map = affine_map<(d0, d1) -> (0, 0, 0)>
#map1 = affine_map<(d0, d1) -> (0, 0)>
#map2 = affine_map<(d0, d1) -> (0)>
module attributes {stable_mosaic.version = 14 : i64} {
  func.func @_lovasz_sc_kernel(%arg0: i32, %arg1: i32, %arg2: memref<8x512x512xi16, #tpu.memory_space<hbm>>, %arg3: memref<8x128xf32, #tpu.memory_space<hbm>>, %arg4: memref<128xf32, #tpu.memory_space<hbm>>, %arg5: memref<64x512xi16, #tpu.memory_space<vmem>>, %arg6: memref<64x512xi16, #tpu.memory_space<vmem>>, %arg7: memref<16384xf32, #tpu.memory_space<vmem>>, %arg8: memref<32768xf32, #tpu.memory_space<vmem>>, %arg9: memref<16xf32, #tpu.memory_space<vmem>>, %arg10: memref<16xf32, #tpu.memory_space<vmem>>, %arg11: memref<262144xf32, #tpu.memory_space<vmem_shared>>, %arg12: memref<!tpu.dma_semaphore, #tpu.memory_space<semaphore_mem>>, %arg13: memref<!tpu.dma_semaphore, #tpu.memory_space<semaphore_mem>>) attributes {dimension_semantics = [#tpu.dimension_semantics<core_parallel>, #tpu.dimension_semantics<subcore_parallel>], iteration_bounds = array<i64: 2, 16>, scalar_prefetch = 0 : i64, scratch_operands = 9 : i64, tpu.core_type = #tpu.core_type<sc_vector_subcore>, window_params = [{transform_indices = #map}, {transform_indices = #map1}, {transform_indices = #map2}]} {
    %mul3A = arith.constant 16 : i32
    %mul3A_0 = arith.muli %arg0, %mul3A : i32
    %add3A = arith.addi %mul3A_0, %arg1 : i32
    %jit3A = arith.constant 4 : i32
    %div3A = arith.divsi %add3A, %jit3A : i32
    %sign3A = arith.constant 0 : i32
    %sign3A_1 = arith.cmpi sgt, %add3A, %sign3A : i32
    %sign3A_2 = arith.extui %sign3A_1 : i1 to i32
    %sign3A_3 = arith.constant 0 : i32
    %sign3A_4 = arith.cmpi slt, %add3A, %sign3A_3 : i32
    %sign3A_5 = arith.extui %sign3A_4 : i1 to i32
    %sign3A_6 = arith.subi %sign3A_2, %sign3A_5 : i32
    %sign3A_7 = arith.constant 0 : i32
    %sign3A_8 = arith.cmpi sgt, %jit3A, %sign3A_7 : i32
    %sign3A_9 = arith.extui %sign3A_8 : i1 to i32
    %sign3A_10 = arith.constant 0 : i32
    %sign3A_11 = arith.cmpi slt, %jit3A, %sign3A_10 : i32
    %sign3A_12 = arith.extui %sign3A_11 : i1 to i32
    %sign3A_13 = arith.subi %sign3A_9, %sign3A_12 : i32
    %ne3A = arith.cmpi ne, %sign3A_6, %sign3A_13 : i32
    %rem3A = arith.remsi %add3A, %jit3A : i32
    %ne3A_14 = arith.constant 0 : i32
    %ne3A_15 = arith.cmpi ne, %rem3A, %ne3A_14 : i32
    %and3A = arith.andi %ne3A, %ne3A_15 : i1
    %sub3A = arith.constant 1 : i32
    %sub3A_16 = arith.subi %div3A, %sub3A : i32
    %select_n3A = arith.select %and3A, %sub3A_16, %div3A : i32
    %jit3A_17 = arith.constant 4 : i32
    %eq3A = arith.constant 0 : i32
    %eq3A_18 = arith.cmpi eq, %jit3A_17, %eq3A : i32
    %jit3A_19 = arith.constant 1 : i32
    %select_n3A_20 = arith.select %eq3A_18, %jit3A_19, %jit3A_17 : i32
    %rem3A_21 = arith.remsi %add3A, %select_n3A_20 : i32
    %ne3A_22 = arith.constant 0 : i32
    %ne3A_23 = arith.cmpi ne, %rem3A_21, %ne3A_22 : i32
    %lt3A = arith.constant 0 : i32
    %lt3A_24 = arith.cmpi slt, %rem3A_21, %lt3A : i32
    %lt3A_25 = arith.constant 0 : i32
    %lt3A_26 = arith.cmpi slt, %select_n3A_20, %lt3A_25 : i32
    %ne3A_27 = arith.xori %lt3A_24, %lt3A_26 : i1
    %and3A_28 = arith.andi %ne3A_27, %ne3A_23 : i1
    %add3A_29 = arith.addi %rem3A_21, %select_n3A_20 : i32
    %select_n3A_30 = arith.select %and3A_28, %add3A_29, %rem3A_21 : i32
    %mul3A_31 = arith.constant 128 : i32
    %mul3A_32 = arith.muli %select_n3A_30, %mul3A_31 : i32
    %scan3A = arith.constant 0 : i32
    %scan3A_33 = arith.constant 0 : i32
    %scan3A_34 = arith.constant 1024 : i32
    %scan3A_35 = arith.addi %scan3A_33, %scan3A_34 : i32
    %scan3A_36 = arith.constant 4 : i32
    scf.for %scan3A_82 = %scan3A_33 to %scan3A_35 step %scan3A_36  : i32 {
      %broadcast_in_dim3A_83 = arith.constant 0.000000e+00 : f32
      %broadcast_in_dim3A_84 = vector.broadcast %broadcast_in_dim3A_83 : f32 to vector<16xf32>
      %mul3A_85 = arith.constant 16 : i32
      %mul3A_86 = arith.muli %scan3A_82, %mul3A_85 : i32
      %swap3A = arith.index_cast %mul3A_86 : i32 to index
      %swap3A_87 = tpu.vector_load %arg7[%swap3A] {strides = array<i32>} : memref<16384xf32, #tpu.memory_space<vmem>>, vector<16xf32>,
      tpu.vector_store %arg7[%swap3A], %broadcast_in_dim3A_84 {strides = array<i32>} : memref<16384xf32, #tpu.memory_space<vmem>>, vector<16xf32>,
      %scan3A_88 = arith.constant 1 : i32
      %scan3A_89 = arith.addi %scan3A_82, %scan3A_88 : i32
      %broadcast_in_dim3A_90 = arith.constant 0.000000e+00 : f32
      %broadcast_in_dim3A_91 = vector.broadcast %broadcast_in_dim3A_90 : f32 to vector<16xf32>
      %mul3A_92 = arith.constant 16 : i32
      %mul3A_93 = arith.muli %scan3A_89, %mul3A_92 : i32
      %swap3A_94 = arith.index_cast %mul3A_93 : i32 to index
      %swap3A_95 = tpu.vector_load %arg7[%swap3A_94] {strides = array<i32>} : memref<16384xf32, #tpu.memory_space<vmem>>, vector<16xf32>,
      tpu.vector_store %arg7[%swap3A_94], %broadcast_in_dim3A_91 {strides = array<i32>} : memref<16384xf32, #tpu.memory_space<vmem>>, vector<16xf32>,
      %scan3A_96 = arith.constant 2 : i32
      %scan3A_97 = arith.addi %scan3A_82, %scan3A_96 : i32
      %broadcast_in_dim3A_98 = arith.constant 0.000000e+00 : f32
      %broadcast_in_dim3A_99 = vector.broadcast %broadcast_in_dim3A_98 : f32 to vector<16xf32>
      %mul3A_100 = arith.constant 16 : i32
      %mul3A_101 = arith.muli %scan3A_97, %mul3A_100 : i32
      %swap3A_102 = arith.index_cast %mul3A_101 : i32 to index
      %swap3A_103 = tpu.vector_load %arg7[%swap3A_102] {strides = array<i32>} : memref<16384xf32, #tpu.memory_space<vmem>>, vector<16xf32>,
      tpu.vector_store %arg7[%swap3A_102], %broadcast_in_dim3A_99 {strides = array<i32>} : memref<16384xf32, #tpu.memory_space<vmem>>, vector<16xf32>,
      %scan3A_104 = arith.constant 3 : i32
      %scan3A_105 = arith.addi %scan3A_82, %scan3A_104 : i32
      %broadcast_in_dim3A_106 = arith.constant 0.000000e+00 : f32
      %broadcast_in_dim3A_107 = vector.broadcast %broadcast_in_dim3A_106 : f32 to vector<16xf32>
      %mul3A_108 = arith.constant 16 : i32
      %mul3A_109 = arith.muli %scan3A_105, %mul3A_108 : i32
      %swap3A_110 = arith.index_cast %mul3A_109 : i32 to index
      %swap3A_111 = tpu.vector_load %arg7[%swap3A_110] {strides = array<i32>} : memref<16384xf32, #tpu.memory_space<vmem>>, vector<16xf32>,
      tpu.vector_store %arg7[%swap3A_110], %broadcast_in_dim3A_107 {strides = array<i32>} : memref<16384xf32, #tpu.memory_space<vmem>>, vector<16xf32>,
    }
    %scan3A_37 = arith.constant 1024 : i32
    %broadcast_in_dim3A = arith.constant 1.000000e+00 : f32
    %broadcast_in_dim3A_38 = vector.broadcast %broadcast_in_dim3A : f32 to vector<16xf32>
    %add3A_39 = arith.constant 0 : i32
    %add3A_40 = arith.addi %mul3A_32, %add3A_39 : i32
    %dma_start3A = arith.constant 0 : i32
    %dma_start3A_41 = tpu.memref_slice %arg2[%select_n3A, %add3A_40, %dma_start3A] : memref<8x512x512xi16, #tpu.memory_space<hbm>> -> memref<1x64x512xi16, #tpu.memory_space<hbm>>
    %dma_start3A_42 = tpu.memref_squeeze %dma_start3A_41 : memref<1x64x512xi16, #tpu.memory_space<hbm>> -> memref<64x512xi16, #tpu.memory_space<hbm>>
    %dma_start3A_43 = arith.constant 0 : i32
    %dma_start3A_44 = tpu.memref_slice %arg2[%select_n3A, %add3A_40, %dma_start3A_43] : memref<8x512x512xi16, #tpu.memory_space<hbm>> -> memref<1x64x512xi16, #tpu.memory_space<hbm>>
    %dma_start3A_45 = tpu.memref_squeeze %dma_start3A_44 : memref<1x64x512xi16, #tpu.memory_space<hbm>> -> memref<64x512xi16, #tpu.memory_space<hbm>>
    tpu.enqueue_dma source(%dma_start3A_45 : memref<64x512xi16, #tpu.memory_space<hbm>>) target(%arg5 : memref<64x512xi16, #tpu.memory_space<vmem>>) target_semaphore(%arg12 : memref<!tpu.dma_semaphore, #tpu.memory_space<semaphore_mem>>)
    %add3A_46 = arith.constant 64 : i32
    %add3A_47 = arith.addi %mul3A_32, %add3A_46 : i32
    %dma_start3A_48 = arith.constant 0 : i32
    %dma_start3A_49 = tpu.memref_slice %arg2[%select_n3A, %add3A_47, %dma_start3A_48] : memref<8x512x512xi16, #tpu.memory_space<hbm>> -> memref<1x64x512xi16, #tpu.memory_space<hbm>>
    %dma_start3A_50 = tpu.memref_squeeze %dma_start3A_49 : memref<1x64x512xi16, #tpu.memory_space<hbm>> -> memref<64x512xi16, #tpu.memory_space<hbm>>
    %dma_start3A_51 = arith.constant 0 : i32
    %dma_start3A_52 = tpu.memref_slice %arg2[%select_n3A, %add3A_47, %dma_start3A_51] : memref<8x512x512xi16, #tpu.memory_space<hbm>> -> memref<1x64x512xi16, #tpu.memory_space<hbm>>
    %dma_start3A_53 = tpu.memref_squeeze %dma_start3A_52 : memref<1x64x512xi16, #tpu.memory_space<hbm>> -> memref<64x512xi16, #tpu.memory_space<hbm>>
    tpu.enqueue_dma source(%dma_start3A_53 : memref<64x512xi16, #tpu.memory_space<hbm>>) target(%arg6 : memref<64x512xi16, #tpu.memory_space<vmem>>) target_semaphore(%arg13 : memref<!tpu.dma_semaphore, #tpu.memory_space<semaphore_mem>>)
    %dma_wait3A = arith.constant 0 : i32
    %dma_wait3A_54 = tpu.memref_slice %arg2[%select_n3A, %add3A_40, %dma_wait3A] : memref<8x512x512xi16, #tpu.memory_space<hbm>> -> memref<1x64x512xi16, #tpu.memory_space<hbm>>
    %dma_wait3A_55 = tpu.memref_squeeze %dma_wait3A_54 : memref<1x64x512xi16, #tpu.memory_space<hbm>> -> memref<64x512xi16, #tpu.memory_space<hbm>>
    %dma_wait3A_56 = arith.constant 0 : i32
    %dma_wait3A_57 = tpu.memref_slice %arg2[%select_n3A, %add3A_40, %dma_wait3A_56] : memref<8x512x512xi16, #tpu.memory_space<hbm>> -> memref<1x64x512xi16, #tpu.memory_space<hbm>>
    %dma_wait3A_58 = tpu.memref_squeeze %dma_wait3A_57 : memref<1x64x512xi16, #tpu.memory_space<hbm>> -> memref<64x512xi16, #tpu.memory_space<hbm>>
    tpu.wait_dma2 semaphore(%arg12 : memref<!tpu.dma_semaphore, #tpu.memory_space<semaphore_mem>>) src(%dma_wait3A_58 : memref<64x512xi16, #tpu.memory_space<hbm>>) dst(%arg5 : memref<64x512xi16, #tpu.memory_space<vmem>>)
    %scan3A_59 = arith.constant 0 : i32
    %scan3A_60 = arith.constant 0 : i32
    %scan3A_61 = arith.constant 64 : i32
    %scan3A_62 = arith.addi %scan3A_60, %scan3A_61 : i32
    %scan3A_63 = arith.constant 1 : i32
    scf.for %scan3A_82 = %scan3A_60 to %scan3A_62 step %scan3A_63  : i32 {
      %get3A = arith.index_cast %scan3A_82 : i32 to index
      %get3A_83 = arith.constant 0 : index
      %get3A_84 = tpu.vector_load %arg5[%get3A, %get3A_83] {strides = array<i32>} : memref<64x512xi16, #tpu.memory_space<vmem>>, vector<32xi16>,
      %unpack3A = tpu.unpack_subelements %get3A_84, 0 {pack_format = #tpu.pack_format<interleaved>} : vector<32xi16> -> vector<16xi32>
      %unpack3A_85 = tpu.unpack_subelements %get3A_84, 1 {pack_format = #tpu.pack_format<interleaved>} : vector<32xi16> -> vector<16xi32>
      %lt3A_86 = arith.constant 16384 : i32
      %lt3A_87 = vector.broadcast %lt3A_86 : i32 to vector<16xi32>
      %lt3A_88 = arith.cmpi slt, %unpack3A, %lt3A_87 : vector<16xi32>
      tpu.vector_store_idx %arg7[%unpack3A], %broadcast_in_dim3A_38 masked %lt3A_88 {add = true} : memref<16384xf32, #tpu.memory_space<vmem>>[vector<16xi32>], vector<16xf32>, vector<16xi1>
      %lt3A_89 = arith.constant 16384 : i32
      %lt3A_90 = vector.broadcast %lt3A_89 : i32 to vector<16xi32>
      %lt3A_91 = arith.cmpi slt, %unpack3A_85, %lt3A_90 : vector<16xi32>
      tpu.vector_store_idx %arg7[%unpack3A_85], %broadcast_in_dim3A_38 masked %lt3A_91 {add = true} : memref<16384xf32, #tpu.memory_space<vmem>>[vector<16xi32>], vector<16xf32>, vector<16xi1>
      %get3A_92 = arith.index_cast %scan3A_82 : i32 to index
      %get3A_93 = arith.constant 32 : index
      %get3A_94 = tpu.vector_load %arg5[%get3A_92, %get3A_93] {strides = array<i32>} : memref<64x512xi16, #tpu.memory_space<vmem>>, vector<32xi16>,
      %unpack3A_95 = tpu.unpack_subelements %get3A_94, 0 {pack_format = #tpu.pack_format<interleaved>} : vector<32xi16> -> vector<16xi32>
      %unpack3A_96 = tpu.unpack_subelements %get3A_94, 1 {pack_format = #tpu.pack_format<interleaved>} : vector<32xi16> -> vector<16xi32>
      %lt3A_97 = arith.constant 16384 : i32
      %lt3A_98 = vector.broadcast %lt3A_97 : i32 to vector<16xi32>
      %lt3A_99 = arith.cmpi slt, %unpack3A_95, %lt3A_98 : vector<16xi32>
      tpu.vector_store_idx %arg7[%unpack3A_95], %broadcast_in_dim3A_38 masked %lt3A_99 {add = true} : memref<16384xf32, #tpu.memory_space<vmem>>[vector<16xi32>], vector<16xf32>, vector<16xi1>
      %lt3A_100 = arith.constant 16384 : i32
      %lt3A_101 = vector.broadcast %lt3A_100 : i32 to vector<16xi32>
      %lt3A_102 = arith.cmpi slt, %unpack3A_96, %lt3A_101 : vector<16xi32>
      tpu.vector_store_idx %arg7[%unpack3A_96], %broadcast_in_dim3A_38 masked %lt3A_102 {add = true} : memref<16384xf32, #tpu.memory_space<vmem>>[vector<16xi32>], vector<16xf32>, vector<16xi1>
      %get3A_103 = arith.index_cast %scan3A_82 : i32 to index
      %get3A_104 = arith.constant 64 : index
      %get3A_105 = tpu.vector_load %arg5[%get3A_103, %get3A_104] {strides = array<i32>} : memref<64x512xi16, #tpu.memory_space<vmem>>, vector<32xi16>,
      %unpack3A_106 = tpu.unpack_subelements %get3A_105, 0 {pack_format = #tpu.pack_format<interleaved>} : vector<32xi16> -> vector<16xi32>
      %unpack3A_107 = tpu.unpack_subelements %get3A_105, 1 {pack_format = #tpu.pack_format<interleaved>} : vector<32xi16> -> vector<16xi32>
      %lt3A_108 = arith.constant 16384 : i32
      %lt3A_109 = vector.broadcast %lt3A_108 : i32 to vector<16xi32>
      %lt3A_110 = arith.cmpi slt, %unpack3A_106, %lt3A_109 : vector<16xi32>
      tpu.vector_store_idx %arg7[%unpack3A_106], %broadcast_in_dim3A_38 masked %lt3A_110 {add = true} : memref<16384xf32, #tpu.memory_space<vmem>>[vector<16xi32>], vector<16xf32>, vector<16xi1>
      %lt3A_111 = arith.constant 16384 : i32
      %lt3A_112 = vector.broadcast %lt3A_111 : i32 to vector<16xi32>
      %lt3A_113 = arith.cmpi slt, %unpack3A_107, %lt3A_112 : vector<16xi32>
      tpu.vector_store_idx %arg7[%unpack3A_107], %broadcast_in_dim3A_38 masked %lt3A_113 {add = true} : memref<16384xf32, #tpu.memory_space<vmem>>[vector<16xi32>], vector<16xf32>, vector<16xi1>
      %get3A_114 = arith.index_cast %scan3A_82 : i32 to index
      %get3A_115 = arith.constant 96 : index
      %get3A_116 = tpu.vector_load %arg5[%get3A_114, %get3A_115] {strides = array<i32>} : memref<64x512xi16, #tpu.memory_space<vmem>>, vector<32xi16>,
      %unpack3A_117 = tpu.unpack_subelements %get3A_116, 0 {pack_format = #tpu.pack_format<interleaved>} : vector<32xi16> -> vector<16xi32>
      %unpack3A_118 = tpu.unpack_subelements %get3A_116, 1 {pack_format = #tpu.pack_format<interleaved>} : vector<32xi16> -> vector<16xi32>
      %lt3A_119 = arith.constant 16384 : i32
      %lt3A_120 = vector.broadcast %lt3A_119 : i32 to vector<16xi32>
      %lt3A_121 = arith.cmpi slt, %unpack3A_117, %lt3A_120 : vector<16xi32>
      tpu.vector_store_idx %arg7[%unpack3A_117], %broadcast_in_dim3A_38 masked %lt3A_121 {add = true} : memref<16384xf32, #tpu.memory_space<vmem>>[vector<16xi32>], vector<16xf32>, vector<16xi1>
      %lt3A_122 = arith.constant 16384 : i32
      %lt3A_123 = vector.broadcast %lt3A_122 : i32 to vector<16xi32>
      %lt3A_124 = arith.cmpi slt, %unpack3A_118, %lt3A_123 : vector<16xi32>
      tpu.vector_store_idx %arg7[%unpack3A_118], %broadcast_in_dim3A_38 masked %lt3A_124 {add = true} : memref<16384xf32, #tpu.memory_space<vmem>>[vector<16xi32>], vector<16xf32>, vector<16xi1>
      %get3A_125 = arith.index_cast %scan3A_82 : i32 to index
      %get3A_126 = arith.constant 128 : index
      %get3A_127 = tpu.vector_load %arg5[%get3A_125, %get3A_126] {strides = array<i32>} : memref<64x512xi16, #tpu.memory_space<vmem>>, vector<32xi16>,
      %unpack3A_128 = tpu.unpack_subelements %get3A_127, 0 {pack_format = #tpu.pack_format<interleaved>} : vector<32xi16> -> vector<16xi32>
      %unpack3A_129 = tpu.unpack_subelements %get3A_127, 1 {pack_format = #tpu.pack_format<interleaved>} : vector<32xi16> -> vector<16xi32>
      %lt3A_130 = arith.constant 16384 : i32
      %lt3A_131 = vector.broadcast %lt3A_130 : i32 to vector<16xi32>
      %lt3A_132 = arith.cmpi slt, %unpack3A_128, %lt3A_131 : vector<16xi32>
      tpu.vector_store_idx %arg7[%unpack3A_128], %broadcast_in_dim3A_38 masked %lt3A_132 {add = true} : memref<16384xf32, #tpu.memory_space<vmem>>[vector<16xi32>], vector<16xf32>, vector<16xi1>
      %lt3A_133 = arith.constant 16384 : i32
      %lt3A_134 = vector.broadcast %lt3A_133 : i32 to vector<16xi32>
      %lt3A_135 = arith.cmpi slt, %unpack3A_129, %lt3A_134 : vector<16xi32>
      tpu.vector_store_idx %arg7[%unpack3A_129], %broadcast_in_dim3A_38 masked %lt3A_135 {add = true} : memref<16384xf32, #tpu.memory_space<vmem>>[vector<16xi32>], vector<16xf32>, vector<16xi1>
      %get3A_136 = arith.index_cast %scan3A_82 : i32 to index
      %get3A_137 = arith.constant 160 : index
      %get3A_138 = tpu.vector_load %arg5[%get3A_136, %get3A_137] {strides = array<i32>} : memref<64x512xi16, #tpu.memory_space<vmem>>, vector<32xi16>,
      %unpack3A_139 = tpu.unpack_subelements %get3A_138, 0 {pack_format = #tpu.pack_format<interleaved>} : vector<32xi16> -> vector<16xi32>
      %unpack3A_140 = tpu.unpack_subelements %get3A_138, 1 {pack_format = #tpu.pack_format<interleaved>} : vector<32xi16> -> vector<16xi32>
      %lt3A_141 = arith.constant 16384 : i32
      %lt3A_142 = vector.broadcast %lt3A_141 : i32 to vector<16xi32>
      %lt3A_143 = arith.cmpi slt, %unpack3A_139, %lt3A_142 : vector<16xi32>
      tpu.vector_store_idx %arg7[%unpack3A_139], %broadcast_in_dim3A_38 masked %lt3A_143 {add = true} : memref<16384xf32, #tpu.memory_space<vmem>>[vector<16xi32>], vector<16xf32>, vector<16xi1>
      %lt3A_144 = arith.constant 16384 : i32
      %lt3A_145 = vector.broadcast %lt3A_144 : i32 to vector<16xi32>
      %lt3A_146 = arith.cmpi slt, %unpack3A_140, %lt3A_145 : vector<16xi32>
      tpu.vector_store_idx %arg7[%unpack3A_140], %broadcast_in_dim3A_38 masked %lt3A_146 {add = true} : memref<16384xf32, #tpu.memory_space<vmem>>[vector<16xi32>], vector<16xf32>, vector<16xi1>
      %get3A_147 = arith.index_cast %scan3A_82 : i32 to index
      %get3A_148 = arith.constant 192 : index
      %get3A_149 = tpu.vector_load %arg5[%get3A_147, %get3A_148] {strides = array<i32>} : memref<64x512xi16, #tpu.memory_space<vmem>>, vector<32xi16>,
      %unpack3A_150 = tpu.unpack_subelements %get3A_149, 0 {pack_format = #tpu.pack_format<interleaved>} : vector<32xi16> -> vector<16xi32>
      %unpack3A_151 = tpu.unpack_subelements %get3A_149, 1 {pack_format = #tpu.pack_format<interleaved>} : vector<32xi16> -> vector<16xi32>
      %lt3A_152 = arith.constant 16384 : i32
      %lt3A_153 = vector.broadcast %lt3A_152 : i32 to vector<16xi32>
      %lt3A_154 = arith.cmpi slt, %unpack3A_150, %lt3A_153 : vector<16xi32>
      tpu.vector_store_idx %arg7[%unpack3A_150], %broadcast_in_dim3A_38 masked %lt3A_154 {add = true} : memref<16384xf32, #tpu.memory_space<vmem>>[vector<16xi32>], vector<16xf32>, vector<16xi1>
      %lt3A_155 = arith.constant 16384 : i32
      %lt3A_156 = vector.broadcast %lt3A_155 : i32 to vector<16xi32>
      %lt3A_157 = arith.cmpi slt, %unpack3A_151, %lt3A_156 : vector<16xi32>
      tpu.vector_store_idx %arg7[%unpack3A_151], %broadcast_in_dim3A_38 masked %lt3A_157 {add = true} : memref<16384xf32, #tpu.memory_space<vmem>>[vector<16xi32>], vector<16xf32>, vector<16xi1>
      %get3A_158 = arith.index_cast %scan3A_82 : i32 to index
      %get3A_159 = arith.constant 224 : index
      %get3A_160 = tpu.vector_load %arg5[%get3A_158, %get3A_159] {strides = array<i32>} : memref<64x512xi16, #tpu.memory_space<vmem>>, vector<32xi16>,
      %unpack3A_161 = tpu.unpack_subelements %get3A_160, 0 {pack_format = #tpu.pack_format<interleaved>} : vector<32xi16> -> vector<16xi32>
      %unpack3A_162 = tpu.unpack_subelements %get3A_160, 1 {pack_format = #tpu.pack_format<interleaved>} : vector<32xi16> -> vector<16xi32>
      %lt3A_163 = arith.constant 16384 : i32
      %lt3A_164 = vector.broadcast %lt3A_163 : i32 to vector<16xi32>
      %lt3A_165 = arith.cmpi slt, %unpack3A_161, %lt3A_164 : vector<16xi32>
      tpu.vector_store_idx %arg7[%unpack3A_161], %broadcast_in_dim3A_38 masked %lt3A_165 {add = true} : memref<16384xf32, #tpu.memory_space<vmem>>[vector<16xi32>], vector<16xf32>, vector<16xi1>
      %lt3A_166 = arith.constant 16384 : i32
      %lt3A_167 = vector.broadcast %lt3A_166 : i32 to vector<16xi32>
      %lt3A_168 = arith.cmpi slt, %unpack3A_162, %lt3A_167 : vector<16xi32>
      tpu.vector_store_idx %arg7[%unpack3A_162], %broadcast_in_dim3A_38 masked %lt3A_168 {add = true} : memref<16384xf32, #tpu.memory_space<vmem>>[vector<16xi32>], vector<16xf32>, vector<16xi1>
      %get3A_169 = arith.index_cast %scan3A_82 : i32 to index
      %get3A_170 = arith.constant 256 : index
      %get3A_171 = tpu.vector_load %arg5[%get3A_169, %get3A_170] {strides = array<i32>} : memref<64x512xi16, #tpu.memory_space<vmem>>, vector<32xi16>,
      %unpack3A_172 = tpu.unpack_subelements %get3A_171, 0 {pack_format = #tpu.pack_format<interleaved>} : vector<32xi16> -> vector<16xi32>
      %unpack3A_173 = tpu.unpack_subelements %get3A_171, 1 {pack_format = #tpu.pack_format<interleaved>} : vector<32xi16> -> vector<16xi32>
      %lt3A_174 = arith.constant 16384 : i32
      %lt3A_175 = vector.broadcast %lt3A_174 : i32 to vector<16xi32>
      %lt3A_176 = arith.cmpi slt, %unpack3A_172, %lt3A_175 : vector<16xi32>
      tpu.vector_store_idx %arg7[%unpack3A_172], %broadcast_in_dim3A_38 masked %lt3A_176 {add = true} : memref<16384xf32, #tpu.memory_space<vmem>>[vector<16xi32>], vector<16xf32>, vector<16xi1>
      %lt3A_177 = arith.constant 16384 : i32
      %lt3A_178 = vector.broadcast %lt3A_177 : i32 to vector<16xi32>
      %lt3A_179 = arith.cmpi slt, %unpack3A_173, %lt3A_178 : vector<16xi32>
      tpu.vector_store_idx %arg7[%unpack3A_173], %broadcast_in_dim3A_38 masked %lt3A_179 {add = true} : memref<16384xf32, #tpu.memory_space<vmem>>[vector<16xi32>], vector<16xf32>, vector<16xi1>
      %get3A_180 = arith.index_cast %scan3A_82 : i32 to index
      %get3A_181 = arith.constant 288 : index
      %get3A_182 = tpu.vector_load %arg5[%get3A_180, %get3A_181] {strides = array<i32>} : memref<64x512xi16, #tpu.memory_space<vmem>>, vector<32xi16>,
      %unpack3A_183 = tpu.unpack_subelements %get3A_182, 0 {pack_format = #tpu.pack_format<interleaved>} : vector<32xi16> -> vector<16xi32>
      %unpack3A_184 = tpu.unpack_subelements %get3A_182, 1 {pack_format = #tpu.pack_format<interleaved>} : vector<32xi16> -> vector<16xi32>
      %lt3A_185 = arith.constant 16384 : i32
      %lt3A_186 = vector.broadcast %lt3A_185 : i32 to vector<16xi32>
      %lt3A_187 = arith.cmpi slt, %unpack3A_183, %lt3A_186 : vector<16xi32>
      tpu.vector_store_idx %arg7[%unpack3A_183], %broadcast_in_dim3A_38 masked %lt3A_187 {add = true} : memref<16384xf32, #tpu.memory_space<vmem>>[vector<16xi32>], vector<16xf32>, vector<16xi1>
      %lt3A_188 = arith.constant 16384 : i32
      %lt3A_189 = vector.broadcast %lt3A_188 : i32 to vector<16xi32>
      %lt3A_190 = arith.cmpi slt, %unpack3A_184, %lt3A_189 : vector<16xi32>
      tpu.vector_store_idx %arg7[%unpack3A_184], %broadcast_in_dim3A_38 masked %lt3A_190 {add = true} : memref<16384xf32, #tpu.memory_space<vmem>>[vector<16xi32>], vector<16xf32>, vector<16xi1>
      %get3A_191 = arith.index_cast %scan3A_82 : i32 to index
      %get3A_192 = arith.constant 320 : index
      %get3A_193 = tpu.vector_load %arg5[%get3A_191, %get3A_192] {strides = array<i32>} : memref<64x512xi16, #tpu.memory_space<vmem>>, vector<32xi16>,
      %unpack3A_194 = tpu.unpack_subelements %get3A_193, 0 {pack_format = #tpu.pack_format<interleaved>} : vector<32xi16> -> vector<16xi32>
      %unpack3A_195 = tpu.unpack_subelements %get3A_193, 1 {pack_format = #tpu.pack_format<interleaved>} : vector<32xi16> -> vector<16xi32>
      %lt3A_196 = arith.constant 16384 : i32
      %lt3A_197 = vector.broadcast %lt3A_196 : i32 to vector<16xi32>
      %lt3A_198 = arith.cmpi slt, %unpack3A_194, %lt3A_197 : vector<16xi32>
      tpu.vector_store_idx %arg7[%unpack3A_194], %broadcast_in_dim3A_38 masked %lt3A_198 {add = true} : memref<16384xf32, #tpu.memory_space<vmem>>[vector<16xi32>], vector<16xf32>, vector<16xi1>
      %lt3A_199 = arith.constant 16384 : i32
      %lt3A_200 = vector.broadcast %lt3A_199 : i32 to vector<16xi32>
      %lt3A_201 = arith.cmpi slt, %unpack3A_195, %lt3A_200 : vector<16xi32>
      tpu.vector_store_idx %arg7[%unpack3A_195], %broadcast_in_dim3A_38 masked %lt3A_201 {add = true} : memref<16384xf32, #tpu.memory_space<vmem>>[vector<16xi32>], vector<16xf32>, vector<16xi1>
      %get3A_202 = arith.index_cast %scan3A_82 : i32 to index
      %get3A_203 = arith.constant 352 : index
      %get3A_204 = tpu.vector_load %arg5[%get3A_202, %get3A_203] {strides = array<i32>} : memref<64x512xi16, #tpu.memory_space<vmem>>, vector<32xi16>,
      %unpack3A_205 = tpu.unpack_subelements %get3A_204, 0 {pack_format = #tpu.pack_format<interleaved>} : vector<32xi16> -> vector<16xi32>
      %unpack3A_206 = tpu.unpack_subelements %get3A_204, 1 {pack_format = #tpu.pack_format<interleaved>} : vector<32xi16> -> vector<16xi32>
      %lt3A_207 = arith.constant 16384 : i32
      %lt3A_208 = vector.broadcast %lt3A_207 : i32 to vector<16xi32>
      %lt3A_209 = arith.cmpi slt, %unpack3A_205, %lt3A_208 : vector<16xi32>
      tpu.vector_store_idx %arg7[%unpack3A_205], %broadcast_in_dim3A_38 masked %lt3A_209 {add = true} : memref<16384xf32, #tpu.memory_space<vmem>>[vector<16xi32>], vector<16xf32>, vector<16xi1>
      %lt3A_210 = arith.constant 16384 : i32
      %lt3A_211 = vector.broadcast %lt3A_210 : i32 to vector<16xi32>
      %lt3A_212 = arith.cmpi slt, %unpack3A_206, %lt3A_211 : vector<16xi32>
      tpu.vector_store_idx %arg7[%unpack3A_206], %broadcast_in_dim3A_38 masked %lt3A_212 {add = true} : memref<16384xf32, #tpu.memory_space<vmem>>[vector<16xi32>], vector<16xf32>, vector<16xi1>
      %get3A_213 = arith.index_cast %scan3A_82 : i32 to index
      %get3A_214 = arith.constant 384 : index
      %get3A_215 = tpu.vector_load %arg5[%get3A_213, %get3A_214] {strides = array<i32>} : memref<64x512xi16, #tpu.memory_space<vmem>>, vector<32xi16>,
      %unpack3A_216 = tpu.unpack_subelements %get3A_215, 0 {pack_format = #tpu.pack_format<interleaved>} : vector<32xi16> -> vector<16xi32>
      %unpack3A_217 = tpu.unpack_subelements %get3A_215, 1 {pack_format = #tpu.pack_format<interleaved>} : vector<32xi16> -> vector<16xi32>
      %lt3A_218 = arith.constant 16384 : i32
      %lt3A_219 = vector.broadcast %lt3A_218 : i32 to vector<16xi32>
      %lt3A_220 = arith.cmpi slt, %unpack3A_216, %lt3A_219 : vector<16xi32>
      tpu.vector_store_idx %arg7[%unpack3A_216], %broadcast_in_dim3A_38 masked %lt3A_220 {add = true} : memref<16384xf32, #tpu.memory_space<vmem>>[vector<16xi32>], vector<16xf32>, vector<16xi1>
      %lt3A_221 = arith.constant 16384 : i32
      %lt3A_222 = vector.broadcast %lt3A_221 : i32 to vector<16xi32>
      %lt3A_223 = arith.cmpi slt, %unpack3A_217, %lt3A_222 : vector<16xi32>
      tpu.vector_store_idx %arg7[%unpack3A_217], %broadcast_in_dim3A_38 masked %lt3A_223 {add = true} : memref<16384xf32, #tpu.memory_space<vmem>>[vector<16xi32>], vector<16xf32>, vector<16xi1>
      %get3A_224 = arith.index_cast %scan3A_82 : i32 to index
      %get3A_225 = arith.constant 416 : index
      %get3A_226 = tpu.vector_load %arg5[%get3A_224, %get3A_225] {strides = array<i32>} : memref<64x512xi16, #tpu.memory_space<vmem>>, vector<32xi16>,
      %unpack3A_227 = tpu.unpack_subelements %get3A_226, 0 {pack_format = #tpu.pack_format<interleaved>} : vector<32xi16> -> vector<16xi32>
      %unpack3A_228 = tpu.unpack_subelements %get3A_226, 1 {pack_format = #tpu.pack_format<interleaved>} : vector<32xi16> -> vector<16xi32>
      %lt3A_229 = arith.constant 16384 : i32
      %lt3A_230 = vector.broadcast %lt3A_229 : i32 to vector<16xi32>
      %lt3A_231 = arith.cmpi slt, %unpack3A_227, %lt3A_230 : vector<16xi32>
      tpu.vector_store_idx %arg7[%unpack3A_227], %broadcast_in_dim3A_38 masked %lt3A_231 {add = true} : memref<16384xf32, #tpu.memory_space<vmem>>[vector<16xi32>], vector<16xf32>, vector<16xi1>
      %lt3A_232 = arith.constant 16384 : i32
      %lt3A_233 = vector.broadcast %lt3A_232 : i32 to vector<16xi32>
      %lt3A_234 = arith.cmpi slt, %unpack3A_228, %lt3A_233 : vector<16xi32>
      tpu.vector_store_idx %arg7[%unpack3A_228], %broadcast_in_dim3A_38 masked %lt3A_234 {add = true} : memref<16384xf32, #tpu.memory_space<vmem>>[vector<16xi32>], vector<16xf32>, vector<16xi1>
      %get3A_235 = arith.index_cast %scan3A_82 : i32 to index
      %get3A_236 = arith.constant 448 : index
      %get3A_237 = tpu.vector_load %arg5[%get3A_235, %get3A_236] {strides = array<i32>} : memref<64x512xi16, #tpu.memory_space<vmem>>, vector<32xi16>,
      %unpack3A_238 = tpu.unpack_subelements %get3A_237, 0 {pack_format = #tpu.pack_format<interleaved>} : vector<32xi16> -> vector<16xi32>
      %unpack3A_239 = tpu.unpack_subelements %get3A_237, 1 {pack_format = #tpu.pack_format<interleaved>} : vector<32xi16> -> vector<16xi32>
      %lt3A_240 = arith.constant 16384 : i32
      %lt3A_241 = vector.broadcast %lt3A_240 : i32 to vector<16xi32>
      %lt3A_242 = arith.cmpi slt, %unpack3A_238, %lt3A_241 : vector<16xi32>
      tpu.vector_store_idx %arg7[%unpack3A_238], %broadcast_in_dim3A_38 masked %lt3A_242 {add = true} : memref<16384xf32, #tpu.memory_space<vmem>>[vector<16xi32>], vector<16xf32>, vector<16xi1>
      %lt3A_243 = arith.constant 16384 : i32
      %lt3A_244 = vector.broadcast %lt3A_243 : i32 to vector<16xi32>
      %lt3A_245 = arith.cmpi slt, %unpack3A_239, %lt3A_244 : vector<16xi32>
      tpu.vector_store_idx %arg7[%unpack3A_239], %broadcast_in_dim3A_38 masked %lt3A_245 {add = true} : memref<16384xf32, #tpu.memory_space<vmem>>[vector<16xi32>], vector<16xf32>, vector<16xi1>
      %get3A_246 = arith.index_cast %scan3A_82 : i32 to index
      %get3A_247 = arith.constant 480 : index
      %get3A_248 = tpu.vector_load %arg5[%get3A_246, %get3A_247] {strides = array<i32>} : memref<64x512xi16, #tpu.memory_space<vmem>>, vector<32xi16>,
      %unpack3A_249 = tpu.unpack_subelements %get3A_248, 0 {pack_format = #tpu.pack_format<interleaved>} : vector<32xi16> -> vector<16xi32>
      %unpack3A_250 = tpu.unpack_subelements %get3A_248, 1 {pack_format = #tpu.pack_format<interleaved>} : vector<32xi16> -> vector<16xi32>
      %lt3A_251 = arith.constant 16384 : i32
      %lt3A_252 = vector.broadcast %lt3A_251 : i32 to vector<16xi32>
      %lt3A_253 = arith.cmpi slt, %unpack3A_249, %lt3A_252 : vector<16xi32>
      tpu.vector_store_idx %arg7[%unpack3A_249], %broadcast_in_dim3A_38 masked %lt3A_253 {add = true} : memref<16384xf32, #tpu.memory_space<vmem>>[vector<16xi32>], vector<16xf32>, vector<16xi1>
      %lt3A_254 = arith.constant 16384 : i32
      %lt3A_255 = vector.broadcast %lt3A_254 : i32 to vector<16xi32>
      %lt3A_256 = arith.cmpi slt, %unpack3A_250, %lt3A_255 : vector<16xi32>
      tpu.vector_store_idx %arg7[%unpack3A_250], %broadcast_in_dim3A_38 masked %lt3A_256 {add = true} : memref<16384xf32, #tpu.memory_space<vmem>>[vector<16xi32>], vector<16xf32>, vector<16xi1>
    }
    %scan3A_64 = arith.constant 64 : i32
    %dma_wait3A_65 = arith.constant 0 : i32
    %dma_wait3A_66 = tpu.memref_slice %arg2[%select_n3A, %add3A_47, %dma_wait3A_65] : memref<8x512x512xi16, #tpu.memory_space<hbm>> -> memref<1x64x512xi16, #tpu.memory_space<hbm>>
    %dma_wait3A_67 = tpu.memref_squeeze %dma_wait3A_66 : memref<1x64x512xi16, #tpu.memory_space<hbm>> -> memref<64x512xi16, #tpu.memory_space<hbm>>
    %dma_wait3A_68 = arith.constant 0 : i32
    %dma_wait3A_69 = tpu.memref_slice %arg2[%select_n3A, %add3A_47, %dma_wait3A_68] : memref<8x512x512xi16, #tpu.memory_space<hbm>> -> memref<1x64x512xi16, #tpu.memory_space<hbm>>
    %dma_wait3A_70 = tpu.memref_squeeze %dma_wait3A_69 : memref<1x64x512xi16, #tpu.memory_space<hbm>> -> memref<64x512xi16, #tpu.memory_space<hbm>>
    tpu.wait_dma2 semaphore(%arg13 : memref<!tpu.dma_semaphore, #tpu.memory_space<semaphore_mem>>) src(%dma_wait3A_70 : memref<64x512xi16, #tpu.memory_space<hbm>>) dst(%arg6 : memref<64x512xi16, #tpu.memory_space<vmem>>)
    %scan3A_71 = arith.constant 0 : i32
    %scan3A_72 = arith.constant 0 : i32
    %scan3A_73 = arith.constant 64 : i32
    %scan3A_74 = arith.addi %scan3A_72, %scan3A_73 : i32
    %scan3A_75 = arith.constant 1 : i32
    scf.for %scan3A_82 = %scan3A_72 to %scan3A_74 step %scan3A_75  : i32 {
      %get3A = arith.index_cast %scan3A_82 : i32 to index
      %get3A_83 = arith.constant 0 : index
      %get3A_84 = tpu.vector_load %arg6[%get3A, %get3A_83] {strides = array<i32>} : memref<64x512xi16, #tpu.memory_space<vmem>>, vector<32xi16>,
      %unpack3A = tpu.unpack_subelements %get3A_84, 0 {pack_format = #tpu.pack_format<interleaved>} : vector<32xi16> -> vector<16xi32>
      %unpack3A_85 = tpu.unpack_subelements %get3A_84, 1 {pack_format = #tpu.pack_format<interleaved>} : vector<32xi16> -> vector<16xi32>
      %lt3A_86 = arith.constant 16384 : i32
      %lt3A_87 = vector.broadcast %lt3A_86 : i32 to vector<16xi32>
      %lt3A_88 = arith.cmpi slt, %unpack3A, %lt3A_87 : vector<16xi32>
      tpu.vector_store_idx %arg7[%unpack3A], %broadcast_in_dim3A_38 masked %lt3A_88 {add = true} : memref<16384xf32, #tpu.memory_space<vmem>>[vector<16xi32>], vector<16xf32>, vector<16xi1>
      %lt3A_89 = arith.constant 16384 : i32
      %lt3A_90 = vector.broadcast %lt3A_89 : i32 to vector<16xi32>
      %lt3A_91 = arith.cmpi slt, %unpack3A_85, %lt3A_90 : vector<16xi32>
      tpu.vector_store_idx %arg7[%unpack3A_85], %broadcast_in_dim3A_38 masked %lt3A_91 {add = true} : memref<16384xf32, #tpu.memory_space<vmem>>[vector<16xi32>], vector<16xf32>, vector<16xi1>
      %get3A_92 = arith.index_cast %scan3A_82 : i32 to index
      %get3A_93 = arith.constant 32 : index
      %get3A_94 = tpu.vector_load %arg6[%get3A_92, %get3A_93] {strides = array<i32>} : memref<64x512xi16, #tpu.memory_space<vmem>>, vector<32xi16>,
      %unpack3A_95 = tpu.unpack_subelements %get3A_94, 0 {pack_format = #tpu.pack_format<interleaved>} : vector<32xi16> -> vector<16xi32>
      %unpack3A_96 = tpu.unpack_subelements %get3A_94, 1 {pack_format = #tpu.pack_format<interleaved>} : vector<32xi16> -> vector<16xi32>
      %lt3A_97 = arith.constant 16384 : i32
      %lt3A_98 = vector.broadcast %lt3A_97 : i32 to vector<16xi32>
      %lt3A_99 = arith.cmpi slt, %unpack3A_95, %lt3A_98 : vector<16xi32>
      tpu.vector_store_idx %arg7[%unpack3A_95], %broadcast_in_dim3A_38 masked %lt3A_99 {add = true} : memref<16384xf32, #tpu.memory_space<vmem>>[vector<16xi32>], vector<16xf32>, vector<16xi1>
      %lt3A_100 = arith.constant 16384 : i32
      %lt3A_101 = vector.broadcast %lt3A_100 : i32 to vector<16xi32>
      %lt3A_102 = arith.cmpi slt, %unpack3A_96, %lt3A_101 : vector<16xi32>
      tpu.vector_store_idx %arg7[%unpack3A_96], %broadcast_in_dim3A_38 masked %lt3A_102 {add = true} : memref<16384xf32, #tpu.memory_space<vmem>>[vector<16xi32>], vector<16xf32>, vector<16xi1>
      %get3A_103 = arith.index_cast %scan3A_82 : i32 to index
      %get3A_104 = arith.constant 64 : index
      %get3A_105 = tpu.vector_load %arg6[%get3A_103, %get3A_104] {strides = array<i32>} : memref<64x512xi16, #tpu.memory_space<vmem>>, vector<32xi16>,
      %unpack3A_106 = tpu.unpack_subelements %get3A_105, 0 {pack_format = #tpu.pack_format<interleaved>} : vector<32xi16> -> vector<16xi32>
      %unpack3A_107 = tpu.unpack_subelements %get3A_105, 1 {pack_format = #tpu.pack_format<interleaved>} : vector<32xi16> -> vector<16xi32>
      %lt3A_108 = arith.constant 16384 : i32
      %lt3A_109 = vector.broadcast %lt3A_108 : i32 to vector<16xi32>
      %lt3A_110 = arith.cmpi slt, %unpack3A_106, %lt3A_109 : vector<16xi32>
      tpu.vector_store_idx %arg7[%unpack3A_106], %broadcast_in_dim3A_38 masked %lt3A_110 {add = true} : memref<16384xf32, #tpu.memory_space<vmem>>[vector<16xi32>], vector<16xf32>, vector<16xi1>
      %lt3A_111 = arith.constant 16384 : i32
      %lt3A_112 = vector.broadcast %lt3A_111 : i32 to vector<16xi32>
      %lt3A_113 = arith.cmpi slt, %unpack3A_107, %lt3A_112 : vector<16xi32>
      tpu.vector_store_idx %arg7[%unpack3A_107], %broadcast_in_dim3A_38 masked %lt3A_113 {add = true} : memref<16384xf32, #tpu.memory_space<vmem>>[vector<16xi32>], vector<16xf32>, vector<16xi1>
      %get3A_114 = arith.index_cast %scan3A_82 : i32 to index
      %get3A_115 = arith.constant 96 : index
      %get3A_116 = tpu.vector_load %arg6[%get3A_114, %get3A_115] {strides = array<i32>} : memref<64x512xi16, #tpu.memory_space<vmem>>, vector<32xi16>,
      %unpack3A_117 = tpu.unpack_subelements %get3A_116, 0 {pack_format = #tpu.pack_format<interleaved>} : vector<32xi16> -> vector<16xi32>
      %unpack3A_118 = tpu.unpack_subelements %get3A_116, 1 {pack_format = #tpu.pack_format<interleaved>} : vector<32xi16> -> vector<16xi32>
      %lt3A_119 = arith.constant 16384 : i32
      %lt3A_120 = vector.broadcast %lt3A_119 : i32 to vector<16xi32>
      %lt3A_121 = arith.cmpi slt, %unpack3A_117, %lt3A_120 : vector<16xi32>
      tpu.vector_store_idx %arg7[%unpack3A_117], %broadcast_in_dim3A_38 masked %lt3A_121 {add = true} : memref<16384xf32, #tpu.memory_space<vmem>>[vector<16xi32>], vector<16xf32>, vector<16xi1>
      %lt3A_122 = arith.constant 16384 : i32
      %lt3A_123 = vector.broadcast %lt3A_122 : i32 to vector<16xi32>
      %lt3A_124 = arith.cmpi slt, %unpack3A_118, %lt3A_123 : vector<16xi32>
      tpu.vector_store_idx %arg7[%unpack3A_118], %broadcast_in_dim3A_38 masked %lt3A_124 {add = true} : memref<16384xf32, #tpu.memory_space<vmem>>[vector<16xi32>], vector<16xf32>, vector<16xi1>
      %get3A_125 = arith.index_cast %scan3A_82 : i32 to index
      %get3A_126 = arith.constant 128 : index
      %get3A_127 = tpu.vector_load %arg6[%get3A_125, %get3A_126] {strides = array<i32>} : memref<64x512xi16, #tpu.memory_space<vmem>>, vector<32xi16>,
      %unpack3A_128 = tpu.unpack_subelements %get3A_127, 0 {pack_format = #tpu.pack_format<interleaved>} : vector<32xi16> -> vector<16xi32>
      %unpack3A_129 = tpu.unpack_subelements %get3A_127, 1 {pack_format = #tpu.pack_format<interleaved>} : vector<32xi16> -> vector<16xi32>
      %lt3A_130 = arith.constant 16384 : i32
      %lt3A_131 = vector.broadcast %lt3A_130 : i32 to vector<16xi32>
      %lt3A_132 = arith.cmpi slt, %unpack3A_128, %lt3A_131 : vector<16xi32>
      tpu.vector_store_idx %arg7[%unpack3A_128], %broadcast_in_dim3A_38 masked %lt3A_132 {add = true} : memref<16384xf32, #tpu.memory_space<vmem>>[vector<16xi32>], vector<16xf32>, vector<16xi1>
      %lt3A_133 = arith.constant 16384 : i32
      %lt3A_134 = vector.broadcast %lt3A_133 : i32 to vector<16xi32>
      %lt3A_135 = arith.cmpi slt, %unpack3A_129, %lt3A_134 : vector<16xi32>
      tpu.vector_store_idx %arg7[%unpack3A_129], %broadcast_in_dim3A_38 masked %lt3A_135 {add = true} : memref<16384xf32, #tpu.memory_space<vmem>>[vector<16xi32>], vector<16xf32>, vector<16xi1>
      %get3A_136 = arith.index_cast %scan3A_82 : i32 to index
      %get3A_137 = arith.constant 160 : index
      %get3A_138 = tpu.vector_load %arg6[%get3A_136, %get3A_137] {strides = array<i32>} : memref<64x512xi16, #tpu.memory_space<vmem>>, vector<32xi16>,
      %unpack3A_139 = tpu.unpack_subelements %get3A_138, 0 {pack_format = #tpu.pack_format<interleaved>} : vector<32xi16> -> vector<16xi32>
      %unpack3A_140 = tpu.unpack_subelements %get3A_138, 1 {pack_format = #tpu.pack_format<interleaved>} : vector<32xi16> -> vector<16xi32>
      %lt3A_141 = arith.constant 16384 : i32
      %lt3A_142 = vector.broadcast %lt3A_141 : i32 to vector<16xi32>
      %lt3A_143 = arith.cmpi slt, %unpack3A_139, %lt3A_142 : vector<16xi32>
      tpu.vector_store_idx %arg7[%unpack3A_139], %broadcast_in_dim3A_38 masked %lt3A_143 {add = true} : memref<16384xf32, #tpu.memory_space<vmem>>[vector<16xi32>], vector<16xf32>, vector<16xi1>
      %lt3A_144 = arith.constant 16384 : i32
      %lt3A_145 = vector.broadcast %lt3A_144 : i32 to vector<16xi32>
      %lt3A_146 = arith.cmpi slt, %unpack3A_140, %lt3A_145 : vector<16xi32>
      tpu.vector_store_idx %arg7[%unpack3A_140], %broadcast_in_dim3A_38 masked %lt3A_146 {add = true} : memref<16384xf32, #tpu.memory_space<vmem>>[vector<16xi32>], vector<16xf32>, vector<16xi1>
      %get3A_147 = arith.index_cast %scan3A_82 : i32 to index
      %get3A_148 = arith.constant 192 : index
      %get3A_149 = tpu.vector_load %arg6[%get3A_147, %get3A_148] {strides = array<i32>} : memref<64x512xi16, #tpu.memory_space<vmem>>, vector<32xi16>,
      %unpack3A_150 = tpu.unpack_subelements %get3A_149, 0 {pack_format = #tpu.pack_format<interleaved>} : vector<32xi16> -> vector<16xi32>
      %unpack3A_151 = tpu.unpack_subelements %get3A_149, 1 {pack_format = #tpu.pack_format<interleaved>} : vector<32xi16> -> vector<16xi32>
      %lt3A_152 = arith.constant 16384 : i32
      %lt3A_153 = vector.broadcast %lt3A_152 : i32 to vector<16xi32>
      %lt3A_154 = arith.cmpi slt, %unpack3A_150, %lt3A_153 : vector<16xi32>
      tpu.vector_store_idx %arg7[%unpack3A_150], %broadcast_in_dim3A_38 masked %lt3A_154 {add = true} : memref<16384xf32, #tpu.memory_space<vmem>>[vector<16xi32>], vector<16xf32>, vector<16xi1>
      %lt3A_155 = arith.constant 16384 : i32
      %lt3A_156 = vector.broadcast %lt3A_155 : i32 to vector<16xi32>
      %lt3A_157 = arith.cmpi slt, %unpack3A_151, %lt3A_156 : vector<16xi32>
      tpu.vector_store_idx %arg7[%unpack3A_151], %broadcast_in_dim3A_38 masked %lt3A_157 {add = true} : memref<16384xf32, #tpu.memory_space<vmem>>[vector<16xi32>], vector<16xf32>, vector<16xi1>
      %get3A_158 = arith.index_cast %scan3A_82 : i32 to index
      %get3A_159 = arith.constant 224 : index
      %get3A_160 = tpu.vector_load %arg6[%get3A_158, %get3A_159] {strides = array<i32>} : memref<64x512xi16, #tpu.memory_space<vmem>>, vector<32xi16>,
      %unpack3A_161 = tpu.unpack_subelements %get3A_160, 0 {pack_format = #tpu.pack_format<interleaved>} : vector<32xi16> -> vector<16xi32>
      %unpack3A_162 = tpu.unpack_subelements %get3A_160, 1 {pack_format = #tpu.pack_format<interleaved>} : vector<32xi16> -> vector<16xi32>
      %lt3A_163 = arith.constant 16384 : i32
      %lt3A_164 = vector.broadcast %lt3A_163 : i32 to vector<16xi32>
      %lt3A_165 = arith.cmpi slt, %unpack3A_161, %lt3A_164 : vector<16xi32>
      tpu.vector_store_idx %arg7[%unpack3A_161], %broadcast_in_dim3A_38 masked %lt3A_165 {add = true} : memref<16384xf32, #tpu.memory_space<vmem>>[vector<16xi32>], vector<16xf32>, vector<16xi1>
      %lt3A_166 = arith.constant 16384 : i32
      %lt3A_167 = vector.broadcast %lt3A_166 : i32 to vector<16xi32>
      %lt3A_168 = arith.cmpi slt, %unpack3A_162, %lt3A_167 : vector<16xi32>
      tpu.vector_store_idx %arg7[%unpack3A_162], %broadcast_in_dim3A_38 masked %lt3A_168 {add = true} : memref<16384xf32, #tpu.memory_space<vmem>>[vector<16xi32>], vector<16xf32>, vector<16xi1>
      %get3A_169 = arith.index_cast %scan3A_82 : i32 to index
      %get3A_170 = arith.constant 256 : index
      %get3A_171 = tpu.vector_load %arg6[%get3A_169, %get3A_170] {strides = array<i32>} : memref<64x512xi16, #tpu.memory_space<vmem>>, vector<32xi16>,
      %unpack3A_172 = tpu.unpack_subelements %get3A_171, 0 {pack_format = #tpu.pack_format<interleaved>} : vector<32xi16> -> vector<16xi32>
      %unpack3A_173 = tpu.unpack_subelements %get3A_171, 1 {pack_format = #tpu.pack_format<interleaved>} : vector<32xi16> -> vector<16xi32>
      %lt3A_174 = arith.constant 16384 : i32
      %lt3A_175 = vector.broadcast %lt3A_174 : i32 to vector<16xi32>
      %lt3A_176 = arith.cmpi slt, %unpack3A_172, %lt3A_175 : vector<16xi32>
      tpu.vector_store_idx %arg7[%unpack3A_172], %broadcast_in_dim3A_38 masked %lt3A_176 {add = true} : memref<16384xf32, #tpu.memory_space<vmem>>[vector<16xi32>], vector<16xf32>, vector<16xi1>
      %lt3A_177 = arith.constant 16384 : i32
      %lt3A_178 = vector.broadcast %lt3A_177 : i32 to vector<16xi32>
      %lt3A_179 = arith.cmpi slt, %unpack3A_173, %lt3A_178 : vector<16xi32>
      tpu.vector_store_idx %arg7[%unpack3A_173], %broadcast_in_dim3A_38 masked %lt3A_179 {add = true} : memref<16384xf32, #tpu.memory_space<vmem>>[vector<16xi32>], vector<16xf32>, vector<16xi1>
      %get3A_180 = arith.index_cast %scan3A_82 : i32 to index
      %get3A_181 = arith.constant 288 : index
      %get3A_182 = tpu.vector_load %arg6[%get3A_180, %get3A_181] {strides = array<i32>} : memref<64x512xi16, #tpu.memory_space<vmem>>, vector<32xi16>,
      %unpack3A_183 = tpu.unpack_subelements %get3A_182, 0 {pack_format = #tpu.pack_format<interleaved>} : vector<32xi16> -> vector<16xi32>
      %unpack3A_184 = tpu.unpack_subelements %get3A_182, 1 {pack_format = #tpu.pack_format<interleaved>} : vector<32xi16> -> vector<16xi32>
      %lt3A_185 = arith.constant 16384 : i32
      %lt3A_186 = vector.broadcast %lt3A_185 : i32 to vector<16xi32>
      %lt3A_187 = arith.cmpi slt, %unpack3A_183, %lt3A_186 : vector<16xi32>
      tpu.vector_store_idx %arg7[%unpack3A_183], %broadcast_in_dim3A_38 masked %lt3A_187 {add = true} : memref<16384xf32, #tpu.memory_space<vmem>>[vector<16xi32>], vector<16xf32>, vector<16xi1>
      %lt3A_188 = arith.constant 16384 : i32
      %lt3A_189 = vector.broadcast %lt3A_188 : i32 to vector<16xi32>
      %lt3A_190 = arith.cmpi slt, %unpack3A_184, %lt3A_189 : vector<16xi32>
      tpu.vector_store_idx %arg7[%unpack3A_184], %broadcast_in_dim3A_38 masked %lt3A_190 {add = true} : memref<16384xf32, #tpu.memory_space<vmem>>[vector<16xi32>], vector<16xf32>, vector<16xi1>
      %get3A_191 = arith.index_cast %scan3A_82 : i32 to index
      %get3A_192 = arith.constant 320 : index
      %get3A_193 = tpu.vector_load %arg6[%get3A_191, %get3A_192] {strides = array<i32>} : memref<64x512xi16, #tpu.memory_space<vmem>>, vector<32xi16>,
      %unpack3A_194 = tpu.unpack_subelements %get3A_193, 0 {pack_format = #tpu.pack_format<interleaved>} : vector<32xi16> -> vector<16xi32>
      %unpack3A_195 = tpu.unpack_subelements %get3A_193, 1 {pack_format = #tpu.pack_format<interleaved>} : vector<32xi16> -> vector<16xi32>
      %lt3A_196 = arith.constant 16384 : i32
      %lt3A_197 = vector.broadcast %lt3A_196 : i32 to vector<16xi32>
      %lt3A_198 = arith.cmpi slt, %unpack3A_194, %lt3A_197 : vector<16xi32>
      tpu.vector_store_idx %arg7[%unpack3A_194], %broadcast_in_dim3A_38 masked %lt3A_198 {add = true} : memref<16384xf32, #tpu.memory_space<vmem>>[vector<16xi32>], vector<16xf32>, vector<16xi1>
      %lt3A_199 = arith.constant 16384 : i32
      %lt3A_200 = vector.broadcast %lt3A_199 : i32 to vector<16xi32>
      %lt3A_201 = arith.cmpi slt, %unpack3A_195, %lt3A_200 : vector<16xi32>
      tpu.vector_store_idx %arg7[%unpack3A_195], %broadcast_in_dim3A_38 masked %lt3A_201 {add = true} : memref<16384xf32, #tpu.memory_space<vmem>>[vector<16xi32>], vector<16xf32>, vector<16xi1>
      %get3A_202 = arith.index_cast %scan3A_82 : i32 to index
      %get3A_203 = arith.constant 352 : index
      %get3A_204 = tpu.vector_load %arg6[%get3A_202, %get3A_203] {strides = array<i32>} : memref<64x512xi16, #tpu.memory_space<vmem>>, vector<32xi16>,
      %unpack3A_205 = tpu.unpack_subelements %get3A_204, 0 {pack_format = #tpu.pack_format<interleaved>} : vector<32xi16> -> vector<16xi32>
      %unpack3A_206 = tpu.unpack_subelements %get3A_204, 1 {pack_format = #tpu.pack_format<interleaved>} : vector<32xi16> -> vector<16xi32>
      %lt3A_207 = arith.constant 16384 : i32
      %lt3A_208 = vector.broadcast %lt3A_207 : i32 to vector<16xi32>
      %lt3A_209 = arith.cmpi slt, %unpack3A_205, %lt3A_208 : vector<16xi32>
      tpu.vector_store_idx %arg7[%unpack3A_205], %broadcast_in_dim3A_38 masked %lt3A_209 {add = true} : memref<16384xf32, #tpu.memory_space<vmem>>[vector<16xi32>], vector<16xf32>, vector<16xi1>
      %lt3A_210 = arith.constant 16384 : i32
      %lt3A_211 = vector.broadcast %lt3A_210 : i32 to vector<16xi32>
      %lt3A_212 = arith.cmpi slt, %unpack3A_206, %lt3A_211 : vector<16xi32>
      tpu.vector_store_idx %arg7[%unpack3A_206], %broadcast_in_dim3A_38 masked %lt3A_212 {add = true} : memref<16384xf32, #tpu.memory_space<vmem>>[vector<16xi32>], vector<16xf32>, vector<16xi1>
      %get3A_213 = arith.index_cast %scan3A_82 : i32 to index
      %get3A_214 = arith.constant 384 : index
      %get3A_215 = tpu.vector_load %arg6[%get3A_213, %get3A_214] {strides = array<i32>} : memref<64x512xi16, #tpu.memory_space<vmem>>, vector<32xi16>,
      %unpack3A_216 = tpu.unpack_subelements %get3A_215, 0 {pack_format = #tpu.pack_format<interleaved>} : vector<32xi16> -> vector<16xi32>
      %unpack3A_217 = tpu.unpack_subelements %get3A_215, 1 {pack_format = #tpu.pack_format<interleaved>} : vector<32xi16> -> vector<16xi32>
      %lt3A_218 = arith.constant 16384 : i32
      %lt3A_219 = vector.broadcast %lt3A_218 : i32 to vector<16xi32>
      %lt3A_220 = arith.cmpi slt, %unpack3A_216, %lt3A_219 : vector<16xi32>
      tpu.vector_store_idx %arg7[%unpack3A_216], %broadcast_in_dim3A_38 masked %lt3A_220 {add = true} : memref<16384xf32, #tpu.memory_space<vmem>>[vector<16xi32>], vector<16xf32>, vector<16xi1>
      %lt3A_221 = arith.constant 16384 : i32
      %lt3A_222 = vector.broadcast %lt3A_221 : i32 to vector<16xi32>
      %lt3A_223 = arith.cmpi slt, %unpack3A_217, %lt3A_222 : vector<16xi32>
      tpu.vector_store_idx %arg7[%unpack3A_217], %broadcast_in_dim3A_38 masked %lt3A_223 {add = true} : memref<16384xf32, #tpu.memory_space<vmem>>[vector<16xi32>], vector<16xf32>, vector<16xi1>
      %get3A_224 = arith.index_cast %scan3A_82 : i32 to index
      %get3A_225 = arith.constant 416 : index
      %get3A_226 = tpu.vector_load %arg6[%get3A_224, %get3A_225] {strides = array<i32>} : memref<64x512xi16, #tpu.memory_space<vmem>>, vector<32xi16>,
      %unpack3A_227 = tpu.unpack_subelements %get3A_226, 0 {pack_format = #tpu.pack_format<interleaved>} : vector<32xi16> -> vector<16xi32>
      %unpack3A_228 = tpu.unpack_subelements %get3A_226, 1 {pack_format = #tpu.pack_format<interleaved>} : vector<32xi16> -> vector<16xi32>
      %lt3A_229 = arith.constant 16384 : i32
      %lt3A_230 = vector.broadcast %lt3A_229 : i32 to vector<16xi32>
      %lt3A_231 = arith.cmpi slt, %unpack3A_227, %lt3A_230 : vector<16xi32>
      tpu.vector_store_idx %arg7[%unpack3A_227], %broadcast_in_dim3A_38 masked %lt3A_231 {add = true} : memref<16384xf32, #tpu.memory_space<vmem>>[vector<16xi32>], vector<16xf32>, vector<16xi1>
      %lt3A_232 = arith.constant 16384 : i32
      %lt3A_233 = vector.broadcast %lt3A_232 : i32 to vector<16xi32>
      %lt3A_234 = arith.cmpi slt, %unpack3A_228, %lt3A_233 : vector<16xi32>
      tpu.vector_store_idx %arg7[%unpack3A_228], %broadcast_in_dim3A_38 masked %lt3A_234 {add = true} : memref<16384xf32, #tpu.memory_space<vmem>>[vector<16xi32>], vector<16xf32>, vector<16xi1>
      %get3A_235 = arith.index_cast %scan3A_82 : i32 to index
      %get3A_236 = arith.constant 448 : index
      %get3A_237 = tpu.vector_load %arg6[%get3A_235, %get3A_236] {strides = array<i32>} : memref<64x512xi16, #tpu.memory_space<vmem>>, vector<32xi16>,
      %unpack3A_238 = tpu.unpack_subelements %get3A_237, 0 {pack_format = #tpu.pack_format<interleaved>} : vector<32xi16> -> vector<16xi32>
      %unpack3A_239 = tpu.unpack_subelements %get3A_237, 1 {pack_format = #tpu.pack_format<interleaved>} : vector<32xi16> -> vector<16xi32>
      %lt3A_240 = arith.constant 16384 : i32
      %lt3A_241 = vector.broadcast %lt3A_240 : i32 to vector<16xi32>
      %lt3A_242 = arith.cmpi slt, %unpack3A_238, %lt3A_241 : vector<16xi32>
      tpu.vector_store_idx %arg7[%unpack3A_238], %broadcast_in_dim3A_38 masked %lt3A_242 {add = true} : memref<16384xf32, #tpu.memory_space<vmem>>[vector<16xi32>], vector<16xf32>, vector<16xi1>
      %lt3A_243 = arith.constant 16384 : i32
      %lt3A_244 = vector.broadcast %lt3A_243 : i32 to vector<16xi32>
      %lt3A_245 = arith.cmpi slt, %unpack3A_239, %lt3A_244 : vector<16xi32>
      tpu.vector_store_idx %arg7[%unpack3A_239], %broadcast_in_dim3A_38 masked %lt3A_245 {add = true} : memref<16384xf32, #tpu.memory_space<vmem>>[vector<16xi32>], vector<16xf32>, vector<16xi1>
      %get3A_246 = arith.index_cast %scan3A_82 : i32 to index
      %get3A_247 = arith.constant 480 : index
      %get3A_248 = tpu.vector_load %arg6[%get3A_246, %get3A_247] {strides = array<i32>} : memref<64x512xi16, #tpu.memory_space<vmem>>, vector<32xi16>,
      %unpack3A_249 = tpu.unpack_subelements %get3A_248, 0 {pack_format = #tpu.pack_format<interleaved>} : vector<32xi16> -> vector<16xi32>
      %unpack3A_250 = tpu.unpack_subelements %get3A_248, 1 {pack_format = #tpu.pack_format<interleaved>} : vector<32xi16> -> vector<16xi32>
      %lt3A_251 = arith.constant 16384 : i32
      %lt3A_252 = vector.broadcast %lt3A_251 : i32 to vector<16xi32>
      %lt3A_253 = arith.cmpi slt, %unpack3A_249, %lt3A_252 : vector<16xi32>
      tpu.vector_store_idx %arg7[%unpack3A_249], %broadcast_in_dim3A_38 masked %lt3A_253 {add = true} : memref<16384xf32, #tpu.memory_space<vmem>>[vector<16xi32>], vector<16xf32>, vector<16xi1>
      %lt3A_254 = arith.constant 16384 : i32
      %lt3A_255 = vector.broadcast %lt3A_254 : i32 to vector<16xi32>
      %lt3A_256 = arith.cmpi slt, %unpack3A_250, %lt3A_255 : vector<16xi32>
      tpu.vector_store_idx %arg7[%unpack3A_250], %broadcast_in_dim3A_38 masked %lt3A_256 {add = true} : memref<16384xf32, #tpu.memory_space<vmem>>[vector<16xi32>], vector<16xf32>, vector<16xi1>
    }
    %scan3A_76 = arith.constant 64 : i32
    %mul3A_77 = arith.constant 16384 : i32
    %mul3A_78 = arith.muli %arg1, %mul3A_77 : i32
    "tpu.region"() ({
      %run_scoped3A = tpu.sem_alloc : memref<!tpu.dma_semaphore, #tpu.memory_space<semaphore_mem>>
      %dma_start3A_82 = tpu.memref_slice %arg11[%mul3A_78] : memref<262144xf32, #tpu.memory_space<vmem_shared>> -> memref<16384xf32, #tpu.memory_space<vmem_shared>>
      %dma_start3A_83 = tpu.memref_slice %arg11[%mul3A_78] : memref<262144xf32, #tpu.memory_space<vmem_shared>> -> memref<16384xf32, #tpu.memory_space<vmem_shared>>
      tpu.enqueue_dma source(%arg7 : memref<16384xf32, #tpu.memory_space<vmem>>) target(%dma_start3A_83 : memref<16384xf32, #tpu.memory_space<vmem_shared>>) target_semaphore(%run_scoped3A : memref<!tpu.dma_semaphore, #tpu.memory_space<semaphore_mem>>)
      %dma_wait3A_84 = tpu.memref_slice %arg11[%mul3A_78] : memref<262144xf32, #tpu.memory_space<vmem_shared>> -> memref<16384xf32, #tpu.memory_space<vmem_shared>>
      %dma_wait3A_85 = tpu.memref_slice %arg11[%mul3A_78] : memref<262144xf32, #tpu.memory_space<vmem_shared>> -> memref<16384xf32, #tpu.memory_space<vmem_shared>>
      tpu.wait_dma2 semaphore(%run_scoped3A : memref<!tpu.dma_semaphore, #tpu.memory_space<semaphore_mem>>) src(%arg7 : memref<16384xf32, #tpu.memory_space<vmem>>) dst(%dma_wait3A_85 : memref<16384xf32, #tpu.memory_space<vmem_shared>>)
      tpu.yield
    }) : () -> ()
    %barrier3A = arith.constant 0 : index
    tpu.barrier barrier_id(%barrier3A)
    %lt3A_79 = arith.constant 4 : i32
    %lt3A_80 = arith.cmpi slt, %arg1, %lt3A_79 : i32
    %convert_element_type3A = arith.extui %lt3A_80 : i1 to i32
    %cond3A = arith.constant 0 : i32
    %cond3A_81 = arith.cmpi ne, %convert_element_type3A, %cond3A : i32
    scf.if %cond3A_81 {
      %mul3A_82 = arith.constant 4 : i32
      %mul3A_83 = arith.muli %arg0, %mul3A_82 : i32
      %add3A_84 = arith.addi %mul3A_83, %arg1 : i32
      "tpu.region"() ({
        %run_scoped3A = tpu.sem_alloc : memref<!tpu.dma_semaphore, #tpu.memory_space<semaphore_mem>>
        %dma_start3A_201 = arith.constant 0 : i32
        %dma_start3A_202 = tpu.memref_slice %arg3[%add3A_84, %dma_start3A_201] : memref<8x128xf32, #tpu.memory_space<hbm>> -> memref<1x16xf32, #tpu.memory_space<hbm>>
        %dma_start3A_203 = tpu.memref_squeeze %dma_start3A_202 : memref<1x16xf32, #tpu.memory_space<hbm>> -> memref<16xf32, #tpu.memory_space<hbm>>
        %dma_start3A_204 = arith.constant 0 : i32
        %dma_start3A_205 = tpu.memref_slice %arg3[%add3A_84, %dma_start3A_204] : memref<8x128xf32, #tpu.memory_space<hbm>> -> memref<1x16xf32, #tpu.memory_space<hbm>>
        %dma_start3A_206 = tpu.memref_squeeze %dma_start3A_205 : memref<1x16xf32, #tpu.memory_space<hbm>> -> memref<16xf32, #tpu.memory_space<hbm>>
        tpu.enqueue_dma source(%dma_start3A_206 : memref<16xf32, #tpu.memory_space<hbm>>) target(%arg9 : memref<16xf32, #tpu.memory_space<vmem>>) target_semaphore(%run_scoped3A : memref<!tpu.dma_semaphore, #tpu.memory_space<semaphore_mem>>)
        %dma_wait3A_207 = arith.constant 0 : i32
        %dma_wait3A_208 = tpu.memref_slice %arg3[%add3A_84, %dma_wait3A_207] : memref<8x128xf32, #tpu.memory_space<hbm>> -> memref<1x16xf32, #tpu.memory_space<hbm>>
        %dma_wait3A_209 = tpu.memref_squeeze %dma_wait3A_208 : memref<1x16xf32, #tpu.memory_space<hbm>> -> memref<16xf32, #tpu.memory_space<hbm>>
        %dma_wait3A_210 = arith.constant 0 : i32
        %dma_wait3A_211 = tpu.memref_slice %arg3[%add3A_84, %dma_wait3A_210] : memref<8x128xf32, #tpu.memory_space<hbm>> -> memref<1x16xf32, #tpu.memory_space<hbm>>
        %dma_wait3A_212 = tpu.memref_squeeze %dma_wait3A_211 : memref<1x16xf32, #tpu.memory_space<hbm>> -> memref<16xf32, #tpu.memory_space<hbm>>
        tpu.wait_dma2 semaphore(%run_scoped3A : memref<!tpu.dma_semaphore, #tpu.memory_space<semaphore_mem>>) src(%dma_wait3A_212 : memref<16xf32, #tpu.memory_space<hbm>>) dst(%arg9 : memref<16xf32, #tpu.memory_space<vmem>>)
        tpu.yield
      }) : () -> ()
      %get3A = arith.constant 0 : index
      %get3A_85 = tpu.vector_load %arg9[%get3A] {strides = array<i32>} : memref<16xf32, #tpu.memory_space<vmem>>, vector<16xf32>,
      %iota3A = tpu.iota {dimensions = array<i32: 0>} : vector<16xi32>
      %eq3A_86 = arith.constant 1 : i32
      %eq3A_87 = vector.broadcast %eq3A_86 : i32 to vector<16xi32>
      %eq3A_88 = arith.cmpi eq, %iota3A, %eq3A_87 : vector<16xi32>
      %jit3A_89 = arith.constant 0.000000e+00 : f32
      %broadcast_in_dim3A_90 = vector.broadcast %jit3A_89 : f32 to vector<16xf32>
      %select_n3A_91 = arith.select %eq3A_88, %get3A_85, %broadcast_in_dim3A_90 : vector<16xi1>, vector<16xf32>
      %reduce_sum3A = arith.constant true
      %reduce_sum3A_92 = vector.broadcast %reduce_sum3A : i1 to vector<16xi1>
      %reduce_sum3A_93 = tpu.scan <sum>, %select_n3A_91 masked %reduce_sum3A_92 : vector<16xf32>, vector<16xi1> -> vector<16xf32>
      %reduce_sum3A_94 = vector.extract %reduce_sum3A_93[15] : f32 from vector<16xf32>
      %eq3A_95 = arith.constant 2 : i32
      %eq3A_96 = vector.broadcast %eq3A_95 : i32 to vector<16xi32>
      %eq3A_97 = arith.cmpi eq, %iota3A, %eq3A_96 : vector<16xi32>
      %jit3A_98 = arith.constant 0.000000e+00 : f32
      %broadcast_in_dim3A_99 = vector.broadcast %jit3A_98 : f32 to vector<16xf32>
      %select_n3A_100 = arith.select %eq3A_97, %get3A_85, %broadcast_in_dim3A_99 : vector<16xi1>, vector<16xf32>
      %reduce_sum3A_101 = arith.constant true
      %reduce_sum3A_102 = vector.broadcast %reduce_sum3A_101 : i1 to vector<16xi1>
      %reduce_sum3A_103 = tpu.scan <sum>, %select_n3A_100 masked %reduce_sum3A_102 : vector<16xf32>, vector<16xi1> -> vector<16xf32>
      %reduce_sum3A_104 = vector.extract %reduce_sum3A_103[15] : f32 from vector<16xf32>
      %convert_element_type3A_105 = arith.sitofp %iota3A : vector<16xi32> to vector<16xf32>
      %broadcast_in_dim3A_106 = arith.constant 0.000000e+00 : f32
      %broadcast_in_dim3A_107 = vector.broadcast %broadcast_in_dim3A_106 : f32 to vector<16xf32>
      %mul3A_108 = arith.constant 4 : i32
      %mul3A_109 = arith.muli %mul3A_108, %arg1 : i32
      %add3A_110 = arith.constant 0 : i32
      %add3A_111 = arith.addi %mul3A_109, %add3A_110 : i32
      %mul3A_112 = arith.constant 16384 : i32
      %mul3A_113 = arith.muli %add3A_111, %mul3A_112 : i32
      %add3A_114 = arith.constant 0 : i32
      %add3A_115 = arith.addi %mul3A_113, %add3A_114 : i32
      "tpu.region"() ({
        %run_scoped3A = tpu.sem_alloc : memref<!tpu.dma_semaphore, #tpu.memory_space<semaphore_mem>>
        %dma_start3A_201 = arith.constant 0 : i32
        %dma_start3A_202 = tpu.memref_slice %arg8[%dma_start3A_201] : memref<32768xf32, #tpu.memory_space<vmem>> -> memref<8192xf32, #tpu.memory_space<vmem>>
        %dma_start3A_203 = tpu.memref_slice %arg11[%add3A_115] : memref<262144xf32, #tpu.memory_space<vmem_shared>> -> memref<8192xf32, #tpu.memory_space<vmem_shared>>
        %dma_start3A_204 = arith.constant 0 : i32
        %dma_start3A_205 = tpu.memref_slice %arg8[%dma_start3A_204] : memref<32768xf32, #tpu.memory_space<vmem>> -> memref<8192xf32, #tpu.memory_space<vmem>>
        %dma_start3A_206 = tpu.memref_slice %arg11[%add3A_115] : memref<262144xf32, #tpu.memory_space<vmem_shared>> -> memref<8192xf32, #tpu.memory_space<vmem_shared>>
        tpu.enqueue_dma source(%dma_start3A_206 : memref<8192xf32, #tpu.memory_space<vmem_shared>>) target(%dma_start3A_205 : memref<8192xf32, #tpu.memory_space<vmem>>) target_semaphore(%run_scoped3A : memref<!tpu.dma_semaphore, #tpu.memory_space<semaphore_mem>>)
        %dma_wait3A_207 = arith.constant 0 : i32
        %dma_wait3A_208 = tpu.memref_slice %arg8[%dma_wait3A_207] : memref<32768xf32, #tpu.memory_space<vmem>> -> memref<8192xf32, #tpu.memory_space<vmem>>
        %dma_wait3A_209 = tpu.memref_slice %arg11[%add3A_115] : memref<262144xf32, #tpu.memory_space<vmem_shared>> -> memref<8192xf32, #tpu.memory_space<vmem_shared>>
        %dma_wait3A_210 = arith.constant 0 : i32
        %dma_wait3A_211 = tpu.memref_slice %arg8[%dma_wait3A_210] : memref<32768xf32, #tpu.memory_space<vmem>> -> memref<8192xf32, #tpu.memory_space<vmem>>
        %dma_wait3A_212 = tpu.memref_slice %arg11[%add3A_115] : memref<262144xf32, #tpu.memory_space<vmem_shared>> -> memref<8192xf32, #tpu.memory_space<vmem_shared>>
        tpu.wait_dma2 semaphore(%run_scoped3A : memref<!tpu.dma_semaphore, #tpu.memory_space<semaphore_mem>>) src(%dma_wait3A_212 : memref<8192xf32, #tpu.memory_space<vmem_shared>>) dst(%dma_wait3A_211 : memref<8192xf32, #tpu.memory_space<vmem>>)
        tpu.yield
      }) : () -> ()
      %mul3A_116 = arith.constant 4 : i32
      %mul3A_117 = arith.muli %mul3A_116, %arg1 : i32
      %add3A_118 = arith.constant 1 : i32
      %add3A_119 = arith.addi %mul3A_117, %add3A_118 : i32
      %mul3A_120 = arith.constant 16384 : i32
      %mul3A_121 = arith.muli %add3A_119, %mul3A_120 : i32
      %add3A_122 = arith.constant 0 : i32
      %add3A_123 = arith.addi %mul3A_121, %add3A_122 : i32
      "tpu.region"() ({
        %run_scoped3A = tpu.sem_alloc : memref<!tpu.dma_semaphore, #tpu.memory_space<semaphore_mem>>
        %dma_start3A_201 = arith.constant 8192 : i32
        %dma_start3A_202 = tpu.memref_slice %arg8[%dma_start3A_201] : memref<32768xf32, #tpu.memory_space<vmem>> -> memref<8192xf32, #tpu.memory_space<vmem>>
        %dma_start3A_203 = tpu.memref_slice %arg11[%add3A_123] : memref<262144xf32, #tpu.memory_space<vmem_shared>> -> memref<8192xf32, #tpu.memory_space<vmem_shared>>
        %dma_start3A_204 = arith.constant 8192 : i32
        %dma_start3A_205 = tpu.memref_slice %arg8[%dma_start3A_204] : memref<32768xf32, #tpu.memory_space<vmem>> -> memref<8192xf32, #tpu.memory_space<vmem>>
        %dma_start3A_206 = tpu.memref_slice %arg11[%add3A_123] : memref<262144xf32, #tpu.memory_space<vmem_shared>> -> memref<8192xf32, #tpu.memory_space<vmem_shared>>
        tpu.enqueue_dma source(%dma_start3A_206 : memref<8192xf32, #tpu.memory_space<vmem_shared>>) target(%dma_start3A_205 : memref<8192xf32, #tpu.memory_space<vmem>>) target_semaphore(%run_scoped3A : memref<!tpu.dma_semaphore, #tpu.memory_space<semaphore_mem>>)
        %dma_wait3A_207 = arith.constant 8192 : i32
        %dma_wait3A_208 = tpu.memref_slice %arg8[%dma_wait3A_207] : memref<32768xf32, #tpu.memory_space<vmem>> -> memref<8192xf32, #tpu.memory_space<vmem>>
        %dma_wait3A_209 = tpu.memref_slice %arg11[%add3A_123] : memref<262144xf32, #tpu.memory_space<vmem_shared>> -> memref<8192xf32, #tpu.memory_space<vmem_shared>>
        %dma_wait3A_210 = arith.constant 8192 : i32
        %dma_wait3A_211 = tpu.memref_slice %arg8[%dma_wait3A_210] : memref<32768xf32, #tpu.memory_space<vmem>> -> memref<8192xf32, #tpu.memory_space<vmem>>
        %dma_wait3A_212 = tpu.memref_slice %arg11[%add3A_123] : memref<262144xf32, #tpu.memory_space<vmem_shared>> -> memref<8192xf32, #tpu.memory_space<vmem_shared>>
        tpu.wait_dma2 semaphore(%run_scoped3A : memref<!tpu.dma_semaphore, #tpu.memory_space<semaphore_mem>>) src(%dma_wait3A_212 : memref<8192xf32, #tpu.memory_space<vmem_shared>>) dst(%dma_wait3A_211 : memref<8192xf32, #tpu.memory_space<vmem>>)
        tpu.yield
      }) : () -> ()
      %mul3A_124 = arith.constant 4 : i32
      %mul3A_125 = arith.muli %mul3A_124, %arg1 : i32
      %add3A_126 = arith.constant 2 : i32
      %add3A_127 = arith.addi %mul3A_125, %add3A_126 : i32
      %mul3A_128 = arith.constant 16384 : i32
      %mul3A_129 = arith.muli %add3A_127, %mul3A_128 : i32
      %add3A_130 = arith.constant 0 : i32
      %add3A_131 = arith.addi %mul3A_129, %add3A_130 : i32
      "tpu.region"() ({
        %run_scoped3A = tpu.sem_alloc : memref<!tpu.dma_semaphore, #tpu.memory_space<semaphore_mem>>
        %dma_start3A_201 = arith.constant 16384 : i32
        %dma_start3A_202 = tpu.memref_slice %arg8[%dma_start3A_201] : memref<32768xf32, #tpu.memory_space<vmem>> -> memref<8192xf32, #tpu.memory_space<vmem>>
        %dma_start3A_203 = tpu.memref_slice %arg11[%add3A_131] : memref<262144xf32, #tpu.memory_space<vmem_shared>> -> memref<8192xf32, #tpu.memory_space<vmem_shared>>
        %dma_start3A_204 = arith.constant 16384 : i32
        %dma_start3A_205 = tpu.memref_slice %arg8[%dma_start3A_204] : memref<32768xf32, #tpu.memory_space<vmem>> -> memref<8192xf32, #tpu.memory_space<vmem>>
        %dma_start3A_206 = tpu.memref_slice %arg11[%add3A_131] : memref<262144xf32, #tpu.memory_space<vmem_shared>> -> memref<8192xf32, #tpu.memory_space<vmem_shared>>
        tpu.enqueue_dma source(%dma_start3A_206 : memref<8192xf32, #tpu.memory_space<vmem_shared>>) target(%dma_start3A_205 : memref<8192xf32, #tpu.memory_space<vmem>>) target_semaphore(%run_scoped3A : memref<!tpu.dma_semaphore, #tpu.memory_space<semaphore_mem>>)
        %dma_wait3A_207 = arith.constant 16384 : i32
        %dma_wait3A_208 = tpu.memref_slice %arg8[%dma_wait3A_207] : memref<32768xf32, #tpu.memory_space<vmem>> -> memref<8192xf32, #tpu.memory_space<vmem>>
        %dma_wait3A_209 = tpu.memref_slice %arg11[%add3A_131] : memref<262144xf32, #tpu.memory_space<vmem_shared>> -> memref<8192xf32, #tpu.memory_space<vmem_shared>>
        %dma_wait3A_210 = arith.constant 16384 : i32
        %dma_wait3A_211 = tpu.memref_slice %arg8[%dma_wait3A_210] : memref<32768xf32, #tpu.memory_space<vmem>> -> memref<8192xf32, #tpu.memory_space<vmem>>
        %dma_wait3A_212 = tpu.memref_slice %arg11[%add3A_131] : memref<262144xf32, #tpu.memory_space<vmem_shared>> -> memref<8192xf32, #tpu.memory_space<vmem_shared>>
        tpu.wait_dma2 semaphore(%run_scoped3A : memref<!tpu.dma_semaphore, #tpu.memory_space<semaphore_mem>>) src(%dma_wait3A_212 : memref<8192xf32, #tpu.memory_space<vmem_shared>>) dst(%dma_wait3A_211 : memref<8192xf32, #tpu.memory_space<vmem>>)
        tpu.yield
      }) : () -> ()
      %mul3A_132 = arith.constant 4 : i32
      %mul3A_133 = arith.muli %mul3A_132, %arg1 : i32
      %add3A_134 = arith.constant 3 : i32
      %add3A_135 = arith.addi %mul3A_133, %add3A_134 : i32
      %mul3A_136 = arith.constant 16384 : i32
      %mul3A_137 = arith.muli %add3A_135, %mul3A_136 : i32
      %add3A_138 = arith.constant 0 : i32
      %add3A_139 = arith.addi %mul3A_137, %add3A_138 : i32
      "tpu.region"() ({
        %run_scoped3A = tpu.sem_alloc : memref<!tpu.dma_semaphore, #tpu.memory_space<semaphore_mem>>
        %dma_start3A_201 = arith.constant 24576 : i32
        %dma_start3A_202 = tpu.memref_slice %arg8[%dma_start3A_201] : memref<32768xf32, #tpu.memory_space<vmem>> -> memref<8192xf32, #tpu.memory_space<vmem>>
        %dma_start3A_203 = tpu.memref_slice %arg11[%add3A_139] : memref<262144xf32, #tpu.memory_space<vmem_shared>> -> memref<8192xf32, #tpu.memory_space<vmem_shared>>
        %dma_start3A_204 = arith.constant 24576 : i32
        %dma_start3A_205 = tpu.memref_slice %arg8[%dma_start3A_204] : memref<32768xf32, #tpu.memory_space<vmem>> -> memref<8192xf32, #tpu.memory_space<vmem>>
        %dma_start3A_206 = tpu.memref_slice %arg11[%add3A_139] : memref<262144xf32, #tpu.memory_space<vmem_shared>> -> memref<8192xf32, #tpu.memory_space<vmem_shared>>
        tpu.enqueue_dma source(%dma_start3A_206 : memref<8192xf32, #tpu.memory_space<vmem_shared>>) target(%dma_start3A_205 : memref<8192xf32, #tpu.memory_space<vmem>>) target_semaphore(%run_scoped3A : memref<!tpu.dma_semaphore, #tpu.memory_space<semaphore_mem>>)
        %dma_wait3A_207 = arith.constant 24576 : i32
        %dma_wait3A_208 = tpu.memref_slice %arg8[%dma_wait3A_207] : memref<32768xf32, #tpu.memory_space<vmem>> -> memref<8192xf32, #tpu.memory_space<vmem>>
        %dma_wait3A_209 = tpu.memref_slice %arg11[%add3A_139] : memref<262144xf32, #tpu.memory_space<vmem_shared>> -> memref<8192xf32, #tpu.memory_space<vmem_shared>>
        %dma_wait3A_210 = arith.constant 24576 : i32
        %dma_wait3A_211 = tpu.memref_slice %arg8[%dma_wait3A_210] : memref<32768xf32, #tpu.memory_space<vmem>> -> memref<8192xf32, #tpu.memory_space<vmem>>
        %dma_wait3A_212 = tpu.memref_slice %arg11[%add3A_139] : memref<262144xf32, #tpu.memory_space<vmem_shared>> -> memref<8192xf32, #tpu.memory_space<vmem_shared>>
        tpu.wait_dma2 semaphore(%run_scoped3A : memref<!tpu.dma_semaphore, #tpu.memory_space<semaphore_mem>>) src(%dma_wait3A_212 : memref<8192xf32, #tpu.memory_space<vmem_shared>>) dst(%dma_wait3A_211 : memref<8192xf32, #tpu.memory_space<vmem>>)
        tpu.yield
      }) : () -> ()
      %scan3A_140 = arith.constant 0.000000e+00 : f32
      %scan3A_141 = arith.constant 0 : i32
      %scan3A_142 = arith.constant 512 : i32
      %scan3A_143 = arith.addi %scan3A_141, %scan3A_142 : i32
      %scan3A_144 = arith.constant 8 : i32
      %scan3A_145:2 = scf.for %scan3A_201 = %scan3A_141 to %scan3A_143 step %scan3A_144 iter_args(%scan3A_202 = %scan3A_140, %scan3A_203 = %broadcast_in_dim3A_107) -> (f32, vector<16xf32>)  : i32 {
        %mul3A_204 = arith.constant 16 : i32
        %mul3A_205 = arith.muli %scan3A_201, %mul3A_204 : i32
        %get3A_206 = arith.index_cast %mul3A_205 : i32 to index
        %get3A_207 = tpu.vector_load %arg8[%get3A_206] {strides = array<i32>} : memref<32768xf32, #tpu.memory_space<vmem>>, vector<16xf32>,
        %add3A_208 = arith.constant 8192 : i32
        %add3A_209 = arith.addi %add3A_208, %mul3A_205 : i32
        %get3A_210 = arith.index_cast %add3A_209 : i32 to index
        %get3A_211 = tpu.vector_load %arg8[%get3A_210] {strides = array<i32>} : memref<32768xf32, #tpu.memory_space<vmem>>, vector<16xf32>,
        %add3A_212 = arith.addf %get3A_207, %get3A_211 : vector<16xf32>
        %add3A_213 = arith.constant 16384 : i32
        %add3A_214 = arith.addi %add3A_213, %mul3A_205 : i32
        %get3A_215 = arith.index_cast %add3A_214 : i32 to index
        %get3A_216 = tpu.vector_load %arg8[%get3A_215] {strides = array<i32>} : memref<32768xf32, #tpu.memory_space<vmem>>, vector<16xf32>,
        %add3A_217 = arith.addf %add3A_212, %get3A_216 : vector<16xf32>
        %add3A_218 = arith.constant 24576 : i32
        %add3A_219 = arith.addi %add3A_218, %mul3A_205 : i32
        %get3A_220 = arith.index_cast %add3A_219 : i32 to index
        %get3A_221 = tpu.vector_load %arg8[%get3A_220] {strides = array<i32>} : memref<32768xf32, #tpu.memory_space<vmem>>, vector<16xf32>,
        %add3A_222 = arith.addf %add3A_217, %get3A_221 : vector<16xf32>
        %broadcast_in_dim3A_223 = arith.constant true
        %broadcast_in_dim3A_224 = vector.broadcast %broadcast_in_dim3A_223 : i1 to vector<16xi1>
        %masked_cumsum3A = tpu.scan <sum>, %add3A_222 masked %broadcast_in_dim3A_224 : vector<16xf32>, vector<16xi1> -> vector<16xf32>
        %add3A_225 = vector.broadcast %scan3A_202 : f32 to vector<16xf32>
        %add3A_226 = arith.addf %add3A_225, %masked_cumsum3A : vector<16xf32>
        %sub3A_227 = arith.subf %add3A_226, %add3A_222 : vector<16xf32>
        %add3A_228 = vector.broadcast %reduce_sum3A_94 : f32 to vector<16xf32>
        %add3A_229 = arith.addf %add3A_228, %add3A_226 : vector<16xf32>
        %max3A = arith.constant 1.000000e+00 : f32
        %max3A_230 = vector.broadcast %max3A : f32 to vector<16xf32>
        %max3A_231 = arith.maximumf %add3A_229, %max3A_230 : vector<16xf32>
        %div3A_232 = arith.divf %add3A_226, %max3A_231 : vector<16xf32>
        %add3A_233 = vector.broadcast %reduce_sum3A_94 : f32 to vector<16xf32>
        %add3A_234 = arith.addf %add3A_233, %sub3A_227 : vector<16xf32>
        %max3A_235 = arith.constant 1.000000e+00 : f32
        %max3A_236 = vector.broadcast %max3A_235 : f32 to vector<16xf32>
        %max3A_237 = arith.maximumf %add3A_234, %max3A_236 : vector<16xf32>
        %div3A_238 = arith.divf %sub3A_227, %max3A_237 : vector<16xf32>
        %sub3A_239 = arith.subf %div3A_232, %div3A_238 : vector<16xf32>
        %convert_element_type3A_240 = arith.sitofp %scan3A_201 : i32 to f32
        %mul3A_241 = arith.constant 1.600000e+01 : f32
        %mul3A_242 = arith.mulf %convert_element_type3A_240, %mul3A_241 : f32
        %add3A_243 = arith.constant 0.000000e+00 : f32
        %add3A_244 = arith.addf %add3A_243, %mul3A_242 : f32
        %add3A_245 = vector.broadcast %add3A_244 : f32 to vector<16xf32>
        %add3A_246 = arith.addf %add3A_245, %convert_element_type3A_105 : vector<16xf32>
        %add3A_247 = arith.constant 5.000000e-01 : f32
        %add3A_248 = vector.broadcast %add3A_247 : f32 to vector<16xf32>
        %add3A_249 = arith.addf %add3A_246, %add3A_248 : vector<16xf32>
        %mul3A_250 = arith.constant 0.001953125 : f32
        %mul3A_251 = vector.broadcast %mul3A_250 : f32 to vector<16xf32>
        %mul3A_252 = arith.mulf %add3A_249, %mul3A_251 : vector<16xf32>
        %sub3A_253 = arith.constant 1.600000e+01 : f32
        %sub3A_254 = vector.broadcast %sub3A_253 : f32 to vector<16xf32>
        %sub3A_255 = arith.subf %sub3A_254, %mul3A_252 : vector<16xf32>
        %neg3A = arith.constant 0.000000e+00 : f32
        %neg3A_256 = vector.broadcast %neg3A : f32 to vector<16xf32>
        %neg3A_257 = arith.subf %neg3A_256, %sub3A_255 : vector<16xf32>
        %exp3A = math.exp %neg3A_257 : vector<16xf32>
        %add3A_258 = arith.constant 1.000000e+00 : f32
        %add3A_259 = vector.broadcast %add3A_258 : f32 to vector<16xf32>
        %add3A_260 = arith.addf %add3A_259, %exp3A : vector<16xf32>
        %div3A_261 = arith.constant 1.000000e+00 : f32
        %div3A_262 = vector.broadcast %div3A_261 : f32 to vector<16xf32>
        %div3A_263 = arith.divf %div3A_262, %add3A_260 : vector<16xf32>
        %reduce_sum3A_264 = arith.constant true
        %reduce_sum3A_265 = vector.broadcast %reduce_sum3A_264 : i1 to vector<16xi1>
        %reduce_sum3A_266 = tpu.scan <sum>, %add3A_222 masked %reduce_sum3A_265 : vector<16xf32>, vector<16xi1> -> vector<16xf32>
        %reduce_sum3A_267 = vector.extract %reduce_sum3A_266[15] : f32 from vector<16xf32>
        %add3A_268 = arith.addf %scan3A_202, %reduce_sum3A_267 : f32
        %mul3A_269 = arith.mulf %div3A_263, %sub3A_239 : vector<16xf32>
        %add3A_270 = arith.addf %scan3A_203, %mul3A_269 : vector<16xf32>
        %scan3A_271 = arith.constant 1 : i32
        %scan3A_272 = arith.addi %scan3A_201, %scan3A_271 : i32
        %mul3A_273 = arith.constant 16 : i32
        %mul3A_274 = arith.muli %scan3A_272, %mul3A_273 : i32
        %get3A_275 = arith.index_cast %mul3A_274 : i32 to index
        %get3A_276 = tpu.vector_load %arg8[%get3A_275] {strides = array<i32>} : memref<32768xf32, #tpu.memory_space<vmem>>, vector<16xf32>,
        %add3A_277 = arith.constant 8192 : i32
        %add3A_278 = arith.addi %add3A_277, %mul3A_274 : i32
        %get3A_279 = arith.index_cast %add3A_278 : i32 to index
        %get3A_280 = tpu.vector_load %arg8[%get3A_279] {strides = array<i32>} : memref<32768xf32, #tpu.memory_space<vmem>>, vector<16xf32>,
        %add3A_281 = arith.addf %get3A_276, %get3A_280 : vector<16xf32>
        %add3A_282 = arith.constant 16384 : i32
        %add3A_283 = arith.addi %add3A_282, %mul3A_274 : i32
        %get3A_284 = arith.index_cast %add3A_283 : i32 to index
        %get3A_285 = tpu.vector_load %arg8[%get3A_284] {strides = array<i32>} : memref<32768xf32, #tpu.memory_space<vmem>>, vector<16xf32>,
        %add3A_286 = arith.addf %add3A_281, %get3A_285 : vector<16xf32>
        %add3A_287 = arith.constant 24576 : i32
        %add3A_288 = arith.addi %add3A_287, %mul3A_274 : i32
        %get3A_289 = arith.index_cast %add3A_288 : i32 to index
        %get3A_290 = tpu.vector_load %arg8[%get3A_289] {strides = array<i32>} : memref<32768xf32, #tpu.memory_space<vmem>>, vector<16xf32>,
        %add3A_291 = arith.addf %add3A_286, %get3A_290 : vector<16xf32>
        %broadcast_in_dim3A_292 = arith.constant true
        %broadcast_in_dim3A_293 = vector.broadcast %broadcast_in_dim3A_292 : i1 to vector<16xi1>
        %masked_cumsum3A_294 = tpu.scan <sum>, %add3A_291 masked %broadcast_in_dim3A_293 : vector<16xf32>, vector<16xi1> -> vector<16xf32>
        %add3A_295 = vector.broadcast %add3A_268 : f32 to vector<16xf32>
        %add3A_296 = arith.addf %add3A_295, %masked_cumsum3A_294 : vector<16xf32>
        %sub3A_297 = arith.subf %add3A_296, %add3A_291 : vector<16xf32>
        %add3A_298 = vector.broadcast %reduce_sum3A_94 : f32 to vector<16xf32>
        %add3A_299 = arith.addf %add3A_298, %add3A_296 : vector<16xf32>
        %max3A_300 = arith.constant 1.000000e+00 : f32
        %max3A_301 = vector.broadcast %max3A_300 : f32 to vector<16xf32>
        %max3A_302 = arith.maximumf %add3A_299, %max3A_301 : vector<16xf32>
        %div3A_303 = arith.divf %add3A_296, %max3A_302 : vector<16xf32>
        %add3A_304 = vector.broadcast %reduce_sum3A_94 : f32 to vector<16xf32>
        %add3A_305 = arith.addf %add3A_304, %sub3A_297 : vector<16xf32>
        %max3A_306 = arith.constant 1.000000e+00 : f32
        %max3A_307 = vector.broadcast %max3A_306 : f32 to vector<16xf32>
        %max3A_308 = arith.maximumf %add3A_305, %max3A_307 : vector<16xf32>
        %div3A_309 = arith.divf %sub3A_297, %max3A_308 : vector<16xf32>
        %sub3A_310 = arith.subf %div3A_303, %div3A_309 : vector<16xf32>
        %convert_element_type3A_311 = arith.sitofp %scan3A_272 : i32 to f32
        %mul3A_312 = arith.constant 1.600000e+01 : f32
        %mul3A_313 = arith.mulf %convert_element_type3A_311, %mul3A_312 : f32
        %add3A_314 = arith.constant 0.000000e+00 : f32
        %add3A_315 = arith.addf %add3A_314, %mul3A_313 : f32
        %add3A_316 = vector.broadcast %add3A_315 : f32 to vector<16xf32>
        %add3A_317 = arith.addf %add3A_316, %convert_element_type3A_105 : vector<16xf32>
        %add3A_318 = arith.constant 5.000000e-01 : f32
        %add3A_319 = vector.broadcast %add3A_318 : f32 to vector<16xf32>
        %add3A_320 = arith.addf %add3A_317, %add3A_319 : vector<16xf32>
        %mul3A_321 = arith.constant 0.001953125 : f32
        %mul3A_322 = vector.broadcast %mul3A_321 : f32 to vector<16xf32>
        %mul3A_323 = arith.mulf %add3A_320, %mul3A_322 : vector<16xf32>
        %sub3A_324 = arith.constant 1.600000e+01 : f32
        %sub3A_325 = vector.broadcast %sub3A_324 : f32 to vector<16xf32>
        %sub3A_326 = arith.subf %sub3A_325, %mul3A_323 : vector<16xf32>
        %neg3A_327 = arith.constant 0.000000e+00 : f32
        %neg3A_328 = vector.broadcast %neg3A_327 : f32 to vector<16xf32>
        %neg3A_329 = arith.subf %neg3A_328, %sub3A_326 : vector<16xf32>
        %exp3A_330 = math.exp %neg3A_329 : vector<16xf32>
        %add3A_331 = arith.constant 1.000000e+00 : f32
        %add3A_332 = vector.broadcast %add3A_331 : f32 to vector<16xf32>
        %add3A_333 = arith.addf %add3A_332, %exp3A_330 : vector<16xf32>
        %div3A_334 = arith.constant 1.000000e+00 : f32
        %div3A_335 = vector.broadcast %div3A_334 : f32 to vector<16xf32>
        %div3A_336 = arith.divf %div3A_335, %add3A_333 : vector<16xf32>
        %reduce_sum3A_337 = arith.constant true
        %reduce_sum3A_338 = vector.broadcast %reduce_sum3A_337 : i1 to vector<16xi1>
        %reduce_sum3A_339 = tpu.scan <sum>, %add3A_291 masked %reduce_sum3A_338 : vector<16xf32>, vector<16xi1> -> vector<16xf32>
        %reduce_sum3A_340 = vector.extract %reduce_sum3A_339[15] : f32 from vector<16xf32>
        %add3A_341 = arith.addf %add3A_268, %reduce_sum3A_340 : f32
        %mul3A_342 = arith.mulf %div3A_336, %sub3A_310 : vector<16xf32>
        %add3A_343 = arith.addf %add3A_270, %mul3A_342 : vector<16xf32>
        %scan3A_344 = arith.constant 2 : i32
        %scan3A_345 = arith.addi %scan3A_201, %scan3A_344 : i32
        %mul3A_346 = arith.constant 16 : i32
        %mul3A_347 = arith.muli %scan3A_345, %mul3A_346 : i32
        %get3A_348 = arith.index_cast %mul3A_347 : i32 to index
        %get3A_349 = tpu.vector_load %arg8[%get3A_348] {strides = array<i32>} : memref<32768xf32, #tpu.memory_space<vmem>>, vector<16xf32>,
        %add3A_350 = arith.constant 8192 : i32
        %add3A_351 = arith.addi %add3A_350, %mul3A_347 : i32
        %get3A_352 = arith.index_cast %add3A_351 : i32 to index
        %get3A_353 = tpu.vector_load %arg8[%get3A_352] {strides = array<i32>} : memref<32768xf32, #tpu.memory_space<vmem>>, vector<16xf32>,
        %add3A_354 = arith.addf %get3A_349, %get3A_353 : vector<16xf32>
        %add3A_355 = arith.constant 16384 : i32
        %add3A_356 = arith.addi %add3A_355, %mul3A_347 : i32
        %get3A_357 = arith.index_cast %add3A_356 : i32 to index
        %get3A_358 = tpu.vector_load %arg8[%get3A_357] {strides = array<i32>} : memref<32768xf32, #tpu.memory_space<vmem>>, vector<16xf32>,
        %add3A_359 = arith.addf %add3A_354, %get3A_358 : vector<16xf32>
        %add3A_360 = arith.constant 24576 : i32
        %add3A_361 = arith.addi %add3A_360, %mul3A_347 : i32
        %get3A_362 = arith.index_cast %add3A_361 : i32 to index
        %get3A_363 = tpu.vector_load %arg8[%get3A_362] {strides = array<i32>} : memref<32768xf32, #tpu.memory_space<vmem>>, vector<16xf32>,
        %add3A_364 = arith.addf %add3A_359, %get3A_363 : vector<16xf32>
        %broadcast_in_dim3A_365 = arith.constant true
        %broadcast_in_dim3A_366 = vector.broadcast %broadcast_in_dim3A_365 : i1 to vector<16xi1>
        %masked_cumsum3A_367 = tpu.scan <sum>, %add3A_364 masked %broadcast_in_dim3A_366 : vector<16xf32>, vector<16xi1> -> vector<16xf32>
        %add3A_368 = vector.broadcast %add3A_341 : f32 to vector<16xf32>
        %add3A_369 = arith.addf %add3A_368, %masked_cumsum3A_367 : vector<16xf32>
        %sub3A_370 = arith.subf %add3A_369, %add3A_364 : vector<16xf32>
        %add3A_371 = vector.broadcast %reduce_sum3A_94 : f32 to vector<16xf32>
        %add3A_372 = arith.addf %add3A_371, %add3A_369 : vector<16xf32>
        %max3A_373 = arith.constant 1.000000e+00 : f32
        %max3A_374 = vector.broadcast %max3A_373 : f32 to vector<16xf32>
        %max3A_375 = arith.maximumf %add3A_372, %max3A_374 : vector<16xf32>
        %div3A_376 = arith.divf %add3A_369, %max3A_375 : vector<16xf32>
        %add3A_377 = vector.broadcast %reduce_sum3A_94 : f32 to vector<16xf32>
        %add3A_378 = arith.addf %add3A_377, %sub3A_370 : vector<16xf32>
        %max3A_379 = arith.constant 1.000000e+00 : f32
        %max3A_380 = vector.broadcast %max3A_379 : f32 to vector<16xf32>
        %max3A_381 = arith.maximumf %add3A_378, %max3A_380 : vector<16xf32>
        %div3A_382 = arith.divf %sub3A_370, %max3A_381 : vector<16xf32>
        %sub3A_383 = arith.subf %div3A_376, %div3A_382 : vector<16xf32>
        %convert_element_type3A_384 = arith.sitofp %scan3A_345 : i32 to f32
        %mul3A_385 = arith.constant 1.600000e+01 : f32
        %mul3A_386 = arith.mulf %convert_element_type3A_384, %mul3A_385 : f32
        %add3A_387 = arith.constant 0.000000e+00 : f32
        %add3A_388 = arith.addf %add3A_387, %mul3A_386 : f32
        %add3A_389 = vector.broadcast %add3A_388 : f32 to vector<16xf32>
        %add3A_390 = arith.addf %add3A_389, %convert_element_type3A_105 : vector<16xf32>
        %add3A_391 = arith.constant 5.000000e-01 : f32
        %add3A_392 = vector.broadcast %add3A_391 : f32 to vector<16xf32>
        %add3A_393 = arith.addf %add3A_390, %add3A_392 : vector<16xf32>
        %mul3A_394 = arith.constant 0.001953125 : f32
        %mul3A_395 = vector.broadcast %mul3A_394 : f32 to vector<16xf32>
        %mul3A_396 = arith.mulf %add3A_393, %mul3A_395 : vector<16xf32>
        %sub3A_397 = arith.constant 1.600000e+01 : f32
        %sub3A_398 = vector.broadcast %sub3A_397 : f32 to vector<16xf32>
        %sub3A_399 = arith.subf %sub3A_398, %mul3A_396 : vector<16xf32>
        %neg3A_400 = arith.constant 0.000000e+00 : f32
        %neg3A_401 = vector.broadcast %neg3A_400 : f32 to vector<16xf32>
        %neg3A_402 = arith.subf %neg3A_401, %sub3A_399 : vector<16xf32>
        %exp3A_403 = math.exp %neg3A_402 : vector<16xf32>
        %add3A_404 = arith.constant 1.000000e+00 : f32
        %add3A_405 = vector.broadcast %add3A_404 : f32 to vector<16xf32>
        %add3A_406 = arith.addf %add3A_405, %exp3A_403 : vector<16xf32>
        %div3A_407 = arith.constant 1.000000e+00 : f32
        %div3A_408 = vector.broadcast %div3A_407 : f32 to vector<16xf32>
        %div3A_409 = arith.divf %div3A_408, %add3A_406 : vector<16xf32>
        %reduce_sum3A_410 = arith.constant true
        %reduce_sum3A_411 = vector.broadcast %reduce_sum3A_410 : i1 to vector<16xi1>
        %reduce_sum3A_412 = tpu.scan <sum>, %add3A_364 masked %reduce_sum3A_411 : vector<16xf32>, vector<16xi1> -> vector<16xf32>
        %reduce_sum3A_413 = vector.extract %reduce_sum3A_412[15] : f32 from vector<16xf32>
        %add3A_414 = arith.addf %add3A_341, %reduce_sum3A_413 : f32
        %mul3A_415 = arith.mulf %div3A_409, %sub3A_383 : vector<16xf32>
        %add3A_416 = arith.addf %add3A_343, %mul3A_415 : vector<16xf32>
        %scan3A_417 = arith.constant 3 : i32
        %scan3A_418 = arith.addi %scan3A_201, %scan3A_417 : i32
        %mul3A_419 = arith.constant 16 : i32
        %mul3A_420 = arith.muli %scan3A_418, %mul3A_419 : i32
        %get3A_421 = arith.index_cast %mul3A_420 : i32 to index
        %get3A_422 = tpu.vector_load %arg8[%get3A_421] {strides = array<i32>} : memref<32768xf32, #tpu.memory_space<vmem>>, vector<16xf32>,
        %add3A_423 = arith.constant 8192 : i32
        %add3A_424 = arith.addi %add3A_423, %mul3A_420 : i32
        %get3A_425 = arith.index_cast %add3A_424 : i32 to index
        %get3A_426 = tpu.vector_load %arg8[%get3A_425] {strides = array<i32>} : memref<32768xf32, #tpu.memory_space<vmem>>, vector<16xf32>,
        %add3A_427 = arith.addf %get3A_422, %get3A_426 : vector<16xf32>
        %add3A_428 = arith.constant 16384 : i32
        %add3A_429 = arith.addi %add3A_428, %mul3A_420 : i32
        %get3A_430 = arith.index_cast %add3A_429 : i32 to index
        %get3A_431 = tpu.vector_load %arg8[%get3A_430] {strides = array<i32>} : memref<32768xf32, #tpu.memory_space<vmem>>, vector<16xf32>,
        %add3A_432 = arith.addf %add3A_427, %get3A_431 : vector<16xf32>
        %add3A_433 = arith.constant 24576 : i32
        %add3A_434 = arith.addi %add3A_433, %mul3A_420 : i32
        %get3A_435 = arith.index_cast %add3A_434 : i32 to index
        %get3A_436 = tpu.vector_load %arg8[%get3A_435] {strides = array<i32>} : memref<32768xf32, #tpu.memory_space<vmem>>, vector<16xf32>,
        %add3A_437 = arith.addf %add3A_432, %get3A_436 : vector<16xf32>
        %broadcast_in_dim3A_438 = arith.constant true
        %broadcast_in_dim3A_439 = vector.broadcast %broadcast_in_dim3A_438 : i1 to vector<16xi1>
        %masked_cumsum3A_440 = tpu.scan <sum>, %add3A_437 masked %broadcast_in_dim3A_439 : vector<16xf32>, vector<16xi1> -> vector<16xf32>
        %add3A_441 = vector.broadcast %add3A_414 : f32 to vector<16xf32>
        %add3A_442 = arith.addf %add3A_441, %masked_cumsum3A_440 : vector<16xf32>
        %sub3A_443 = arith.subf %add3A_442, %add3A_437 : vector<16xf32>
        %add3A_444 = vector.broadcast %reduce_sum3A_94 : f32 to vector<16xf32>
        %add3A_445 = arith.addf %add3A_444, %add3A_442 : vector<16xf32>
        %max3A_446 = arith.constant 1.000000e+00 : f32
        %max3A_447 = vector.broadcast %max3A_446 : f32 to vector<16xf32>
        %max3A_448 = arith.maximumf %add3A_445, %max3A_447 : vector<16xf32>
        %div3A_449 = arith.divf %add3A_442, %max3A_448 : vector<16xf32>
        %add3A_450 = vector.broadcast %reduce_sum3A_94 : f32 to vector<16xf32>
        %add3A_451 = arith.addf %add3A_450, %sub3A_443 : vector<16xf32>
        %max3A_452 = arith.constant 1.000000e+00 : f32
        %max3A_453 = vector.broadcast %max3A_452 : f32 to vector<16xf32>
        %max3A_454 = arith.maximumf %add3A_451, %max3A_453 : vector<16xf32>
        %div3A_455 = arith.divf %sub3A_443, %max3A_454 : vector<16xf32>
        %sub3A_456 = arith.subf %div3A_449, %div3A_455 : vector<16xf32>
        %convert_element_type3A_457 = arith.sitofp %scan3A_418 : i32 to f32
        %mul3A_458 = arith.constant 1.600000e+01 : f32
        %mul3A_459 = arith.mulf %convert_element_type3A_457, %mul3A_458 : f32
        %add3A_460 = arith.constant 0.000000e+00 : f32
        %add3A_461 = arith.addf %add3A_460, %mul3A_459 : f32
        %add3A_462 = vector.broadcast %add3A_461 : f32 to vector<16xf32>
        %add3A_463 = arith.addf %add3A_462, %convert_element_type3A_105 : vector<16xf32>
        %add3A_464 = arith.constant 5.000000e-01 : f32
        %add3A_465 = vector.broadcast %add3A_464 : f32 to vector<16xf32>
        %add3A_466 = arith.addf %add3A_463, %add3A_465 : vector<16xf32>
        %mul3A_467 = arith.constant 0.001953125 : f32
        %mul3A_468 = vector.broadcast %mul3A_467 : f32 to vector<16xf32>
        %mul3A_469 = arith.mulf %add3A_466, %mul3A_468 : vector<16xf32>
        %sub3A_470 = arith.constant 1.600000e+01 : f32
        %sub3A_471 = vector.broadcast %sub3A_470 : f32 to vector<16xf32>
        %sub3A_472 = arith.subf %sub3A_471, %mul3A_469 : vector<16xf32>
        %neg3A_473 = arith.constant 0.000000e+00 : f32
        %neg3A_474 = vector.broadcast %neg3A_473 : f32 to vector<16xf32>
        %neg3A_475 = arith.subf %neg3A_474, %sub3A_472 : vector<16xf32>
        %exp3A_476 = math.exp %neg3A_475 : vector<16xf32>
        %add3A_477 = arith.constant 1.000000e+00 : f32
        %add3A_478 = vector.broadcast %add3A_477 : f32 to vector<16xf32>
        %add3A_479 = arith.addf %add3A_478, %exp3A_476 : vector<16xf32>
        %div3A_480 = arith.constant 1.000000e+00 : f32
        %div3A_481 = vector.broadcast %div3A_480 : f32 to vector<16xf32>
        %div3A_482 = arith.divf %div3A_481, %add3A_479 : vector<16xf32>
        %reduce_sum3A_483 = arith.constant true
        %reduce_sum3A_484 = vector.broadcast %reduce_sum3A_483 : i1 to vector<16xi1>
        %reduce_sum3A_485 = tpu.scan <sum>, %add3A_437 masked %reduce_sum3A_484 : vector<16xf32>, vector<16xi1> -> vector<16xf32>
        %reduce_sum3A_486 = vector.extract %reduce_sum3A_485[15] : f32 from vector<16xf32>
        %add3A_487 = arith.addf %add3A_414, %reduce_sum3A_486 : f32
        %mul3A_488 = arith.mulf %div3A_482, %sub3A_456 : vector<16xf32>
        %add3A_489 = arith.addf %add3A_416, %mul3A_488 : vector<16xf32>
        %scan3A_490 = arith.constant 4 : i32
        %scan3A_491 = arith.addi %scan3A_201, %scan3A_490 : i32
        %mul3A_492 = arith.constant 16 : i32
        %mul3A_493 = arith.muli %scan3A_491, %mul3A_492 : i32
        %get3A_494 = arith.index_cast %mul3A_493 : i32 to index
        %get3A_495 = tpu.vector_load %arg8[%get3A_494] {strides = array<i32>} : memref<32768xf32, #tpu.memory_space<vmem>>, vector<16xf32>,
        %add3A_496 = arith.constant 8192 : i32
        %add3A_497 = arith.addi %add3A_496, %mul3A_493 : i32
        %get3A_498 = arith.index_cast %add3A_497 : i32 to index
        %get3A_499 = tpu.vector_load %arg8[%get3A_498] {strides = array<i32>} : memref<32768xf32, #tpu.memory_space<vmem>>, vector<16xf32>,
        %add3A_500 = arith.addf %get3A_495, %get3A_499 : vector<16xf32>
        %add3A_501 = arith.constant 16384 : i32
        %add3A_502 = arith.addi %add3A_501, %mul3A_493 : i32
        %get3A_503 = arith.index_cast %add3A_502 : i32 to index
        %get3A_504 = tpu.vector_load %arg8[%get3A_503] {strides = array<i32>} : memref<32768xf32, #tpu.memory_space<vmem>>, vector<16xf32>,
        %add3A_505 = arith.addf %add3A_500, %get3A_504 : vector<16xf32>
        %add3A_506 = arith.constant 24576 : i32
        %add3A_507 = arith.addi %add3A_506, %mul3A_493 : i32
        %get3A_508 = arith.index_cast %add3A_507 : i32 to index
        %get3A_509 = tpu.vector_load %arg8[%get3A_508] {strides = array<i32>} : memref<32768xf32, #tpu.memory_space<vmem>>, vector<16xf32>,
        %add3A_510 = arith.addf %add3A_505, %get3A_509 : vector<16xf32>
        %broadcast_in_dim3A_511 = arith.constant true
        %broadcast_in_dim3A_512 = vector.broadcast %broadcast_in_dim3A_511 : i1 to vector<16xi1>
        %masked_cumsum3A_513 = tpu.scan <sum>, %add3A_510 masked %broadcast_in_dim3A_512 : vector<16xf32>, vector<16xi1> -> vector<16xf32>
        %add3A_514 = vector.broadcast %add3A_487 : f32 to vector<16xf32>
        %add3A_515 = arith.addf %add3A_514, %masked_cumsum3A_513 : vector<16xf32>
        %sub3A_516 = arith.subf %add3A_515, %add3A_510 : vector<16xf32>
        %add3A_517 = vector.broadcast %reduce_sum3A_94 : f32 to vector<16xf32>
        %add3A_518 = arith.addf %add3A_517, %add3A_515 : vector<16xf32>
        %max3A_519 = arith.constant 1.000000e+00 : f32
        %max3A_520 = vector.broadcast %max3A_519 : f32 to vector<16xf32>
        %max3A_521 = arith.maximumf %add3A_518, %max3A_520 : vector<16xf32>
        %div3A_522 = arith.divf %add3A_515, %max3A_521 : vector<16xf32>
        %add3A_523 = vector.broadcast %reduce_sum3A_94 : f32 to vector<16xf32>
        %add3A_524 = arith.addf %add3A_523, %sub3A_516 : vector<16xf32>
        %max3A_525 = arith.constant 1.000000e+00 : f32
        %max3A_526 = vector.broadcast %max3A_525 : f32 to vector<16xf32>
        %max3A_527 = arith.maximumf %add3A_524, %max3A_526 : vector<16xf32>
        %div3A_528 = arith.divf %sub3A_516, %max3A_527 : vector<16xf32>
        %sub3A_529 = arith.subf %div3A_522, %div3A_528 : vector<16xf32>
        %convert_element_type3A_530 = arith.sitofp %scan3A_491 : i32 to f32
        %mul3A_531 = arith.constant 1.600000e+01 : f32
        %mul3A_532 = arith.mulf %convert_element_type3A_530, %mul3A_531 : f32
        %add3A_533 = arith.constant 0.000000e+00 : f32
        %add3A_534 = arith.addf %add3A_533, %mul3A_532 : f32
        %add3A_535 = vector.broadcast %add3A_534 : f32 to vector<16xf32>
        %add3A_536 = arith.addf %add3A_535, %convert_element_type3A_105 : vector<16xf32>
        %add3A_537 = arith.constant 5.000000e-01 : f32
        %add3A_538 = vector.broadcast %add3A_537 : f32 to vector<16xf32>
        %add3A_539 = arith.addf %add3A_536, %add3A_538 : vector<16xf32>
        %mul3A_540 = arith.constant 0.001953125 : f32
        %mul3A_541 = vector.broadcast %mul3A_540 : f32 to vector<16xf32>
        %mul3A_542 = arith.mulf %add3A_539, %mul3A_541 : vector<16xf32>
        %sub3A_543 = arith.constant 1.600000e+01 : f32
        %sub3A_544 = vector.broadcast %sub3A_543 : f32 to vector<16xf32>
        %sub3A_545 = arith.subf %sub3A_544, %mul3A_542 : vector<16xf32>
        %neg3A_546 = arith.constant 0.000000e+00 : f32
        %neg3A_547 = vector.broadcast %neg3A_546 : f32 to vector<16xf32>
        %neg3A_548 = arith.subf %neg3A_547, %sub3A_545 : vector<16xf32>
        %exp3A_549 = math.exp %neg3A_548 : vector<16xf32>
        %add3A_550 = arith.constant 1.000000e+00 : f32
        %add3A_551 = vector.broadcast %add3A_550 : f32 to vector<16xf32>
        %add3A_552 = arith.addf %add3A_551, %exp3A_549 : vector<16xf32>
        %div3A_553 = arith.constant 1.000000e+00 : f32
        %div3A_554 = vector.broadcast %div3A_553 : f32 to vector<16xf32>
        %div3A_555 = arith.divf %div3A_554, %add3A_552 : vector<16xf32>
        %reduce_sum3A_556 = arith.constant true
        %reduce_sum3A_557 = vector.broadcast %reduce_sum3A_556 : i1 to vector<16xi1>
        %reduce_sum3A_558 = tpu.scan <sum>, %add3A_510 masked %reduce_sum3A_557 : vector<16xf32>, vector<16xi1> -> vector<16xf32>
        %reduce_sum3A_559 = vector.extract %reduce_sum3A_558[15] : f32 from vector<16xf32>
        %add3A_560 = arith.addf %add3A_487, %reduce_sum3A_559 : f32
        %mul3A_561 = arith.mulf %div3A_555, %sub3A_529 : vector<16xf32>
        %add3A_562 = arith.addf %add3A_489, %mul3A_561 : vector<16xf32>
        %scan3A_563 = arith.constant 5 : i32
        %scan3A_564 = arith.addi %scan3A_201, %scan3A_563 : i32
        %mul3A_565 = arith.constant 16 : i32
        %mul3A_566 = arith.muli %scan3A_564, %mul3A_565 : i32
        %get3A_567 = arith.index_cast %mul3A_566 : i32 to index
        %get3A_568 = tpu.vector_load %arg8[%get3A_567] {strides = array<i32>} : memref<32768xf32, #tpu.memory_space<vmem>>, vector<16xf32>,
        %add3A_569 = arith.constant 8192 : i32
        %add3A_570 = arith.addi %add3A_569, %mul3A_566 : i32
        %get3A_571 = arith.index_cast %add3A_570 : i32 to index
        %get3A_572 = tpu.vector_load %arg8[%get3A_571] {strides = array<i32>} : memref<32768xf32, #tpu.memory_space<vmem>>, vector<16xf32>,
        %add3A_573 = arith.addf %get3A_568, %get3A_572 : vector<16xf32>
        %add3A_574 = arith.constant 16384 : i32
        %add3A_575 = arith.addi %add3A_574, %mul3A_566 : i32
        %get3A_576 = arith.index_cast %add3A_575 : i32 to index
        %get3A_577 = tpu.vector_load %arg8[%get3A_576] {strides = array<i32>} : memref<32768xf32, #tpu.memory_space<vmem>>, vector<16xf32>,
        %add3A_578 = arith.addf %add3A_573, %get3A_577 : vector<16xf32>
        %add3A_579 = arith.constant 24576 : i32
        %add3A_580 = arith.addi %add3A_579, %mul3A_566 : i32
        %get3A_581 = arith.index_cast %add3A_580 : i32 to index
        %get3A_582 = tpu.vector_load %arg8[%get3A_581] {strides = array<i32>} : memref<32768xf32, #tpu.memory_space<vmem>>, vector<16xf32>,
        %add3A_583 = arith.addf %add3A_578, %get3A_582 : vector<16xf32>
        %broadcast_in_dim3A_584 = arith.constant true
        %broadcast_in_dim3A_585 = vector.broadcast %broadcast_in_dim3A_584 : i1 to vector<16xi1>
        %masked_cumsum3A_586 = tpu.scan <sum>, %add3A_583 masked %broadcast_in_dim3A_585 : vector<16xf32>, vector<16xi1> -> vector<16xf32>
        %add3A_587 = vector.broadcast %add3A_560 : f32 to vector<16xf32>
        %add3A_588 = arith.addf %add3A_587, %masked_cumsum3A_586 : vector<16xf32>
        %sub3A_589 = arith.subf %add3A_588, %add3A_583 : vector<16xf32>
        %add3A_590 = vector.broadcast %reduce_sum3A_94 : f32 to vector<16xf32>
        %add3A_591 = arith.addf %add3A_590, %add3A_588 : vector<16xf32>
        %max3A_592 = arith.constant 1.000000e+00 : f32
        %max3A_593 = vector.broadcast %max3A_592 : f32 to vector<16xf32>
        %max3A_594 = arith.maximumf %add3A_591, %max3A_593 : vector<16xf32>
        %div3A_595 = arith.divf %add3A_588, %max3A_594 : vector<16xf32>
        %add3A_596 = vector.broadcast %reduce_sum3A_94 : f32 to vector<16xf32>
        %add3A_597 = arith.addf %add3A_596, %sub3A_589 : vector<16xf32>
        %max3A_598 = arith.constant 1.000000e+00 : f32
        %max3A_599 = vector.broadcast %max3A_598 : f32 to vector<16xf32>
        %max3A_600 = arith.maximumf %add3A_597, %max3A_599 : vector<16xf32>
        %div3A_601 = arith.divf %sub3A_589, %max3A_600 : vector<16xf32>
        %sub3A_602 = arith.subf %div3A_595, %div3A_601 : vector<16xf32>
        %convert_element_type3A_603 = arith.sitofp %scan3A_564 : i32 to f32
        %mul3A_604 = arith.constant 1.600000e+01 : f32
        %mul3A_605 = arith.mulf %convert_element_type3A_603, %mul3A_604 : f32
        %add3A_606 = arith.constant 0.000000e+00 : f32
        %add3A_607 = arith.addf %add3A_606, %mul3A_605 : f32
        %add3A_608 = vector.broadcast %add3A_607 : f32 to vector<16xf32>
        %add3A_609 = arith.addf %add3A_608, %convert_element_type3A_105 : vector<16xf32>
        %add3A_610 = arith.constant 5.000000e-01 : f32
        %add3A_611 = vector.broadcast %add3A_610 : f32 to vector<16xf32>
        %add3A_612 = arith.addf %add3A_609, %add3A_611 : vector<16xf32>
        %mul3A_613 = arith.constant 0.001953125 : f32
        %mul3A_614 = vector.broadcast %mul3A_613 : f32 to vector<16xf32>
        %mul3A_615 = arith.mulf %add3A_612, %mul3A_614 : vector<16xf32>
        %sub3A_616 = arith.constant 1.600000e+01 : f32
        %sub3A_617 = vector.broadcast %sub3A_616 : f32 to vector<16xf32>
        %sub3A_618 = arith.subf %sub3A_617, %mul3A_615 : vector<16xf32>
        %neg3A_619 = arith.constant 0.000000e+00 : f32
        %neg3A_620 = vector.broadcast %neg3A_619 : f32 to vector<16xf32>
        %neg3A_621 = arith.subf %neg3A_620, %sub3A_618 : vector<16xf32>
        %exp3A_622 = math.exp %neg3A_621 : vector<16xf32>
        %add3A_623 = arith.constant 1.000000e+00 : f32
        %add3A_624 = vector.broadcast %add3A_623 : f32 to vector<16xf32>
        %add3A_625 = arith.addf %add3A_624, %exp3A_622 : vector<16xf32>
        %div3A_626 = arith.constant 1.000000e+00 : f32
        %div3A_627 = vector.broadcast %div3A_626 : f32 to vector<16xf32>
        %div3A_628 = arith.divf %div3A_627, %add3A_625 : vector<16xf32>
        %reduce_sum3A_629 = arith.constant true
        %reduce_sum3A_630 = vector.broadcast %reduce_sum3A_629 : i1 to vector<16xi1>
        %reduce_sum3A_631 = tpu.scan <sum>, %add3A_583 masked %reduce_sum3A_630 : vector<16xf32>, vector<16xi1> -> vector<16xf32>
        %reduce_sum3A_632 = vector.extract %reduce_sum3A_631[15] : f32 from vector<16xf32>
        %add3A_633 = arith.addf %add3A_560, %reduce_sum3A_632 : f32
        %mul3A_634 = arith.mulf %div3A_628, %sub3A_602 : vector<16xf32>
        %add3A_635 = arith.addf %add3A_562, %mul3A_634 : vector<16xf32>
        %scan3A_636 = arith.constant 6 : i32
        %scan3A_637 = arith.addi %scan3A_201, %scan3A_636 : i32
        %mul3A_638 = arith.constant 16 : i32
        %mul3A_639 = arith.muli %scan3A_637, %mul3A_638 : i32
        %get3A_640 = arith.index_cast %mul3A_639 : i32 to index
        %get3A_641 = tpu.vector_load %arg8[%get3A_640] {strides = array<i32>} : memref<32768xf32, #tpu.memory_space<vmem>>, vector<16xf32>,
        %add3A_642 = arith.constant 8192 : i32
        %add3A_643 = arith.addi %add3A_642, %mul3A_639 : i32
        %get3A_644 = arith.index_cast %add3A_643 : i32 to index
        %get3A_645 = tpu.vector_load %arg8[%get3A_644] {strides = array<i32>} : memref<32768xf32, #tpu.memory_space<vmem>>, vector<16xf32>,
        %add3A_646 = arith.addf %get3A_641, %get3A_645 : vector<16xf32>
        %add3A_647 = arith.constant 16384 : i32
        %add3A_648 = arith.addi %add3A_647, %mul3A_639 : i32
        %get3A_649 = arith.index_cast %add3A_648 : i32 to index
        %get3A_650 = tpu.vector_load %arg8[%get3A_649] {strides = array<i32>} : memref<32768xf32, #tpu.memory_space<vmem>>, vector<16xf32>,
        %add3A_651 = arith.addf %add3A_646, %get3A_650 : vector<16xf32>
        %add3A_652 = arith.constant 24576 : i32
        %add3A_653 = arith.addi %add3A_652, %mul3A_639 : i32
        %get3A_654 = arith.index_cast %add3A_653 : i32 to index
        %get3A_655 = tpu.vector_load %arg8[%get3A_654] {strides = array<i32>} : memref<32768xf32, #tpu.memory_space<vmem>>, vector<16xf32>,
        %add3A_656 = arith.addf %add3A_651, %get3A_655 : vector<16xf32>
        %broadcast_in_dim3A_657 = arith.constant true
        %broadcast_in_dim3A_658 = vector.broadcast %broadcast_in_dim3A_657 : i1 to vector<16xi1>
        %masked_cumsum3A_659 = tpu.scan <sum>, %add3A_656 masked %broadcast_in_dim3A_658 : vector<16xf32>, vector<16xi1> -> vector<16xf32>
        %add3A_660 = vector.broadcast %add3A_633 : f32 to vector<16xf32>
        %add3A_661 = arith.addf %add3A_660, %masked_cumsum3A_659 : vector<16xf32>
        %sub3A_662 = arith.subf %add3A_661, %add3A_656 : vector<16xf32>
        %add3A_663 = vector.broadcast %reduce_sum3A_94 : f32 to vector<16xf32>
        %add3A_664 = arith.addf %add3A_663, %add3A_661 : vector<16xf32>
        %max3A_665 = arith.constant 1.000000e+00 : f32
        %max3A_666 = vector.broadcast %max3A_665 : f32 to vector<16xf32>
        %max3A_667 = arith.maximumf %add3A_664, %max3A_666 : vector<16xf32>
        %div3A_668 = arith.divf %add3A_661, %max3A_667 : vector<16xf32>
        %add3A_669 = vector.broadcast %reduce_sum3A_94 : f32 to vector<16xf32>
        %add3A_670 = arith.addf %add3A_669, %sub3A_662 : vector<16xf32>
        %max3A_671 = arith.constant 1.000000e+00 : f32
        %max3A_672 = vector.broadcast %max3A_671 : f32 to vector<16xf32>
        %max3A_673 = arith.maximumf %add3A_670, %max3A_672 : vector<16xf32>
        %div3A_674 = arith.divf %sub3A_662, %max3A_673 : vector<16xf32>
        %sub3A_675 = arith.subf %div3A_668, %div3A_674 : vector<16xf32>
        %convert_element_type3A_676 = arith.sitofp %scan3A_637 : i32 to f32
        %mul3A_677 = arith.constant 1.600000e+01 : f32
        %mul3A_678 = arith.mulf %convert_element_type3A_676, %mul3A_677 : f32
        %add3A_679 = arith.constant 0.000000e+00 : f32
        %add3A_680 = arith.addf %add3A_679, %mul3A_678 : f32
        %add3A_681 = vector.broadcast %add3A_680 : f32 to vector<16xf32>
        %add3A_682 = arith.addf %add3A_681, %convert_element_type3A_105 : vector<16xf32>
        %add3A_683 = arith.constant 5.000000e-01 : f32
        %add3A_684 = vector.broadcast %add3A_683 : f32 to vector<16xf32>
        %add3A_685 = arith.addf %add3A_682, %add3A_684 : vector<16xf32>
        %mul3A_686 = arith.constant 0.001953125 : f32
        %mul3A_687 = vector.broadcast %mul3A_686 : f32 to vector<16xf32>
        %mul3A_688 = arith.mulf %add3A_685, %mul3A_687 : vector<16xf32>
        %sub3A_689 = arith.constant 1.600000e+01 : f32
        %sub3A_690 = vector.broadcast %sub3A_689 : f32 to vector<16xf32>
        %sub3A_691 = arith.subf %sub3A_690, %mul3A_688 : vector<16xf32>
        %neg3A_692 = arith.constant 0.000000e+00 : f32
        %neg3A_693 = vector.broadcast %neg3A_692 : f32 to vector<16xf32>
        %neg3A_694 = arith.subf %neg3A_693, %sub3A_691 : vector<16xf32>
        %exp3A_695 = math.exp %neg3A_694 : vector<16xf32>
        %add3A_696 = arith.constant 1.000000e+00 : f32
        %add3A_697 = vector.broadcast %add3A_696 : f32 to vector<16xf32>
        %add3A_698 = arith.addf %add3A_697, %exp3A_695 : vector<16xf32>
        %div3A_699 = arith.constant 1.000000e+00 : f32
        %div3A_700 = vector.broadcast %div3A_699 : f32 to vector<16xf32>
        %div3A_701 = arith.divf %div3A_700, %add3A_698 : vector<16xf32>
        %reduce_sum3A_702 = arith.constant true
        %reduce_sum3A_703 = vector.broadcast %reduce_sum3A_702 : i1 to vector<16xi1>
        %reduce_sum3A_704 = tpu.scan <sum>, %add3A_656 masked %reduce_sum3A_703 : vector<16xf32>, vector<16xi1> -> vector<16xf32>
        %reduce_sum3A_705 = vector.extract %reduce_sum3A_704[15] : f32 from vector<16xf32>
        %add3A_706 = arith.addf %add3A_633, %reduce_sum3A_705 : f32
        %mul3A_707 = arith.mulf %div3A_701, %sub3A_675 : vector<16xf32>
        %add3A_708 = arith.addf %add3A_635, %mul3A_707 : vector<16xf32>
        %scan3A_709 = arith.constant 7 : i32
        %scan3A_710 = arith.addi %scan3A_201, %scan3A_709 : i32
        %mul3A_711 = arith.constant 16 : i32
        %mul3A_712 = arith.muli %scan3A_710, %mul3A_711 : i32
        %get3A_713 = arith.index_cast %mul3A_712 : i32 to index
        %get3A_714 = tpu.vector_load %arg8[%get3A_713] {strides = array<i32>} : memref<32768xf32, #tpu.memory_space<vmem>>, vector<16xf32>,
        %add3A_715 = arith.constant 8192 : i32
        %add3A_716 = arith.addi %add3A_715, %mul3A_712 : i32
        %get3A_717 = arith.index_cast %add3A_716 : i32 to index
        %get3A_718 = tpu.vector_load %arg8[%get3A_717] {strides = array<i32>} : memref<32768xf32, #tpu.memory_space<vmem>>, vector<16xf32>,
        %add3A_719 = arith.addf %get3A_714, %get3A_718 : vector<16xf32>
        %add3A_720 = arith.constant 16384 : i32
        %add3A_721 = arith.addi %add3A_720, %mul3A_712 : i32
        %get3A_722 = arith.index_cast %add3A_721 : i32 to index
        %get3A_723 = tpu.vector_load %arg8[%get3A_722] {strides = array<i32>} : memref<32768xf32, #tpu.memory_space<vmem>>, vector<16xf32>,
        %add3A_724 = arith.addf %add3A_719, %get3A_723 : vector<16xf32>
        %add3A_725 = arith.constant 24576 : i32
        %add3A_726 = arith.addi %add3A_725, %mul3A_712 : i32
        %get3A_727 = arith.index_cast %add3A_726 : i32 to index
        %get3A_728 = tpu.vector_load %arg8[%get3A_727] {strides = array<i32>} : memref<32768xf32, #tpu.memory_space<vmem>>, vector<16xf32>,
        %add3A_729 = arith.addf %add3A_724, %get3A_728 : vector<16xf32>
        %broadcast_in_dim3A_730 = arith.constant true
        %broadcast_in_dim3A_731 = vector.broadcast %broadcast_in_dim3A_730 : i1 to vector<16xi1>
        %masked_cumsum3A_732 = tpu.scan <sum>, %add3A_729 masked %broadcast_in_dim3A_731 : vector<16xf32>, vector<16xi1> -> vector<16xf32>
        %add3A_733 = vector.broadcast %add3A_706 : f32 to vector<16xf32>
        %add3A_734 = arith.addf %add3A_733, %masked_cumsum3A_732 : vector<16xf32>
        %sub3A_735 = arith.subf %add3A_734, %add3A_729 : vector<16xf32>
        %add3A_736 = vector.broadcast %reduce_sum3A_94 : f32 to vector<16xf32>
        %add3A_737 = arith.addf %add3A_736, %add3A_734 : vector<16xf32>
        %max3A_738 = arith.constant 1.000000e+00 : f32
        %max3A_739 = vector.broadcast %max3A_738 : f32 to vector<16xf32>
        %max3A_740 = arith.maximumf %add3A_737, %max3A_739 : vector<16xf32>
        %div3A_741 = arith.divf %add3A_734, %max3A_740 : vector<16xf32>
        %add3A_742 = vector.broadcast %reduce_sum3A_94 : f32 to vector<16xf32>
        %add3A_743 = arith.addf %add3A_742, %sub3A_735 : vector<16xf32>
        %max3A_744 = arith.constant 1.000000e+00 : f32
        %max3A_745 = vector.broadcast %max3A_744 : f32 to vector<16xf32>
        %max3A_746 = arith.maximumf %add3A_743, %max3A_745 : vector<16xf32>
        %div3A_747 = arith.divf %sub3A_735, %max3A_746 : vector<16xf32>
        %sub3A_748 = arith.subf %div3A_741, %div3A_747 : vector<16xf32>
        %convert_element_type3A_749 = arith.sitofp %scan3A_710 : i32 to f32
        %mul3A_750 = arith.constant 1.600000e+01 : f32
        %mul3A_751 = arith.mulf %convert_element_type3A_749, %mul3A_750 : f32
        %add3A_752 = arith.constant 0.000000e+00 : f32
        %add3A_753 = arith.addf %add3A_752, %mul3A_751 : f32
        %add3A_754 = vector.broadcast %add3A_753 : f32 to vector<16xf32>
        %add3A_755 = arith.addf %add3A_754, %convert_element_type3A_105 : vector<16xf32>
        %add3A_756 = arith.constant 5.000000e-01 : f32
        %add3A_757 = vector.broadcast %add3A_756 : f32 to vector<16xf32>
        %add3A_758 = arith.addf %add3A_755, %add3A_757 : vector<16xf32>
        %mul3A_759 = arith.constant 0.001953125 : f32
        %mul3A_760 = vector.broadcast %mul3A_759 : f32 to vector<16xf32>
        %mul3A_761 = arith.mulf %add3A_758, %mul3A_760 : vector<16xf32>
        %sub3A_762 = arith.constant 1.600000e+01 : f32
        %sub3A_763 = vector.broadcast %sub3A_762 : f32 to vector<16xf32>
        %sub3A_764 = arith.subf %sub3A_763, %mul3A_761 : vector<16xf32>
        %neg3A_765 = arith.constant 0.000000e+00 : f32
        %neg3A_766 = vector.broadcast %neg3A_765 : f32 to vector<16xf32>
        %neg3A_767 = arith.subf %neg3A_766, %sub3A_764 : vector<16xf32>
        %exp3A_768 = math.exp %neg3A_767 : vector<16xf32>
        %add3A_769 = arith.constant 1.000000e+00 : f32
        %add3A_770 = vector.broadcast %add3A_769 : f32 to vector<16xf32>
        %add3A_771 = arith.addf %add3A_770, %exp3A_768 : vector<16xf32>
        %div3A_772 = arith.constant 1.000000e+00 : f32
        %div3A_773 = vector.broadcast %div3A_772 : f32 to vector<16xf32>
        %div3A_774 = arith.divf %div3A_773, %add3A_771 : vector<16xf32>
        %reduce_sum3A_775 = arith.constant true
        %reduce_sum3A_776 = vector.broadcast %reduce_sum3A_775 : i1 to vector<16xi1>
        %reduce_sum3A_777 = tpu.scan <sum>, %add3A_729 masked %reduce_sum3A_776 : vector<16xf32>, vector<16xi1> -> vector<16xf32>
        %reduce_sum3A_778 = vector.extract %reduce_sum3A_777[15] : f32 from vector<16xf32>
        %add3A_779 = arith.addf %add3A_706, %reduce_sum3A_778 : f32
        %mul3A_780 = arith.mulf %div3A_774, %sub3A_748 : vector<16xf32>
        %add3A_781 = arith.addf %add3A_708, %mul3A_780 : vector<16xf32>
        scf.yield %add3A_779, %add3A_781 : f32, vector<16xf32>
      }
      %scan3A_146 = arith.constant 512 : i32
      %mul3A_147 = arith.constant 4 : i32
      %mul3A_148 = arith.muli %mul3A_147, %arg1 : i32
      %add3A_149 = arith.constant 0 : i32
      %add3A_150 = arith.addi %mul3A_148, %add3A_149 : i32
      %mul3A_151 = arith.constant 16384 : i32
      %mul3A_152 = arith.muli %add3A_150, %mul3A_151 : i32
      %add3A_153 = arith.constant 8192 : i32
      %add3A_154 = arith.addi %mul3A_152, %add3A_153 : i32
      "tpu.region"() ({
        %run_scoped3A = tpu.sem_alloc : memref<!tpu.dma_semaphore, #tpu.memory_space<semaphore_mem>>
        %dma_start3A_201 = arith.constant 0 : i32
        %dma_start3A_202 = tpu.memref_slice %arg8[%dma_start3A_201] : memref<32768xf32, #tpu.memory_space<vmem>> -> memref<8192xf32, #tpu.memory_space<vmem>>
        %dma_start3A_203 = tpu.memref_slice %arg11[%add3A_154] : memref<262144xf32, #tpu.memory_space<vmem_shared>> -> memref<8192xf32, #tpu.memory_space<vmem_shared>>
        %dma_start3A_204 = arith.constant 0 : i32
        %dma_start3A_205 = tpu.memref_slice %arg8[%dma_start3A_204] : memref<32768xf32, #tpu.memory_space<vmem>> -> memref<8192xf32, #tpu.memory_space<vmem>>
        %dma_start3A_206 = tpu.memref_slice %arg11[%add3A_154] : memref<262144xf32, #tpu.memory_space<vmem_shared>> -> memref<8192xf32, #tpu.memory_space<vmem_shared>>
        tpu.enqueue_dma source(%dma_start3A_206 : memref<8192xf32, #tpu.memory_space<vmem_shared>>) target(%dma_start3A_205 : memref<8192xf32, #tpu.memory_space<vmem>>) target_semaphore(%run_scoped3A : memref<!tpu.dma_semaphore, #tpu.memory_space<semaphore_mem>>)
        %dma_wait3A_207 = arith.constant 0 : i32
        %dma_wait3A_208 = tpu.memref_slice %arg8[%dma_wait3A_207] : memref<32768xf32, #tpu.memory_space<vmem>> -> memref<8192xf32, #tpu.memory_space<vmem>>
        %dma_wait3A_209 = tpu.memref_slice %arg11[%add3A_154] : memref<262144xf32, #tpu.memory_space<vmem_shared>> -> memref<8192xf32, #tpu.memory_space<vmem_shared>>
        %dma_wait3A_210 = arith.constant 0 : i32
        %dma_wait3A_211 = tpu.memref_slice %arg8[%dma_wait3A_210] : memref<32768xf32, #tpu.memory_space<vmem>> -> memref<8192xf32, #tpu.memory_space<vmem>>
        %dma_wait3A_212 = tpu.memref_slice %arg11[%add3A_154] : memref<262144xf32, #tpu.memory_space<vmem_shared>> -> memref<8192xf32, #tpu.memory_space<vmem_shared>>
        tpu.wait_dma2 semaphore(%run_scoped3A : memref<!tpu.dma_semaphore, #tpu.memory_space<semaphore_mem>>) src(%dma_wait3A_212 : memref<8192xf32, #tpu.memory_space<vmem_shared>>) dst(%dma_wait3A_211 : memref<8192xf32, #tpu.memory_space<vmem>>)
        tpu.yield
      }) : () -> ()
      %mul3A_155 = arith.constant 4 : i32
      %mul3A_156 = arith.muli %mul3A_155, %arg1 : i32
      %add3A_157 = arith.constant 1 : i32
      %add3A_158 = arith.addi %mul3A_156, %add3A_157 : i32
      %mul3A_159 = arith.constant 16384 : i32
      %mul3A_160 = arith.muli %add3A_158, %mul3A_159 : i32
      %add3A_161 = arith.constant 8192 : i32
      %add3A_162 = arith.addi %mul3A_160, %add3A_161 : i32
      "tpu.region"() ({
        %run_scoped3A = tpu.sem_alloc : memref<!tpu.dma_semaphore, #tpu.memory_space<semaphore_mem>>
        %dma_start3A_201 = arith.constant 8192 : i32
        %dma_start3A_202 = tpu.memref_slice %arg8[%dma_start3A_201] : memref<32768xf32, #tpu.memory_space<vmem>> -> memref<8192xf32, #tpu.memory_space<vmem>>
        %dma_start3A_203 = tpu.memref_slice %arg11[%add3A_162] : memref<262144xf32, #tpu.memory_space<vmem_shared>> -> memref<8192xf32, #tpu.memory_space<vmem_shared>>
        %dma_start3A_204 = arith.constant 8192 : i32
        %dma_start3A_205 = tpu.memref_slice %arg8[%dma_start3A_204] : memref<32768xf32, #tpu.memory_space<vmem>> -> memref<8192xf32, #tpu.memory_space<vmem>>
        %dma_start3A_206 = tpu.memref_slice %arg11[%add3A_162] : memref<262144xf32, #tpu.memory_space<vmem_shared>> -> memref<8192xf32, #tpu.memory_space<vmem_shared>>
        tpu.enqueue_dma source(%dma_start3A_206 : memref<8192xf32, #tpu.memory_space<vmem_shared>>) target(%dma_start3A_205 : memref<8192xf32, #tpu.memory_space<vmem>>) target_semaphore(%run_scoped3A : memref<!tpu.dma_semaphore, #tpu.memory_space<semaphore_mem>>)
        %dma_wait3A_207 = arith.constant 8192 : i32
        %dma_wait3A_208 = tpu.memref_slice %arg8[%dma_wait3A_207] : memref<32768xf32, #tpu.memory_space<vmem>> -> memref<8192xf32, #tpu.memory_space<vmem>>
        %dma_wait3A_209 = tpu.memref_slice %arg11[%add3A_162] : memref<262144xf32, #tpu.memory_space<vmem_shared>> -> memref<8192xf32, #tpu.memory_space<vmem_shared>>
        %dma_wait3A_210 = arith.constant 8192 : i32
        %dma_wait3A_211 = tpu.memref_slice %arg8[%dma_wait3A_210] : memref<32768xf32, #tpu.memory_space<vmem>> -> memref<8192xf32, #tpu.memory_space<vmem>>
        %dma_wait3A_212 = tpu.memref_slice %arg11[%add3A_162] : memref<262144xf32, #tpu.memory_space<vmem_shared>> -> memref<8192xf32, #tpu.memory_space<vmem_shared>>
        tpu.wait_dma2 semaphore(%run_scoped3A : memref<!tpu.dma_semaphore, #tpu.memory_space<semaphore_mem>>) src(%dma_wait3A_212 : memref<8192xf32, #tpu.memory_space<vmem_shared>>) dst(%dma_wait3A_211 : memref<8192xf32, #tpu.memory_space<vmem>>)
        tpu.yield
      }) : () -> ()
      %mul3A_163 = arith.constant 4 : i32
      %mul3A_164 = arith.muli %mul3A_163, %arg1 : i32
      %add3A_165 = arith.constant 2 : i32
      %add3A_166 = arith.addi %mul3A_164, %add3A_165 : i32
      %mul3A_167 = arith.constant 16384 : i32
      %mul3A_168 = arith.muli %add3A_166, %mul3A_167 : i32
      %add3A_169 = arith.constant 8192 : i32
      %add3A_170 = arith.addi %mul3A_168, %add3A_169 : i32
      "tpu.region"() ({
        %run_scoped3A = tpu.sem_alloc : memref<!tpu.dma_semaphore, #tpu.memory_space<semaphore_mem>>
        %dma_start3A_201 = arith.constant 16384 : i32
        %dma_start3A_202 = tpu.memref_slice %arg8[%dma_start3A_201] : memref<32768xf32, #tpu.memory_space<vmem>> -> memref<8192xf32, #tpu.memory_space<vmem>>
        %dma_start3A_203 = tpu.memref_slice %arg11[%add3A_170] : memref<262144xf32, #tpu.memory_space<vmem_shared>> -> memref<8192xf32, #tpu.memory_space<vmem_shared>>
        %dma_start3A_204 = arith.constant 16384 : i32
        %dma_start3A_205 = tpu.memref_slice %arg8[%dma_start3A_204] : memref<32768xf32, #tpu.memory_space<vmem>> -> memref<8192xf32, #tpu.memory_space<vmem>>
        %dma_start3A_206 = tpu.memref_slice %arg11[%add3A_170] : memref<262144xf32, #tpu.memory_space<vmem_shared>> -> memref<8192xf32, #tpu.memory_space<vmem_shared>>
        tpu.enqueue_dma source(%dma_start3A_206 : memref<8192xf32, #tpu.memory_space<vmem_shared>>) target(%dma_start3A_205 : memref<8192xf32, #tpu.memory_space<vmem>>) target_semaphore(%run_scoped3A : memref<!tpu.dma_semaphore, #tpu.memory_space<semaphore_mem>>)
        %dma_wait3A_207 = arith.constant 16384 : i32
        %dma_wait3A_208 = tpu.memref_slice %arg8[%dma_wait3A_207] : memref<32768xf32, #tpu.memory_space<vmem>> -> memref<8192xf32, #tpu.memory_space<vmem>>
        %dma_wait3A_209 = tpu.memref_slice %arg11[%add3A_170] : memref<262144xf32, #tpu.memory_space<vmem_shared>> -> memref<8192xf32, #tpu.memory_space<vmem_shared>>
        %dma_wait3A_210 = arith.constant 16384 : i32
        %dma_wait3A_211 = tpu.memref_slice %arg8[%dma_wait3A_210] : memref<32768xf32, #tpu.memory_space<vmem>> -> memref<8192xf32, #tpu.memory_space<vmem>>
        %dma_wait3A_212 = tpu.memref_slice %arg11[%add3A_170] : memref<262144xf32, #tpu.memory_space<vmem_shared>> -> memref<8192xf32, #tpu.memory_space<vmem_shared>>
        tpu.wait_dma2 semaphore(%run_scoped3A : memref<!tpu.dma_semaphore, #tpu.memory_space<semaphore_mem>>) src(%dma_wait3A_212 : memref<8192xf32, #tpu.memory_space<vmem_shared>>) dst(%dma_wait3A_211 : memref<8192xf32, #tpu.memory_space<vmem>>)
        tpu.yield
      }) : () -> ()
      %mul3A_171 = arith.constant 4 : i32
      %mul3A_172 = arith.muli %mul3A_171, %arg1 : i32
      %add3A_173 = arith.constant 3 : i32
      %add3A_174 = arith.addi %mul3A_172, %add3A_173 : i32
      %mul3A_175 = arith.constant 16384 : i32
      %mul3A_176 = arith.muli %add3A_174, %mul3A_175 : i32
      %add3A_177 = arith.constant 8192 : i32
      %add3A_178 = arith.addi %mul3A_176, %add3A_177 : i32
      "tpu.region"() ({
        %run_scoped3A = tpu.sem_alloc : memref<!tpu.dma_semaphore, #tpu.memory_space<semaphore_mem>>
        %dma_start3A_201 = arith.constant 24576 : i32
        %dma_start3A_202 = tpu.memref_slice %arg8[%dma_start3A_201] : memref<32768xf32, #tpu.memory_space<vmem>> -> memref<8192xf32, #tpu.memory_space<vmem>>
        %dma_start3A_203 = tpu.memref_slice %arg11[%add3A_178] : memref<262144xf32, #tpu.memory_space<vmem_shared>> -> memref<8192xf32, #tpu.memory_space<vmem_shared>>
        %dma_start3A_204 = arith.constant 24576 : i32
        %dma_start3A_205 = tpu.memref_slice %arg8[%dma_start3A_204] : memref<32768xf32, #tpu.memory_space<vmem>> -> memref<8192xf32, #tpu.memory_space<vmem>>
        %dma_start3A_206 = tpu.memref_slice %arg11[%add3A_178] : memref<262144xf32, #tpu.memory_space<vmem_shared>> -> memref<8192xf32, #tpu.memory_space<vmem_shared>>
        tpu.enqueue_dma source(%dma_start3A_206 : memref<8192xf32, #tpu.memory_space<vmem_shared>>) target(%dma_start3A_205 : memref<8192xf32, #tpu.memory_space<vmem>>) target_semaphore(%run_scoped3A : memref<!tpu.dma_semaphore, #tpu.memory_space<semaphore_mem>>)
        %dma_wait3A_207 = arith.constant 24576 : i32
        %dma_wait3A_208 = tpu.memref_slice %arg8[%dma_wait3A_207] : memref<32768xf32, #tpu.memory_space<vmem>> -> memref<8192xf32, #tpu.memory_space<vmem>>
        %dma_wait3A_209 = tpu.memref_slice %arg11[%add3A_178] : memref<262144xf32, #tpu.memory_space<vmem_shared>> -> memref<8192xf32, #tpu.memory_space<vmem_shared>>
        %dma_wait3A_210 = arith.constant 24576 : i32
        %dma_wait3A_211 = tpu.memref_slice %arg8[%dma_wait3A_210] : memref<32768xf32, #tpu.memory_space<vmem>> -> memref<8192xf32, #tpu.memory_space<vmem>>
        %dma_wait3A_212 = tpu.memref_slice %arg11[%add3A_178] : memref<262144xf32, #tpu.memory_space<vmem_shared>> -> memref<8192xf32, #tpu.memory_space<vmem_shared>>
        tpu.wait_dma2 semaphore(%run_scoped3A : memref<!tpu.dma_semaphore, #tpu.memory_space<semaphore_mem>>) src(%dma_wait3A_212 : memref<8192xf32, #tpu.memory_space<vmem_shared>>) dst(%dma_wait3A_211 : memref<8192xf32, #tpu.memory_space<vmem>>)
        tpu.yield
      }) : () -> ()
      %scan3A_179 = arith.constant 0 : i32
      %scan3A_180 = arith.constant 512 : i32
      %scan3A_181 = arith.addi %scan3A_179, %scan3A_180 : i32
      %scan3A_182 = arith.constant 8 : i32
      %scan3A_183:2 = scf.for %scan3A_201 = %scan3A_179 to %scan3A_181 step %scan3A_182 iter_args(%scan3A_202 = %scan3A_145#0, %scan3A_203 = %scan3A_145#1) -> (f32, vector<16xf32>)  : i32 {
        %mul3A_204 = arith.constant 16 : i32
        %mul3A_205 = arith.muli %scan3A_201, %mul3A_204 : i32
        %get3A_206 = arith.index_cast %mul3A_205 : i32 to index
        %get3A_207 = tpu.vector_load %arg8[%get3A_206] {strides = array<i32>} : memref<32768xf32, #tpu.memory_space<vmem>>, vector<16xf32>,
        %add3A_208 = arith.constant 8192 : i32
        %add3A_209 = arith.addi %add3A_208, %mul3A_205 : i32
        %get3A_210 = arith.index_cast %add3A_209 : i32 to index
        %get3A_211 = tpu.vector_load %arg8[%get3A_210] {strides = array<i32>} : memref<32768xf32, #tpu.memory_space<vmem>>, vector<16xf32>,
        %add3A_212 = arith.addf %get3A_207, %get3A_211 : vector<16xf32>
        %add3A_213 = arith.constant 16384 : i32
        %add3A_214 = arith.addi %add3A_213, %mul3A_205 : i32
        %get3A_215 = arith.index_cast %add3A_214 : i32 to index
        %get3A_216 = tpu.vector_load %arg8[%get3A_215] {strides = array<i32>} : memref<32768xf32, #tpu.memory_space<vmem>>, vector<16xf32>,
        %add3A_217 = arith.addf %add3A_212, %get3A_216 : vector<16xf32>
        %add3A_218 = arith.constant 24576 : i32
        %add3A_219 = arith.addi %add3A_218, %mul3A_205 : i32
        %get3A_220 = arith.index_cast %add3A_219 : i32 to index
        %get3A_221 = tpu.vector_load %arg8[%get3A_220] {strides = array<i32>} : memref<32768xf32, #tpu.memory_space<vmem>>, vector<16xf32>,
        %add3A_222 = arith.addf %add3A_217, %get3A_221 : vector<16xf32>
        %broadcast_in_dim3A_223 = arith.constant true
        %broadcast_in_dim3A_224 = vector.broadcast %broadcast_in_dim3A_223 : i1 to vector<16xi1>
        %masked_cumsum3A = tpu.scan <sum>, %add3A_222 masked %broadcast_in_dim3A_224 : vector<16xf32>, vector<16xi1> -> vector<16xf32>
        %add3A_225 = vector.broadcast %scan3A_202 : f32 to vector<16xf32>
        %add3A_226 = arith.addf %add3A_225, %masked_cumsum3A : vector<16xf32>
        %sub3A_227 = arith.subf %add3A_226, %add3A_222 : vector<16xf32>
        %add3A_228 = vector.broadcast %reduce_sum3A_94 : f32 to vector<16xf32>
        %add3A_229 = arith.addf %add3A_228, %add3A_226 : vector<16xf32>
        %max3A = arith.constant 1.000000e+00 : f32
        %max3A_230 = vector.broadcast %max3A : f32 to vector<16xf32>
        %max3A_231 = arith.maximumf %add3A_229, %max3A_230 : vector<16xf32>
        %div3A_232 = arith.divf %add3A_226, %max3A_231 : vector<16xf32>
        %add3A_233 = vector.broadcast %reduce_sum3A_94 : f32 to vector<16xf32>
        %add3A_234 = arith.addf %add3A_233, %sub3A_227 : vector<16xf32>
        %max3A_235 = arith.constant 1.000000e+00 : f32
        %max3A_236 = vector.broadcast %max3A_235 : f32 to vector<16xf32>
        %max3A_237 = arith.maximumf %add3A_234, %max3A_236 : vector<16xf32>
        %div3A_238 = arith.divf %sub3A_227, %max3A_237 : vector<16xf32>
        %sub3A_239 = arith.subf %div3A_232, %div3A_238 : vector<16xf32>
        %convert_element_type3A_240 = arith.sitofp %scan3A_201 : i32 to f32
        %mul3A_241 = arith.constant 1.600000e+01 : f32
        %mul3A_242 = arith.mulf %convert_element_type3A_240, %mul3A_241 : f32
        %add3A_243 = arith.constant 8.192000e+03 : f32
        %add3A_244 = arith.addf %add3A_243, %mul3A_242 : f32
        %add3A_245 = vector.broadcast %add3A_244 : f32 to vector<16xf32>
        %add3A_246 = arith.addf %add3A_245, %convert_element_type3A_105 : vector<16xf32>
        %add3A_247 = arith.constant 5.000000e-01 : f32
        %add3A_248 = vector.broadcast %add3A_247 : f32 to vector<16xf32>
        %add3A_249 = arith.addf %add3A_246, %add3A_248 : vector<16xf32>
        %mul3A_250 = arith.constant 0.001953125 : f32
        %mul3A_251 = vector.broadcast %mul3A_250 : f32 to vector<16xf32>
        %mul3A_252 = arith.mulf %add3A_249, %mul3A_251 : vector<16xf32>
        %sub3A_253 = arith.constant 1.600000e+01 : f32
        %sub3A_254 = vector.broadcast %sub3A_253 : f32 to vector<16xf32>
        %sub3A_255 = arith.subf %sub3A_254, %mul3A_252 : vector<16xf32>
        %neg3A = arith.constant 0.000000e+00 : f32
        %neg3A_256 = vector.broadcast %neg3A : f32 to vector<16xf32>
        %neg3A_257 = arith.subf %neg3A_256, %sub3A_255 : vector<16xf32>
        %exp3A = math.exp %neg3A_257 : vector<16xf32>
        %add3A_258 = arith.constant 1.000000e+00 : f32
        %add3A_259 = vector.broadcast %add3A_258 : f32 to vector<16xf32>
        %add3A_260 = arith.addf %add3A_259, %exp3A : vector<16xf32>
        %div3A_261 = arith.constant 1.000000e+00 : f32
        %div3A_262 = vector.broadcast %div3A_261 : f32 to vector<16xf32>
        %div3A_263 = arith.divf %div3A_262, %add3A_260 : vector<16xf32>
        %reduce_sum3A_264 = arith.constant true
        %reduce_sum3A_265 = vector.broadcast %reduce_sum3A_264 : i1 to vector<16xi1>
        %reduce_sum3A_266 = tpu.scan <sum>, %add3A_222 masked %reduce_sum3A_265 : vector<16xf32>, vector<16xi1> -> vector<16xf32>
        %reduce_sum3A_267 = vector.extract %reduce_sum3A_266[15] : f32 from vector<16xf32>
        %add3A_268 = arith.addf %scan3A_202, %reduce_sum3A_267 : f32
        %mul3A_269 = arith.mulf %div3A_263, %sub3A_239 : vector<16xf32>
        %add3A_270 = arith.addf %scan3A_203, %mul3A_269 : vector<16xf32>
        %scan3A_271 = arith.constant 1 : i32
        %scan3A_272 = arith.addi %scan3A_201, %scan3A_271 : i32
        %mul3A_273 = arith.constant 16 : i32
        %mul3A_274 = arith.muli %scan3A_272, %mul3A_273 : i32
        %get3A_275 = arith.index_cast %mul3A_274 : i32 to index
        %get3A_276 = tpu.vector_load %arg8[%get3A_275] {strides = array<i32>} : memref<32768xf32, #tpu.memory_space<vmem>>, vector<16xf32>,
        %add3A_277 = arith.constant 8192 : i32
        %add3A_278 = arith.addi %add3A_277, %mul3A_274 : i32
        %get3A_279 = arith.index_cast %add3A_278 : i32 to index
        %get3A_280 = tpu.vector_load %arg8[%get3A_279] {strides = array<i32>} : memref<32768xf32, #tpu.memory_space<vmem>>, vector<16xf32>,
        %add3A_281 = arith.addf %get3A_276, %get3A_280 : vector<16xf32>
        %add3A_282 = arith.constant 16384 : i32
        %add3A_283 = arith.addi %add3A_282, %mul3A_274 : i32
        %get3A_284 = arith.index_cast %add3A_283 : i32 to index
        %get3A_285 = tpu.vector_load %arg8[%get3A_284] {strides = array<i32>} : memref<32768xf32, #tpu.memory_space<vmem>>, vector<16xf32>,
        %add3A_286 = arith.addf %add3A_281, %get3A_285 : vector<16xf32>
        %add3A_287 = arith.constant 24576 : i32
        %add3A_288 = arith.addi %add3A_287, %mul3A_274 : i32
        %get3A_289 = arith.index_cast %add3A_288 : i32 to index
        %get3A_290 = tpu.vector_load %arg8[%get3A_289] {strides = array<i32>} : memref<32768xf32, #tpu.memory_space<vmem>>, vector<16xf32>,
        %add3A_291 = arith.addf %add3A_286, %get3A_290 : vector<16xf32>
        %broadcast_in_dim3A_292 = arith.constant true
        %broadcast_in_dim3A_293 = vector.broadcast %broadcast_in_dim3A_292 : i1 to vector<16xi1>
        %masked_cumsum3A_294 = tpu.scan <sum>, %add3A_291 masked %broadcast_in_dim3A_293 : vector<16xf32>, vector<16xi1> -> vector<16xf32>
        %add3A_295 = vector.broadcast %add3A_268 : f32 to vector<16xf32>
        %add3A_296 = arith.addf %add3A_295, %masked_cumsum3A_294 : vector<16xf32>
        %sub3A_297 = arith.subf %add3A_296, %add3A_291 : vector<16xf32>
        %add3A_298 = vector.broadcast %reduce_sum3A_94 : f32 to vector<16xf32>
        %add3A_299 = arith.addf %add3A_298, %add3A_296 : vector<16xf32>
        %max3A_300 = arith.constant 1.000000e+00 : f32
        %max3A_301 = vector.broadcast %max3A_300 : f32 to vector<16xf32>
        %max3A_302 = arith.maximumf %add3A_299, %max3A_301 : vector<16xf32>
        %div3A_303 = arith.divf %add3A_296, %max3A_302 : vector<16xf32>
        %add3A_304 = vector.broadcast %reduce_sum3A_94 : f32 to vector<16xf32>
        %add3A_305 = arith.addf %add3A_304, %sub3A_297 : vector<16xf32>
        %max3A_306 = arith.constant 1.000000e+00 : f32
        %max3A_307 = vector.broadcast %max3A_306 : f32 to vector<16xf32>
        %max3A_308 = arith.maximumf %add3A_305, %max3A_307 : vector<16xf32>
        %div3A_309 = arith.divf %sub3A_297, %max3A_308 : vector<16xf32>
        %sub3A_310 = arith.subf %div3A_303, %div3A_309 : vector<16xf32>
        %convert_element_type3A_311 = arith.sitofp %scan3A_272 : i32 to f32
        %mul3A_312 = arith.constant 1.600000e+01 : f32
        %mul3A_313 = arith.mulf %convert_element_type3A_311, %mul3A_312 : f32
        %add3A_314 = arith.constant 8.192000e+03 : f32
        %add3A_315 = arith.addf %add3A_314, %mul3A_313 : f32
        %add3A_316 = vector.broadcast %add3A_315 : f32 to vector<16xf32>
        %add3A_317 = arith.addf %add3A_316, %convert_element_type3A_105 : vector<16xf32>
        %add3A_318 = arith.constant 5.000000e-01 : f32
        %add3A_319 = vector.broadcast %add3A_318 : f32 to vector<16xf32>
        %add3A_320 = arith.addf %add3A_317, %add3A_319 : vector<16xf32>
        %mul3A_321 = arith.constant 0.001953125 : f32
        %mul3A_322 = vector.broadcast %mul3A_321 : f32 to vector<16xf32>
        %mul3A_323 = arith.mulf %add3A_320, %mul3A_322 : vector<16xf32>
        %sub3A_324 = arith.constant 1.600000e+01 : f32
        %sub3A_325 = vector.broadcast %sub3A_324 : f32 to vector<16xf32>
        %sub3A_326 = arith.subf %sub3A_325, %mul3A_323 : vector<16xf32>
        %neg3A_327 = arith.constant 0.000000e+00 : f32
        %neg3A_328 = vector.broadcast %neg3A_327 : f32 to vector<16xf32>
        %neg3A_329 = arith.subf %neg3A_328, %sub3A_326 : vector<16xf32>
        %exp3A_330 = math.exp %neg3A_329 : vector<16xf32>
        %add3A_331 = arith.constant 1.000000e+00 : f32
        %add3A_332 = vector.broadcast %add3A_331 : f32 to vector<16xf32>
        %add3A_333 = arith.addf %add3A_332, %exp3A_330 : vector<16xf32>
        %div3A_334 = arith.constant 1.000000e+00 : f32
        %div3A_335 = vector.broadcast %div3A_334 : f32 to vector<16xf32>
        %div3A_336 = arith.divf %div3A_335, %add3A_333 : vector<16xf32>
        %reduce_sum3A_337 = arith.constant true
        %reduce_sum3A_338 = vector.broadcast %reduce_sum3A_337 : i1 to vector<16xi1>
        %reduce_sum3A_339 = tpu.scan <sum>, %add3A_291 masked %reduce_sum3A_338 : vector<16xf32>, vector<16xi1> -> vector<16xf32>
        %reduce_sum3A_340 = vector.extract %reduce_sum3A_339[15] : f32 from vector<16xf32>
        %add3A_341 = arith.addf %add3A_268, %reduce_sum3A_340 : f32
        %mul3A_342 = arith.mulf %div3A_336, %sub3A_310 : vector<16xf32>
        %add3A_343 = arith.addf %add3A_270, %mul3A_342 : vector<16xf32>
        %scan3A_344 = arith.constant 2 : i32
        %scan3A_345 = arith.addi %scan3A_201, %scan3A_344 : i32
        %mul3A_346 = arith.constant 16 : i32
        %mul3A_347 = arith.muli %scan3A_345, %mul3A_346 : i32
        %get3A_348 = arith.index_cast %mul3A_347 : i32 to index
        %get3A_349 = tpu.vector_load %arg8[%get3A_348] {strides = array<i32>} : memref<32768xf32, #tpu.memory_space<vmem>>, vector<16xf32>,
        %add3A_350 = arith.constant 8192 : i32
        %add3A_351 = arith.addi %add3A_350, %mul3A_347 : i32
        %get3A_352 = arith.index_cast %add3A_351 : i32 to index
        %get3A_353 = tpu.vector_load %arg8[%get3A_352] {strides = array<i32>} : memref<32768xf32, #tpu.memory_space<vmem>>, vector<16xf32>,
        %add3A_354 = arith.addf %get3A_349, %get3A_353 : vector<16xf32>
        %add3A_355 = arith.constant 16384 : i32
        %add3A_356 = arith.addi %add3A_355, %mul3A_347 : i32
        %get3A_357 = arith.index_cast %add3A_356 : i32 to index
        %get3A_358 = tpu.vector_load %arg8[%get3A_357] {strides = array<i32>} : memref<32768xf32, #tpu.memory_space<vmem>>, vector<16xf32>,
        %add3A_359 = arith.addf %add3A_354, %get3A_358 : vector<16xf32>
        %add3A_360 = arith.constant 24576 : i32
        %add3A_361 = arith.addi %add3A_360, %mul3A_347 : i32
        %get3A_362 = arith.index_cast %add3A_361 : i32 to index
        %get3A_363 = tpu.vector_load %arg8[%get3A_362] {strides = array<i32>} : memref<32768xf32, #tpu.memory_space<vmem>>, vector<16xf32>,
        %add3A_364 = arith.addf %add3A_359, %get3A_363 : vector<16xf32>
        %broadcast_in_dim3A_365 = arith.constant true
        %broadcast_in_dim3A_366 = vector.broadcast %broadcast_in_dim3A_365 : i1 to vector<16xi1>
        %masked_cumsum3A_367 = tpu.scan <sum>, %add3A_364 masked %broadcast_in_dim3A_366 : vector<16xf32>, vector<16xi1> -> vector<16xf32>
        %add3A_368 = vector.broadcast %add3A_341 : f32 to vector<16xf32>
        %add3A_369 = arith.addf %add3A_368, %masked_cumsum3A_367 : vector<16xf32>
        %sub3A_370 = arith.subf %add3A_369, %add3A_364 : vector<16xf32>
        %add3A_371 = vector.broadcast %reduce_sum3A_94 : f32 to vector<16xf32>
        %add3A_372 = arith.addf %add3A_371, %add3A_369 : vector<16xf32>
        %max3A_373 = arith.constant 1.000000e+00 : f32
        %max3A_374 = vector.broadcast %max3A_373 : f32 to vector<16xf32>
        %max3A_375 = arith.maximumf %add3A_372, %max3A_374 : vector<16xf32>
        %div3A_376 = arith.divf %add3A_369, %max3A_375 : vector<16xf32>
        %add3A_377 = vector.broadcast %reduce_sum3A_94 : f32 to vector<16xf32>
        %add3A_378 = arith.addf %add3A_377, %sub3A_370 : vector<16xf32>
        %max3A_379 = arith.constant 1.000000e+00 : f32
        %max3A_380 = vector.broadcast %max3A_379 : f32 to vector<16xf32>
        %max3A_381 = arith.maximumf %add3A_378, %max3A_380 : vector<16xf32>
        %div3A_382 = arith.divf %sub3A_370, %max3A_381 : vector<16xf32>
        %sub3A_383 = arith.subf %div3A_376, %div3A_382 : vector<16xf32>
        %convert_element_type3A_384 = arith.sitofp %scan3A_345 : i32 to f32
        %mul3A_385 = arith.constant 1.600000e+01 : f32
        %mul3A_386 = arith.mulf %convert_element_type3A_384, %mul3A_385 : f32
        %add3A_387 = arith.constant 8.192000e+03 : f32
        %add3A_388 = arith.addf %add3A_387, %mul3A_386 : f32
        %add3A_389 = vector.broadcast %add3A_388 : f32 to vector<16xf32>
        %add3A_390 = arith.addf %add3A_389, %convert_element_type3A_105 : vector<16xf32>
        %add3A_391 = arith.constant 5.000000e-01 : f32
        %add3A_392 = vector.broadcast %add3A_391 : f32 to vector<16xf32>
        %add3A_393 = arith.addf %add3A_390, %add3A_392 : vector<16xf32>
        %mul3A_394 = arith.constant 0.001953125 : f32
        %mul3A_395 = vector.broadcast %mul3A_394 : f32 to vector<16xf32>
        %mul3A_396 = arith.mulf %add3A_393, %mul3A_395 : vector<16xf32>
        %sub3A_397 = arith.constant 1.600000e+01 : f32
        %sub3A_398 = vector.broadcast %sub3A_397 : f32 to vector<16xf32>
        %sub3A_399 = arith.subf %sub3A_398, %mul3A_396 : vector<16xf32>
        %neg3A_400 = arith.constant 0.000000e+00 : f32
        %neg3A_401 = vector.broadcast %neg3A_400 : f32 to vector<16xf32>
        %neg3A_402 = arith.subf %neg3A_401, %sub3A_399 : vector<16xf32>
        %exp3A_403 = math.exp %neg3A_402 : vector<16xf32>
        %add3A_404 = arith.constant 1.000000e+00 : f32
        %add3A_405 = vector.broadcast %add3A_404 : f32 to vector<16xf32>
        %add3A_406 = arith.addf %add3A_405, %exp3A_403 : vector<16xf32>
        %div3A_407 = arith.constant 1.000000e+00 : f32
        %div3A_408 = vector.broadcast %div3A_407 : f32 to vector<16xf32>
        %div3A_409 = arith.divf %div3A_408, %add3A_406 : vector<16xf32>
        %reduce_sum3A_410 = arith.constant true
        %reduce_sum3A_411 = vector.broadcast %reduce_sum3A_410 : i1 to vector<16xi1>
        %reduce_sum3A_412 = tpu.scan <sum>, %add3A_364 masked %reduce_sum3A_411 : vector<16xf32>, vector<16xi1> -> vector<16xf32>
        %reduce_sum3A_413 = vector.extract %reduce_sum3A_412[15] : f32 from vector<16xf32>
        %add3A_414 = arith.addf %add3A_341, %reduce_sum3A_413 : f32
        %mul3A_415 = arith.mulf %div3A_409, %sub3A_383 : vector<16xf32>
        %add3A_416 = arith.addf %add3A_343, %mul3A_415 : vector<16xf32>
        %scan3A_417 = arith.constant 3 : i32
        %scan3A_418 = arith.addi %scan3A_201, %scan3A_417 : i32
        %mul3A_419 = arith.constant 16 : i32
        %mul3A_420 = arith.muli %scan3A_418, %mul3A_419 : i32
        %get3A_421 = arith.index_cast %mul3A_420 : i32 to index
        %get3A_422 = tpu.vector_load %arg8[%get3A_421] {strides = array<i32>} : memref<32768xf32, #tpu.memory_space<vmem>>, vector<16xf32>,
        %add3A_423 = arith.constant 8192 : i32
        %add3A_424 = arith.addi %add3A_423, %mul3A_420 : i32
        %get3A_425 = arith.index_cast %add3A_424 : i32 to index
        %get3A_426 = tpu.vector_load %arg8[%get3A_425] {strides = array<i32>} : memref<32768xf32, #tpu.memory_space<vmem>>, vector<16xf32>,
        %add3A_427 = arith.addf %get3A_422, %get3A_426 : vector<16xf32>
        %add3A_428 = arith.constant 16384 : i32
        %add3A_429 = arith.addi %add3A_428, %mul3A_420 : i32
        %get3A_430 = arith.index_cast %add3A_429 : i32 to index
        %get3A_431 = tpu.vector_load %arg8[%get3A_430] {strides = array<i32>} : memref<32768xf32, #tpu.memory_space<vmem>>, vector<16xf32>,
        %add3A_432 = arith.addf %add3A_427, %get3A_431 : vector<16xf32>
        %add3A_433 = arith.constant 24576 : i32
        %add3A_434 = arith.addi %add3A_433, %mul3A_420 : i32
        %get3A_435 = arith.index_cast %add3A_434 : i32 to index
        %get3A_436 = tpu.vector_load %arg8[%get3A_435] {strides = array<i32>} : memref<32768xf32, #tpu.memory_space<vmem>>, vector<16xf32>,
        %add3A_437 = arith.addf %add3A_432, %get3A_436 : vector<16xf32>
        %broadcast_in_dim3A_438 = arith.constant true
        %broadcast_in_dim3A_439 = vector.broadcast %broadcast_in_dim3A_438 : i1 to vector<16xi1>
        %masked_cumsum3A_440 = tpu.scan <sum>, %add3A_437 masked %broadcast_in_dim3A_439 : vector<16xf32>, vector<16xi1> -> vector<16xf32>
        %add3A_441 = vector.broadcast %add3A_414 : f32 to vector<16xf32>
        %add3A_442 = arith.addf %add3A_441, %masked_cumsum3A_440 : vector<16xf32>
        %sub3A_443 = arith.subf %add3A_442, %add3A_437 : vector<16xf32>
        %add3A_444 = vector.broadcast %reduce_sum3A_94 : f32 to vector<16xf32>
        %add3A_445 = arith.addf %add3A_444, %add3A_442 : vector<16xf32>
        %max3A_446 = arith.constant 1.000000e+00 : f32
        %max3A_447 = vector.broadcast %max3A_446 : f32 to vector<16xf32>
        %max3A_448 = arith.maximumf %add3A_445, %max3A_447 : vector<16xf32>
        %div3A_449 = arith.divf %add3A_442, %max3A_448 : vector<16xf32>
        %add3A_450 = vector.broadcast %reduce_sum3A_94 : f32 to vector<16xf32>
        %add3A_451 = arith.addf %add3A_450, %sub3A_443 : vector<16xf32>
        %max3A_452 = arith.constant 1.000000e+00 : f32
        %max3A_453 = vector.broadcast %max3A_452 : f32 to vector<16xf32>
        %max3A_454 = arith.maximumf %add3A_451, %max3A_453 : vector<16xf32>
        %div3A_455 = arith.divf %sub3A_443, %max3A_454 : vector<16xf32>
        %sub3A_456 = arith.subf %div3A_449, %div3A_455 : vector<16xf32>
        %convert_element_type3A_457 = arith.sitofp %scan3A_418 : i32 to f32
        %mul3A_458 = arith.constant 1.600000e+01 : f32
        %mul3A_459 = arith.mulf %convert_element_type3A_457, %mul3A_458 : f32
        %add3A_460 = arith.constant 8.192000e+03 : f32
        %add3A_461 = arith.addf %add3A_460, %mul3A_459 : f32
        %add3A_462 = vector.broadcast %add3A_461 : f32 to vector<16xf32>
        %add3A_463 = arith.addf %add3A_462, %convert_element_type3A_105 : vector<16xf32>
        %add3A_464 = arith.constant 5.000000e-01 : f32
        %add3A_465 = vector.broadcast %add3A_464 : f32 to vector<16xf32>
        %add3A_466 = arith.addf %add3A_463, %add3A_465 : vector<16xf32>
        %mul3A_467 = arith.constant 0.001953125 : f32
        %mul3A_468 = vector.broadcast %mul3A_467 : f32 to vector<16xf32>
        %mul3A_469 = arith.mulf %add3A_466, %mul3A_468 : vector<16xf32>
        %sub3A_470 = arith.constant 1.600000e+01 : f32
        %sub3A_471 = vector.broadcast %sub3A_470 : f32 to vector<16xf32>
        %sub3A_472 = arith.subf %sub3A_471, %mul3A_469 : vector<16xf32>
        %neg3A_473 = arith.constant 0.000000e+00 : f32
        %neg3A_474 = vector.broadcast %neg3A_473 : f32 to vector<16xf32>
        %neg3A_475 = arith.subf %neg3A_474, %sub3A_472 : vector<16xf32>
        %exp3A_476 = math.exp %neg3A_475 : vector<16xf32>
        %add3A_477 = arith.constant 1.000000e+00 : f32
        %add3A_478 = vector.broadcast %add3A_477 : f32 to vector<16xf32>
        %add3A_479 = arith.addf %add3A_478, %exp3A_476 : vector<16xf32>
        %div3A_480 = arith.constant 1.000000e+00 : f32
        %div3A_481 = vector.broadcast %div3A_480 : f32 to vector<16xf32>
        %div3A_482 = arith.divf %div3A_481, %add3A_479 : vector<16xf32>
        %reduce_sum3A_483 = arith.constant true
        %reduce_sum3A_484 = vector.broadcast %reduce_sum3A_483 : i1 to vector<16xi1>
        %reduce_sum3A_485 = tpu.scan <sum>, %add3A_437 masked %reduce_sum3A_484 : vector<16xf32>, vector<16xi1> -> vector<16xf32>
        %reduce_sum3A_486 = vector.extract %reduce_sum3A_485[15] : f32 from vector<16xf32>
        %add3A_487 = arith.addf %add3A_414, %reduce_sum3A_486 : f32
        %mul3A_488 = arith.mulf %div3A_482, %sub3A_456 : vector<16xf32>
        %add3A_489 = arith.addf %add3A_416, %mul3A_488 : vector<16xf32>
        %scan3A_490 = arith.constant 4 : i32
        %scan3A_491 = arith.addi %scan3A_201, %scan3A_490 : i32
        %mul3A_492 = arith.constant 16 : i32
        %mul3A_493 = arith.muli %scan3A_491, %mul3A_492 : i32
        %get3A_494 = arith.index_cast %mul3A_493 : i32 to index
        %get3A_495 = tpu.vector_load %arg8[%get3A_494] {strides = array<i32>} : memref<32768xf32, #tpu.memory_space<vmem>>, vector<16xf32>,
        %add3A_496 = arith.constant 8192 : i32
        %add3A_497 = arith.addi %add3A_496, %mul3A_493 : i32
        %get3A_498 = arith.index_cast %add3A_497 : i32 to index
        %get3A_499 = tpu.vector_load %arg8[%get3A_498] {strides = array<i32>} : memref<32768xf32, #tpu.memory_space<vmem>>, vector<16xf32>,
        %add3A_500 = arith.addf %get3A_495, %get3A_499 : vector<16xf32>
        %add3A_501 = arith.constant 16384 : i32
        %add3A_502 = arith.addi %add3A_501, %mul3A_493 : i32
        %get3A_503 = arith.index_cast %add3A_502 : i32 to index
        %get3A_504 = tpu.vector_load %arg8[%get3A_503] {strides = array<i32>} : memref<32768xf32, #tpu.memory_space<vmem>>, vector<16xf32>,
        %add3A_505 = arith.addf %add3A_500, %get3A_504 : vector<16xf32>
        %add3A_506 = arith.constant 24576 : i32
        %add3A_507 = arith.addi %add3A_506, %mul3A_493 : i32
        %get3A_508 = arith.index_cast %add3A_507 : i32 to index
        %get3A_509 = tpu.vector_load %arg8[%get3A_508] {strides = array<i32>} : memref<32768xf32, #tpu.memory_space<vmem>>, vector<16xf32>,
        %add3A_510 = arith.addf %add3A_505, %get3A_509 : vector<16xf32>
        %broadcast_in_dim3A_511 = arith.constant true
        %broadcast_in_dim3A_512 = vector.broadcast %broadcast_in_dim3A_511 : i1 to vector<16xi1>
        %masked_cumsum3A_513 = tpu.scan <sum>, %add3A_510 masked %broadcast_in_dim3A_512 : vector<16xf32>, vector<16xi1> -> vector<16xf32>
        %add3A_514 = vector.broadcast %add3A_487 : f32 to vector<16xf32>
        %add3A_515 = arith.addf %add3A_514, %masked_cumsum3A_513 : vector<16xf32>
        %sub3A_516 = arith.subf %add3A_515, %add3A_510 : vector<16xf32>
        %add3A_517 = vector.broadcast %reduce_sum3A_94 : f32 to vector<16xf32>
        %add3A_518 = arith.addf %add3A_517, %add3A_515 : vector<16xf32>
        %max3A_519 = arith.constant 1.000000e+00 : f32
        %max3A_520 = vector.broadcast %max3A_519 : f32 to vector<16xf32>
        %max3A_521 = arith.maximumf %add3A_518, %max3A_520 : vector<16xf32>
        %div3A_522 = arith.divf %add3A_515, %max3A_521 : vector<16xf32>
        %add3A_523 = vector.broadcast %reduce_sum3A_94 : f32 to vector<16xf32>
        %add3A_524 = arith.addf %add3A_523, %sub3A_516 : vector<16xf32>
        %max3A_525 = arith.constant 1.000000e+00 : f32
        %max3A_526 = vector.broadcast %max3A_525 : f32 to vector<16xf32>
        %max3A_527 = arith.maximumf %add3A_524, %max3A_526 : vector<16xf32>
        %div3A_528 = arith.divf %sub3A_516, %max3A_527 : vector<16xf32>
        %sub3A_529 = arith.subf %div3A_522, %div3A_528 : vector<16xf32>
        %convert_element_type3A_530 = arith.sitofp %scan3A_491 : i32 to f32
        %mul3A_531 = arith.constant 1.600000e+01 : f32
        %mul3A_532 = arith.mulf %convert_element_type3A_530, %mul3A_531 : f32
        %add3A_533 = arith.constant 8.192000e+03 : f32
        %add3A_534 = arith.addf %add3A_533, %mul3A_532 : f32
        %add3A_535 = vector.broadcast %add3A_534 : f32 to vector<16xf32>
        %add3A_536 = arith.addf %add3A_535, %convert_element_type3A_105 : vector<16xf32>
        %add3A_537 = arith.constant 5.000000e-01 : f32
        %add3A_538 = vector.broadcast %add3A_537 : f32 to vector<16xf32>
        %add3A_539 = arith.addf %add3A_536, %add3A_538 : vector<16xf32>
        %mul3A_540 = arith.constant 0.001953125 : f32
        %mul3A_541 = vector.broadcast %mul3A_540 : f32 to vector<16xf32>
        %mul3A_542 = arith.mulf %add3A_539, %mul3A_541 : vector<16xf32>
        %sub3A_543 = arith.constant 1.600000e+01 : f32
        %sub3A_544 = vector.broadcast %sub3A_543 : f32 to vector<16xf32>
        %sub3A_545 = arith.subf %sub3A_544, %mul3A_542 : vector<16xf32>
        %neg3A_546 = arith.constant 0.000000e+00 : f32
        %neg3A_547 = vector.broadcast %neg3A_546 : f32 to vector<16xf32>
        %neg3A_548 = arith.subf %neg3A_547, %sub3A_545 : vector<16xf32>
        %exp3A_549 = math.exp %neg3A_548 : vector<16xf32>
        %add3A_550 = arith.constant 1.000000e+00 : f32
        %add3A_551 = vector.broadcast %add3A_550 : f32 to vector<16xf32>
        %add3A_552 = arith.addf %add3A_551, %exp3A_549 : vector<16xf32>
        %div3A_553 = arith.constant 1.000000e+00 : f32
        %div3A_554 = vector.broadcast %div3A_553 : f32 to vector<16xf32>
        %div3A_555 = arith.divf %div3A_554, %add3A_552 : vector<16xf32>
        %reduce_sum3A_556 = arith.constant true
        %reduce_sum3A_557 = vector.broadcast %reduce_sum3A_556 : i1 to vector<16xi1>
        %reduce_sum3A_558 = tpu.scan <sum>, %add3A_510 masked %reduce_sum3A_557 : vector<16xf32>, vector<16xi1> -> vector<16xf32>
        %reduce_sum3A_559 = vector.extract %reduce_sum3A_558[15] : f32 from vector<16xf32>
        %add3A_560 = arith.addf %add3A_487, %reduce_sum3A_559 : f32
        %mul3A_561 = arith.mulf %div3A_555, %sub3A_529 : vector<16xf32>
        %add3A_562 = arith.addf %add3A_489, %mul3A_561 : vector<16xf32>
        %scan3A_563 = arith.constant 5 : i32
        %scan3A_564 = arith.addi %scan3A_201, %scan3A_563 : i32
        %mul3A_565 = arith.constant 16 : i32
        %mul3A_566 = arith.muli %scan3A_564, %mul3A_565 : i32
        %get3A_567 = arith.index_cast %mul3A_566 : i32 to index
        %get3A_568 = tpu.vector_load %arg8[%get3A_567] {strides = array<i32>} : memref<32768xf32, #tpu.memory_space<vmem>>, vector<16xf32>,
        %add3A_569 = arith.constant 8192 : i32
        %add3A_570 = arith.addi %add3A_569, %mul3A_566 : i32
        %get3A_571 = arith.index_cast %add3A_570 : i32 to index
        %get3A_572 = tpu.vector_load %arg8[%get3A_571] {strides = array<i32>} : memref<32768xf32, #tpu.memory_space<vmem>>, vector<16xf32>,
        %add3A_573 = arith.addf %get3A_568, %get3A_572 : vector<16xf32>
        %add3A_574 = arith.constant 16384 : i32
        %add3A_575 = arith.addi %add3A_574, %mul3A_566 : i32
        %get3A_576 = arith.index_cast %add3A_575 : i32 to index
        %get3A_577 = tpu.vector_load %arg8[%get3A_576] {strides = array<i32>} : memref<32768xf32, #tpu.memory_space<vmem>>, vector<16xf32>,
        %add3A_578 = arith.addf %add3A_573, %get3A_577 : vector<16xf32>
        %add3A_579 = arith.constant 24576 : i32
        %add3A_580 = arith.addi %add3A_579, %mul3A_566 : i32
        %get3A_581 = arith.index_cast %add3A_580 : i32 to index
        %get3A_582 = tpu.vector_load %arg8[%get3A_581] {strides = array<i32>} : memref<32768xf32, #tpu.memory_space<vmem>>, vector<16xf32>,
        %add3A_583 = arith.addf %add3A_578, %get3A_582 : vector<16xf32>
        %broadcast_in_dim3A_584 = arith.constant true
        %broadcast_in_dim3A_585 = vector.broadcast %broadcast_in_dim3A_584 : i1 to vector<16xi1>
        %masked_cumsum3A_586 = tpu.scan <sum>, %add3A_583 masked %broadcast_in_dim3A_585 : vector<16xf32>, vector<16xi1> -> vector<16xf32>
        %add3A_587 = vector.broadcast %add3A_560 : f32 to vector<16xf32>
        %add3A_588 = arith.addf %add3A_587, %masked_cumsum3A_586 : vector<16xf32>
        %sub3A_589 = arith.subf %add3A_588, %add3A_583 : vector<16xf32>
        %add3A_590 = vector.broadcast %reduce_sum3A_94 : f32 to vector<16xf32>
        %add3A_591 = arith.addf %add3A_590, %add3A_588 : vector<16xf32>
        %max3A_592 = arith.constant 1.000000e+00 : f32
        %max3A_593 = vector.broadcast %max3A_592 : f32 to vector<16xf32>
        %max3A_594 = arith.maximumf %add3A_591, %max3A_593 : vector<16xf32>
        %div3A_595 = arith.divf %add3A_588, %max3A_594 : vector<16xf32>
        %add3A_596 = vector.broadcast %reduce_sum3A_94 : f32 to vector<16xf32>
        %add3A_597 = arith.addf %add3A_596, %sub3A_589 : vector<16xf32>
        %max3A_598 = arith.constant 1.000000e+00 : f32
        %max3A_599 = vector.broadcast %max3A_598 : f32 to vector<16xf32>
        %max3A_600 = arith.maximumf %add3A_597, %max3A_599 : vector<16xf32>
        %div3A_601 = arith.divf %sub3A_589, %max3A_600 : vector<16xf32>
        %sub3A_602 = arith.subf %div3A_595, %div3A_601 : vector<16xf32>
        %convert_element_type3A_603 = arith.sitofp %scan3A_564 : i32 to f32
        %mul3A_604 = arith.constant 1.600000e+01 : f32
        %mul3A_605 = arith.mulf %convert_element_type3A_603, %mul3A_604 : f32
        %add3A_606 = arith.constant 8.192000e+03 : f32
        %add3A_607 = arith.addf %add3A_606, %mul3A_605 : f32
        %add3A_608 = vector.broadcast %add3A_607 : f32 to vector<16xf32>
        %add3A_609 = arith.addf %add3A_608, %convert_element_type3A_105 : vector<16xf32>
        %add3A_610 = arith.constant 5.000000e-01 : f32
        %add3A_611 = vector.broadcast %add3A_610 : f32 to vector<16xf32>
        %add3A_612 = arith.addf %add3A_609, %add3A_611 : vector<16xf32>
        %mul3A_613 = arith.constant 0.001953125 : f32
        %mul3A_614 = vector.broadcast %mul3A_613 : f32 to vector<16xf32>
        %mul3A_615 = arith.mulf %add3A_612, %mul3A_614 : vector<16xf32>
        %sub3A_616 = arith.constant 1.600000e+01 : f32
        %sub3A_617 = vector.broadcast %sub3A_616 : f32 to vector<16xf32>
        %sub3A_618 = arith.subf %sub3A_617, %mul3A_615 : vector<16xf32>
        %neg3A_619 = arith.constant 0.000000e+00 : f32
        %neg3A_620 = vector.broadcast %neg3A_619 : f32 to vector<16xf32>
        %neg3A_621 = arith.subf %neg3A_620, %sub3A_618 : vector<16xf32>
        %exp3A_622 = math.exp %neg3A_621 : vector<16xf32>
        %add3A_623 = arith.constant 1.000000e+00 : f32
        %add3A_624 = vector.broadcast %add3A_623 : f32 to vector<16xf32>
        %add3A_625 = arith.addf %add3A_624, %exp3A_622 : vector<16xf32>
        %div3A_626 = arith.constant 1.000000e+00 : f32
        %div3A_627 = vector.broadcast %div3A_626 : f32 to vector<16xf32>
        %div3A_628 = arith.divf %div3A_627, %add3A_625 : vector<16xf32>
        %reduce_sum3A_629 = arith.constant true
        %reduce_sum3A_630 = vector.broadcast %reduce_sum3A_629 : i1 to vector<16xi1>
        %reduce_sum3A_631 = tpu.scan <sum>, %add3A_583 masked %reduce_sum3A_630 : vector<16xf32>, vector<16xi1> -> vector<16xf32>
        %reduce_sum3A_632 = vector.extract %reduce_sum3A_631[15] : f32 from vector<16xf32>
        %add3A_633 = arith.addf %add3A_560, %reduce_sum3A_632 : f32
        %mul3A_634 = arith.mulf %div3A_628, %sub3A_602 : vector<16xf32>
        %add3A_635 = arith.addf %add3A_562, %mul3A_634 : vector<16xf32>
        %scan3A_636 = arith.constant 6 : i32
        %scan3A_637 = arith.addi %scan3A_201, %scan3A_636 : i32
        %mul3A_638 = arith.constant 16 : i32
        %mul3A_639 = arith.muli %scan3A_637, %mul3A_638 : i32
        %get3A_640 = arith.index_cast %mul3A_639 : i32 to index
        %get3A_641 = tpu.vector_load %arg8[%get3A_640] {strides = array<i32>} : memref<32768xf32, #tpu.memory_space<vmem>>, vector<16xf32>,
        %add3A_642 = arith.constant 8192 : i32
        %add3A_643 = arith.addi %add3A_642, %mul3A_639 : i32
        %get3A_644 = arith.index_cast %add3A_643 : i32 to index
        %get3A_645 = tpu.vector_load %arg8[%get3A_644] {strides = array<i32>} : memref<32768xf32, #tpu.memory_space<vmem>>, vector<16xf32>,
        %add3A_646 = arith.addf %get3A_641, %get3A_645 : vector<16xf32>
        %add3A_647 = arith.constant 16384 : i32
        %add3A_648 = arith.addi %add3A_647, %mul3A_639 : i32
        %get3A_649 = arith.index_cast %add3A_648 : i32 to index
        %get3A_650 = tpu.vector_load %arg8[%get3A_649] {strides = array<i32>} : memref<32768xf32, #tpu.memory_space<vmem>>, vector<16xf32>,
        %add3A_651 = arith.addf %add3A_646, %get3A_650 : vector<16xf32>
        %add3A_652 = arith.constant 24576 : i32
        %add3A_653 = arith.addi %add3A_652, %mul3A_639 : i32
        %get3A_654 = arith.index_cast %add3A_653 : i32 to index
        %get3A_655 = tpu.vector_load %arg8[%get3A_654] {strides = array<i32>} : memref<32768xf32, #tpu.memory_space<vmem>>, vector<16xf32>,
        %add3A_656 = arith.addf %add3A_651, %get3A_655 : vector<16xf32>
        %broadcast_in_dim3A_657 = arith.constant true
        %broadcast_in_dim3A_658 = vector.broadcast %broadcast_in_dim3A_657 : i1 to vector<16xi1>
        %masked_cumsum3A_659 = tpu.scan <sum>, %add3A_656 masked %broadcast_in_dim3A_658 : vector<16xf32>, vector<16xi1> -> vector<16xf32>
        %add3A_660 = vector.broadcast %add3A_633 : f32 to vector<16xf32>
        %add3A_661 = arith.addf %add3A_660, %masked_cumsum3A_659 : vector<16xf32>
        %sub3A_662 = arith.subf %add3A_661, %add3A_656 : vector<16xf32>
        %add3A_663 = vector.broadcast %reduce_sum3A_94 : f32 to vector<16xf32>
        %add3A_664 = arith.addf %add3A_663, %add3A_661 : vector<16xf32>
        %max3A_665 = arith.constant 1.000000e+00 : f32
        %max3A_666 = vector.broadcast %max3A_665 : f32 to vector<16xf32>
        %max3A_667 = arith.maximumf %add3A_664, %max3A_666 : vector<16xf32>
        %div3A_668 = arith.divf %add3A_661, %max3A_667 : vector<16xf32>
        %add3A_669 = vector.broadcast %reduce_sum3A_94 : f32 to vector<16xf32>
        %add3A_670 = arith.addf %add3A_669, %sub3A_662 : vector<16xf32>
        %max3A_671 = arith.constant 1.000000e+00 : f32
        %max3A_672 = vector.broadcast %max3A_671 : f32 to vector<16xf32>
        %max3A_673 = arith.maximumf %add3A_670, %max3A_672 : vector<16xf32>
        %div3A_674 = arith.divf %sub3A_662, %max3A_673 : vector<16xf32>
        %sub3A_675 = arith.subf %div3A_668, %div3A_674 : vector<16xf32>
        %convert_element_type3A_676 = arith.sitofp %scan3A_637 : i32 to f32
        %mul3A_677 = arith.constant 1.600000e+01 : f32
        %mul3A_678 = arith.mulf %convert_element_type3A_676, %mul3A_677 : f32
        %add3A_679 = arith.constant 8.192000e+03 : f32
        %add3A_680 = arith.addf %add3A_679, %mul3A_678 : f32
        %add3A_681 = vector.broadcast %add3A_680 : f32 to vector<16xf32>
        %add3A_682 = arith.addf %add3A_681, %convert_element_type3A_105 : vector<16xf32>
        %add3A_683 = arith.constant 5.000000e-01 : f32
        %add3A_684 = vector.broadcast %add3A_683 : f32 to vector<16xf32>
        %add3A_685 = arith.addf %add3A_682, %add3A_684 : vector<16xf32>
        %mul3A_686 = arith.constant 0.001953125 : f32
        %mul3A_687 = vector.broadcast %mul3A_686 : f32 to vector<16xf32>
        %mul3A_688 = arith.mulf %add3A_685, %mul3A_687 : vector<16xf32>
        %sub3A_689 = arith.constant 1.600000e+01 : f32
        %sub3A_690 = vector.broadcast %sub3A_689 : f32 to vector<16xf32>
        %sub3A_691 = arith.subf %sub3A_690, %mul3A_688 : vector<16xf32>
        %neg3A_692 = arith.constant 0.000000e+00 : f32
        %neg3A_693 = vector.broadcast %neg3A_692 : f32 to vector<16xf32>
        %neg3A_694 = arith.subf %neg3A_693, %sub3A_691 : vector<16xf32>
        %exp3A_695 = math.exp %neg3A_694 : vector<16xf32>
        %add3A_696 = arith.constant 1.000000e+00 : f32
        %add3A_697 = vector.broadcast %add3A_696 : f32 to vector<16xf32>
        %add3A_698 = arith.addf %add3A_697, %exp3A_695 : vector<16xf32>
        %div3A_699 = arith.constant 1.000000e+00 : f32
        %div3A_700 = vector.broadcast %div3A_699 : f32 to vector<16xf32>
        %div3A_701 = arith.divf %div3A_700, %add3A_698 : vector<16xf32>
        %reduce_sum3A_702 = arith.constant true
        %reduce_sum3A_703 = vector.broadcast %reduce_sum3A_702 : i1 to vector<16xi1>
        %reduce_sum3A_704 = tpu.scan <sum>, %add3A_656 masked %reduce_sum3A_703 : vector<16xf32>, vector<16xi1> -> vector<16xf32>
        %reduce_sum3A_705 = vector.extract %reduce_sum3A_704[15] : f32 from vector<16xf32>
        %add3A_706 = arith.addf %add3A_633, %reduce_sum3A_705 : f32
        %mul3A_707 = arith.mulf %div3A_701, %sub3A_675 : vector<16xf32>
        %add3A_708 = arith.addf %add3A_635, %mul3A_707 : vector<16xf32>
        %scan3A_709 = arith.constant 7 : i32
        %scan3A_710 = arith.addi %scan3A_201, %scan3A_709 : i32
        %mul3A_711 = arith.constant 16 : i32
        %mul3A_712 = arith.muli %scan3A_710, %mul3A_711 : i32
        %get3A_713 = arith.index_cast %mul3A_712 : i32 to index
        %get3A_714 = tpu.vector_load %arg8[%get3A_713] {strides = array<i32>} : memref<32768xf32, #tpu.memory_space<vmem>>, vector<16xf32>,
        %add3A_715 = arith.constant 8192 : i32
        %add3A_716 = arith.addi %add3A_715, %mul3A_712 : i32
        %get3A_717 = arith.index_cast %add3A_716 : i32 to index
        %get3A_718 = tpu.vector_load %arg8[%get3A_717] {strides = array<i32>} : memref<32768xf32, #tpu.memory_space<vmem>>, vector<16xf32>,
        %add3A_719 = arith.addf %get3A_714, %get3A_718 : vector<16xf32>
        %add3A_720 = arith.constant 16384 : i32
        %add3A_721 = arith.addi %add3A_720, %mul3A_712 : i32
        %get3A_722 = arith.index_cast %add3A_721 : i32 to index
        %get3A_723 = tpu.vector_load %arg8[%get3A_722] {strides = array<i32>} : memref<32768xf32, #tpu.memory_space<vmem>>, vector<16xf32>,
        %add3A_724 = arith.addf %add3A_719, %get3A_723 : vector<16xf32>
        %add3A_725 = arith.constant 24576 : i32
        %add3A_726 = arith.addi %add3A_725, %mul3A_712 : i32
        %get3A_727 = arith.index_cast %add3A_726 : i32 to index
        %get3A_728 = tpu.vector_load %arg8[%get3A_727] {strides = array<i32>} : memref<32768xf32, #tpu.memory_space<vmem>>, vector<16xf32>,
        %add3A_729 = arith.addf %add3A_724, %get3A_728 : vector<16xf32>
        %broadcast_in_dim3A_730 = arith.constant true
        %broadcast_in_dim3A_731 = vector.broadcast %broadcast_in_dim3A_730 : i1 to vector<16xi1>
        %masked_cumsum3A_732 = tpu.scan <sum>, %add3A_729 masked %broadcast_in_dim3A_731 : vector<16xf32>, vector<16xi1> -> vector<16xf32>
        %add3A_733 = vector.broadcast %add3A_706 : f32 to vector<16xf32>
        %add3A_734 = arith.addf %add3A_733, %masked_cumsum3A_732 : vector<16xf32>
        %sub3A_735 = arith.subf %add3A_734, %add3A_729 : vector<16xf32>
        %add3A_736 = vector.broadcast %reduce_sum3A_94 : f32 to vector<16xf32>
        %add3A_737 = arith.addf %add3A_736, %add3A_734 : vector<16xf32>
        %max3A_738 = arith.constant 1.000000e+00 : f32
        %max3A_739 = vector.broadcast %max3A_738 : f32 to vector<16xf32>
        %max3A_740 = arith.maximumf %add3A_737, %max3A_739 : vector<16xf32>
        %div3A_741 = arith.divf %add3A_734, %max3A_740 : vector<16xf32>
        %add3A_742 = vector.broadcast %reduce_sum3A_94 : f32 to vector<16xf32>
        %add3A_743 = arith.addf %add3A_742, %sub3A_735 : vector<16xf32>
        %max3A_744 = arith.constant 1.000000e+00 : f32
        %max3A_745 = vector.broadcast %max3A_744 : f32 to vector<16xf32>
        %max3A_746 = arith.maximumf %add3A_743, %max3A_745 : vector<16xf32>
        %div3A_747 = arith.divf %sub3A_735, %max3A_746 : vector<16xf32>
        %sub3A_748 = arith.subf %div3A_741, %div3A_747 : vector<16xf32>
        %convert_element_type3A_749 = arith.sitofp %scan3A_710 : i32 to f32
        %mul3A_750 = arith.constant 1.600000e+01 : f32
        %mul3A_751 = arith.mulf %convert_element_type3A_749, %mul3A_750 : f32
        %add3A_752 = arith.constant 8.192000e+03 : f32
        %add3A_753 = arith.addf %add3A_752, %mul3A_751 : f32
        %add3A_754 = vector.broadcast %add3A_753 : f32 to vector<16xf32>
        %add3A_755 = arith.addf %add3A_754, %convert_element_type3A_105 : vector<16xf32>
        %add3A_756 = arith.constant 5.000000e-01 : f32
        %add3A_757 = vector.broadcast %add3A_756 : f32 to vector<16xf32>
        %add3A_758 = arith.addf %add3A_755, %add3A_757 : vector<16xf32>
        %mul3A_759 = arith.constant 0.001953125 : f32
        %mul3A_760 = vector.broadcast %mul3A_759 : f32 to vector<16xf32>
        %mul3A_761 = arith.mulf %add3A_758, %mul3A_760 : vector<16xf32>
        %sub3A_762 = arith.constant 1.600000e+01 : f32
        %sub3A_763 = vector.broadcast %sub3A_762 : f32 to vector<16xf32>
        %sub3A_764 = arith.subf %sub3A_763, %mul3A_761 : vector<16xf32>
        %neg3A_765 = arith.constant 0.000000e+00 : f32
        %neg3A_766 = vector.broadcast %neg3A_765 : f32 to vector<16xf32>
        %neg3A_767 = arith.subf %neg3A_766, %sub3A_764 : vector<16xf32>
        %exp3A_768 = math.exp %neg3A_767 : vector<16xf32>
        %add3A_769 = arith.constant 1.000000e+00 : f32
        %add3A_770 = vector.broadcast %add3A_769 : f32 to vector<16xf32>
        %add3A_771 = arith.addf %add3A_770, %exp3A_768 : vector<16xf32>
        %div3A_772 = arith.constant 1.000000e+00 : f32
        %div3A_773 = vector.broadcast %div3A_772 : f32 to vector<16xf32>
        %div3A_774 = arith.divf %div3A_773, %add3A_771 : vector<16xf32>
        %reduce_sum3A_775 = arith.constant true
        %reduce_sum3A_776 = vector.broadcast %reduce_sum3A_775 : i1 to vector<16xi1>
        %reduce_sum3A_777 = tpu.scan <sum>, %add3A_729 masked %reduce_sum3A_776 : vector<16xf32>, vector<16xi1> -> vector<16xf32>
        %reduce_sum3A_778 = vector.extract %reduce_sum3A_777[15] : f32 from vector<16xf32>
        %add3A_779 = arith.addf %add3A_706, %reduce_sum3A_778 : f32
        %mul3A_780 = arith.mulf %div3A_774, %sub3A_748 : vector<16xf32>
        %add3A_781 = arith.addf %add3A_708, %mul3A_780 : vector<16xf32>
        scf.yield %add3A_779, %add3A_781 : f32, vector<16xf32>
      }
      %scan3A_184 = arith.constant 512 : i32
      %sub3A_185 = arith.constant 2.621440e+05 : f32
      %sub3A_186 = arith.subf %sub3A_185, %reduce_sum3A_94 : f32
      %mul3A_187 = arith.constant 3.81469727E-6 : f32
      %mul3A_188 = arith.mulf %sub3A_186, %mul3A_187 : f32
      %reduce_sum3A_189 = arith.constant true
      %reduce_sum3A_190 = vector.broadcast %reduce_sum3A_189 : i1 to vector<16xi1>
      %reduce_sum3A_191 = tpu.scan <sum>, %scan3A_183#1 masked %reduce_sum3A_190 : vector<16xf32>, vector<16xi1> -> vector<16xf32>
      %reduce_sum3A_192 = vector.extract %reduce_sum3A_191[15] : f32 from vector<16xf32>
      %add3A_193 = arith.addf %mul3A_188, %reduce_sum3A_192 : f32
      %mul3A_194 = arith.constant 3.81469727E-6 : f32
      %mul3A_195 = arith.mulf %reduce_sum3A_104, %mul3A_194 : f32
      %add3A_196 = arith.addf %add3A_193, %mul3A_195 : f32
      %broadcast_in_dim3A_197 = vector.broadcast %add3A_196 : f32 to vector<16xf32>
      %swap3A = arith.constant 0 : index
      %swap3A_198 = tpu.vector_load %arg10[%swap3A] {strides = array<i32>} : memref<16xf32, #tpu.memory_space<vmem>>, vector<16xf32>,
      tpu.vector_store %arg10[%swap3A], %broadcast_in_dim3A_197 {strides = array<i32>} : memref<16xf32, #tpu.memory_space<vmem>>, vector<16xf32>,
      %mul3A_199 = arith.constant 16 : i32
      %mul3A_200 = arith.muli %add3A_84, %mul3A_199 : i32
      "tpu.region"() ({
        %run_scoped3A = tpu.sem_alloc : memref<!tpu.dma_semaphore, #tpu.memory_space<semaphore_mem>>
        %dma_start3A_201 = tpu.memref_slice %arg4[%mul3A_200] : memref<128xf32, #tpu.memory_space<hbm>> -> memref<16xf32, #tpu.memory_space<hbm>>
        %dma_start3A_202 = tpu.memref_slice %arg4[%mul3A_200] : memref<128xf32, #tpu.memory_space<hbm>> -> memref<16xf32, #tpu.memory_space<hbm>>
        tpu.enqueue_dma source(%arg10 : memref<16xf32, #tpu.memory_space<vmem>>) target(%dma_start3A_202 : memref<16xf32, #tpu.memory_space<hbm>>) target_semaphore(%run_scoped3A : memref<!tpu.dma_semaphore, #tpu.memory_space<semaphore_mem>>)
        %dma_wait3A_203 = tpu.memref_slice %arg4[%mul3A_200] : memref<128xf32, #tpu.memory_space<hbm>> -> memref<16xf32, #tpu.memory_space<hbm>>
        %dma_wait3A_204 = tpu.memref_slice %arg4[%mul3A_200] : memref<128xf32, #tpu.memory_space<hbm>> -> memref<16xf32, #tpu.memory_space<hbm>>
        tpu.wait_dma2 semaphore(%run_scoped3A : memref<!tpu.dma_semaphore, #tpu.memory_space<semaphore_mem>>) src(%arg10 : memref<16xf32, #tpu.memory_space<vmem>>) dst(%dma_wait3A_204 : memref<16xf32, #tpu.memory_space<hbm>>)
        tpu.yield
      }) : () -> ()
    } else {
    }
    return
  }
}

module attributes {stable_mosaic.version = 14 : i64} {
  func.func @_combine_body(%arg0: memref<8x128xf32, #tpu.memory_space<vmem>>, %arg1: memref<8x16xf32, #tpu.memory_space<vmem>>, %arg2: memref<1x1xf32, #tpu.memory_space<vmem>>) attributes {dimension_semantics = [], scalar_prefetch = 0 : i64, scratch_operands = 0 : i64, tpu.core_type = #tpu.core_type<tc>} {
    %iota3A = tpu.iota {dimensions = array<i32: 1>} : vector<8x128xi32>
    %iota3A_0 = tpu.iota {dimensions = array<i32: 1>} : vector<8x16xi32>
    %eq3A = arith.constant 0 : i32
    %eq3A_1 = vector.broadcast %eq3A : i32 to vector<8x128xi32>
    %eq3A_2 = arith.cmpi eq, %iota3A, %eq3A_1 : vector<8x128xi32>
    %get3A = arith.constant 0 : index
    %get3A_3 = arith.constant 0 : index
    %get3A_4 = vector.load %arg0[%get3A, %get3A_3] : memref<8x128xf32, #tpu.memory_space<vmem>>, vector<8x128xf32>
    %jit3A = arith.constant 0.000000e+00 : f32
    %broadcast_in_dim3A = vector.broadcast %jit3A : f32 to vector<8x128xf32>
    %select_n3A = arith.select %eq3A_2, %get3A_4, %broadcast_in_dim3A : vector<8x128xi1>, vector<8x128xf32>
    %reduce_sum3A = vector.shape_cast %select_n3A : vector<8x128xf32> to vector<1x8x128xf32>
    %reduce_sum3A_5 = arith.constant dense<0.000000e+00> : vector<1xf32>
    %reduce_sum3A_6 = vector.multi_reduction <add>, %reduce_sum3A, %reduce_sum3A_5 [1, 2] : vector<1x8x128xf32> to vector<1xf32>
    %reduce_sum3A_7 = vector.shape_cast %reduce_sum3A_6 : vector<1xf32> to vector<1x1x1xf32>
    %reduce_sum3A_8 = vector.extract %reduce_sum3A_7[0, 0, 0] : f32 from vector<1x1x1xf32>
    %div3A = arith.constant 0x4A000000 : f32
    %div3A_9 = arith.divf %reduce_sum3A_8, %div3A : f32
    %eq3A_10 = arith.constant 0 : i32
    %eq3A_11 = vector.broadcast %eq3A_10 : i32 to vector<8x16xi32>
    %eq3A_12 = arith.cmpi eq, %iota3A_0, %eq3A_11 : vector<8x16xi32>
    %get3A_13 = arith.constant 0 : index
    %get3A_14 = arith.constant 0 : index
    %get3A_15 = vector.load %arg1[%get3A_13, %get3A_14] : memref<8x16xf32, #tpu.memory_space<vmem>>, vector<8x16xf32>
    %jit3A_16 = arith.constant 0.000000e+00 : f32
    %broadcast_in_dim3A_17 = vector.broadcast %jit3A_16 : f32 to vector<8x16xf32>
    %select_n3A_18 = arith.select %eq3A_12, %get3A_15, %broadcast_in_dim3A_17 : vector<8x16xi1>, vector<8x16xf32>
    %reduce_sum3A_19 = vector.shape_cast %select_n3A_18 : vector<8x16xf32> to vector<1x8x16xf32>
    %reduce_sum3A_20 = arith.constant dense<0.000000e+00> : vector<1xf32>
    %reduce_sum3A_21 = vector.multi_reduction <add>, %reduce_sum3A_19, %reduce_sum3A_20 [1, 2] : vector<1x8x16xf32> to vector<1xf32>
    %reduce_sum3A_22 = vector.shape_cast %reduce_sum3A_21 : vector<1xf32> to vector<1x1x1xf32>
    %reduce_sum3A_23 = vector.extract %reduce_sum3A_22[0, 0, 0] : f32 from vector<1x1x1xf32>
    %div3A_24 = arith.constant 8.000000e+00 : f32
    %div3A_25 = arith.divf %reduce_sum3A_23, %div3A_24 : f32
    %mul3A = arith.constant 5.000000e-01 : f32
    %mul3A_26 = arith.mulf %mul3A, %div3A_9 : f32
    %mul3A_27 = arith.constant 5.000000e-01 : f32
    %mul3A_28 = arith.mulf %mul3A_27, %div3A_25 : f32
    %add3A = arith.addf %mul3A_26, %mul3A_28 : f32
    %broadcast_in_dim3A_29 = vector.broadcast %add3A : f32 to vector<1x1xf32>
    %swap3A = arith.constant 0 : index
    %swap3A_30 = arith.constant 0 : index
    %swap3A_31 = vector.load %arg2[%swap3A, %swap3A_30] : memref<1x1xf32, #tpu.memory_space<vmem>>, vector<1x1xf32>
    tpu.vector_store %arg2[%swap3A, %swap3A_30], %broadcast_in_dim3A_29 {strides = array<i32>} : memref<1x1xf32, #tpu.memory_space<vmem>>, vector<1x1xf32>,
    return
  }
}

module attributes {stable_mosaic.version = 14 : i64} {
  func.func @_stats_body(%arg0: i32, %arg1: memref<1x512x512xf32, #tpu.memory_space<vmem>>, %arg2: memref<1x512x512xf32, #tpu.memory_space<vmem>>, %arg3: memref<1x1x128xf32, #tpu.memory_space<vmem>>, %arg4: memref<1x512x512xi16, #tpu.memory_space<vmem>>) attributes {dimension_semantics = [#tpu.dimension_semantics<arbitrary>], iteration_bounds = array<i64: 8>, scalar_prefetch = 0 : i64, scratch_operands = 0 : i64, tpu.core_type = #tpu.core_type<tc>, window_params = [{transform_indices = @transform_0, window_bounds = array<i64: 1, 512, 512>}, {transform_indices = @transform_1, window_bounds = array<i64: 1, 512, 512>}, {transform_indices = @transform_2, window_bounds = array<i64: 1, 1, 128>}, {transform_indices = @transform_3, window_bounds = array<i64: 1, 512, 512>}]} {
    %get3A = arith.constant 0 : index
    %get3A_0 = arith.constant 0 : index
    %get3A_1 = arith.constant 0 : index
    %get3A_2 = vector.load %arg1[%get3A, %get3A_0, %get3A_1] : memref<1x512x512xf32, #tpu.memory_space<vmem>>, vector<1x512x512xf32>
    %get3A_3 = vector.shape_cast %get3A_2 : vector<1x512x512xf32> to vector<512x512xf32>
    %get3A_4 = arith.constant 0 : index
    %get3A_5 = arith.constant 0 : index
    %get3A_6 = arith.constant 0 : index
    %get3A_7 = vector.load %arg2[%get3A_4, %get3A_5, %get3A_6] : memref<1x512x512xf32, #tpu.memory_space<vmem>>, vector<1x512x512xf32>
    %get3A_8 = vector.shape_cast %get3A_7 : vector<1x512x512xf32> to vector<512x512xf32>
    %abs3A = math.absf %get3A_3 : vector<512x512xf32>
    %neg3A = arith.constant 0.000000e+00 : f32
    %neg3A_9 = vector.broadcast %neg3A : f32 to vector<512x512xf32>
    %neg3A_10 = arith.subf %neg3A_9, %abs3A : vector<512x512xf32>
    %exp3A = math.exp %neg3A_10 : vector<512x512xf32>
    %add3A = arith.constant 1.000000e+00 : f32
    %add3A_11 = vector.broadcast %add3A : f32 to vector<512x512xf32>
    %add3A_12 = arith.addf %add3A_11, %exp3A : vector<512x512xf32>
    %div3A = arith.constant 1.000000e+00 : f32
    %div3A_13 = vector.broadcast %div3A : f32 to vector<512x512xf32>
    %div3A_14 = arith.divf %div3A_13, %add3A_12 : vector<512x512xf32>
    %max3A = arith.constant 0.000000e+00 : f32
    %max3A_15 = vector.broadcast %max3A : f32 to vector<512x512xf32>
    %max3A_16 = arith.maximumf %get3A_3, %max3A_15 : vector<512x512xf32>
    %log1p3A = math.log1p %exp3A : vector<512x512xf32>
    %add3A_17 = arith.addf %max3A_16, %log1p3A : vector<512x512xf32>
    %mul3A = arith.mulf %get3A_8, %get3A_3 : vector<512x512xf32>
    %sub3A = arith.subf %add3A_17, %mul3A : vector<512x512xf32>
    %reduce_sum3A = vector.shape_cast %sub3A : vector<512x512xf32> to vector<1x512x512xf32>
    %reduce_sum3A_18 = arith.constant dense<0.000000e+00> : vector<1xf32>
    %reduce_sum3A_19 = vector.multi_reduction <add>, %reduce_sum3A, %reduce_sum3A_18 [1, 2] : vector<1x512x512xf32> to vector<1xf32>
    %reduce_sum3A_20 = vector.shape_cast %reduce_sum3A_19 : vector<1xf32> to vector<1x1x1xf32>
    %reduce_sum3A_21 = vector.extract %reduce_sum3A_20[0, 0, 0] : f32 from vector<1x1x1xf32>
    %ge3A = arith.constant 0.000000e+00 : f32
    %ge3A_22 = vector.broadcast %ge3A : f32 to vector<512x512xf32>
    %ge3A_23 = arith.cmpf oge, %get3A_3, %ge3A_22 : vector<512x512xf32>
    %mul3A_24 = arith.mulf %exp3A, %div3A_14 : vector<512x512xf32>
    %select_n3A = arith.select %ge3A_23, %div3A_14, %mul3A_24 : vector<512x512xi1>, vector<512x512xf32>
    %reduce_sum3A_25 = vector.shape_cast %get3A_8 : vector<512x512xf32> to vector<1x512x512xf32>
    %reduce_sum3A_26 = arith.constant dense<0.000000e+00> : vector<1xf32>
    %reduce_sum3A_27 = vector.multi_reduction <add>, %reduce_sum3A_25, %reduce_sum3A_26 [1, 2] : vector<1x512x512xf32> to vector<1xf32>
    %reduce_sum3A_28 = vector.shape_cast %reduce_sum3A_27 : vector<1xf32> to vector<1x1x1xf32>
    %reduce_sum3A_29 = vector.extract %reduce_sum3A_28[0, 0, 0] : f32 from vector<1x1x1xf32>
    %sub3A_30 = arith.constant 1.000000e+00 : f32
    %sub3A_31 = vector.broadcast %sub3A_30 : f32 to vector<512x512xf32>
    %sub3A_32 = arith.subf %sub3A_31, %select_n3A : vector<512x512xf32>
    %mul3A_33 = arith.mulf %get3A_8, %sub3A_32 : vector<512x512xf32>
    %reduce_sum3A_34 = vector.shape_cast %mul3A_33 : vector<512x512xf32> to vector<1x512x512xf32>
    %reduce_sum3A_35 = arith.constant dense<0.000000e+00> : vector<1xf32>
    %reduce_sum3A_36 = vector.multi_reduction <add>, %reduce_sum3A_34, %reduce_sum3A_35 [1, 2] : vector<1x512x512xf32> to vector<1xf32>
    %reduce_sum3A_37 = vector.shape_cast %reduce_sum3A_36 : vector<1xf32> to vector<1x1x1xf32>
    %reduce_sum3A_38 = vector.extract %reduce_sum3A_37[0, 0, 0] : f32 from vector<1x1x1xf32>
    %iota3A = tpu.iota {dimensions = array<i32: 2>} : vector<1x1x128xi32>
    %eq3A = arith.constant 0 : i32
    %eq3A_39 = vector.broadcast %eq3A : i32 to vector<1x1x128xi32>
    %eq3A_40 = arith.cmpi eq, %iota3A, %eq3A_39 : vector<1x1x128xi32>
    %jit3A = arith.constant 0.000000e+00 : f32
    %broadcast_in_dim3A = vector.broadcast %reduce_sum3A_21 : f32 to vector<1x1x128xf32>
    %broadcast_in_dim3A_41 = vector.broadcast %jit3A : f32 to vector<1x1x128xf32>
    %select_n3A_42 = arith.select %eq3A_40, %broadcast_in_dim3A, %broadcast_in_dim3A_41 : vector<1x1x128xi1>, vector<1x1x128xf32>
    %eq3A_43 = arith.constant 1 : i32
    %eq3A_44 = vector.broadcast %eq3A_43 : i32 to vector<1x1x128xi32>
    %eq3A_45 = arith.cmpi eq, %iota3A, %eq3A_44 : vector<1x1x128xi32>
    %jit3A_46 = arith.constant 0.000000e+00 : f32
    %broadcast_in_dim3A_47 = vector.broadcast %reduce_sum3A_29 : f32 to vector<1x1x128xf32>
    %broadcast_in_dim3A_48 = vector.broadcast %jit3A_46 : f32 to vector<1x1x128xf32>
    %select_n3A_49 = arith.select %eq3A_45, %broadcast_in_dim3A_47, %broadcast_in_dim3A_48 : vector<1x1x128xi1>, vector<1x1x128xf32>
    %add3A_50 = arith.addf %select_n3A_42, %select_n3A_49 : vector<1x1x128xf32>
    %eq3A_51 = arith.constant 2 : i32
    %eq3A_52 = vector.broadcast %eq3A_51 : i32 to vector<1x1x128xi32>
    %eq3A_53 = arith.cmpi eq, %iota3A, %eq3A_52 : vector<1x1x128xi32>
    %jit3A_54 = arith.constant 0.000000e+00 : f32
    %broadcast_in_dim3A_55 = vector.broadcast %reduce_sum3A_38 : f32 to vector<1x1x128xf32>
    %broadcast_in_dim3A_56 = vector.broadcast %jit3A_54 : f32 to vector<1x1x128xf32>
    %select_n3A_57 = arith.select %eq3A_53, %broadcast_in_dim3A_55, %broadcast_in_dim3A_56 : vector<1x1x128xi1>, vector<1x1x128xf32>
    %add3A_58 = arith.addf %add3A_50, %select_n3A_57 : vector<1x1x128xf32>
    %swap3A = arith.constant 0 : index
    %swap3A_59 = arith.constant 0 : index
    %swap3A_60 = arith.constant 0 : index
    %swap3A_61 = vector.load %arg3[%swap3A, %swap3A_59, %swap3A_60] : memref<1x1x128xf32, #tpu.memory_space<vmem>>, vector<1x1x128xf32>
    tpu.vector_store %arg3[%swap3A, %swap3A_59, %swap3A_60], %add3A_58 {strides = array<i32>} : memref<1x1x128xf32, #tpu.memory_space<vmem>>, vector<1x1x128xf32>,
    %sub3A_62 = arith.constant 1.600000e+01 : f32
    %sub3A_63 = vector.broadcast %sub3A_62 : f32 to vector<512x512xf32>
    %sub3A_64 = arith.subf %sub3A_63, %get3A_3 : vector<512x512xf32>
    %mul3A_65 = arith.constant 5.120000e+02 : f32
    %mul3A_66 = vector.broadcast %mul3A_65 : f32 to vector<512x512xf32>
    %mul3A_67 = arith.mulf %sub3A_64, %mul3A_66 : vector<512x512xf32>
    %max3A_68 = arith.constant 0.000000e+00 : f32
    %max3A_69 = vector.broadcast %max3A_68 : f32 to vector<512x512xf32>
    %max3A_70 = arith.maximumf %mul3A_67, %max3A_69 : vector<512x512xf32>
    %min3A = arith.constant 1.638300e+04 : f32
    %min3A_71 = vector.broadcast %min3A : f32 to vector<512x512xf32>
    %min3A_72 = arith.minimumf %max3A_70, %min3A_71 : vector<512x512xf32>
    %convert_element_type3A = arith.fptosi %min3A_72 : vector<512x512xf32> to vector<512x512xi32>
    %eq3A_73 = arith.constant 1.000000e+00 : f32
    %eq3A_74 = vector.broadcast %eq3A_73 : f32 to vector<512x512xf32>
    %eq3A_75 = arith.cmpf oeq, %get3A_8, %eq3A_74 : vector<512x512xf32>
    %jit3A_76 = arith.constant 16384 : i32
    %broadcast_in_dim3A_77 = vector.broadcast %jit3A_76 : i32 to vector<512x512xi32>
    %select_n3A_78 = arith.select %eq3A_75, %broadcast_in_dim3A_77, %convert_element_type3A : vector<512x512xi1>, vector<512x512xi32>
    %convert_element_type3A_79 = arith.trunci %select_n3A_78 : vector<512x512xi32> to vector<512x512xi16>
    %swap3A_80 = arith.constant 0 : index
    %swap3A_81 = arith.constant 0 : index
    %swap3A_82 = arith.constant 0 : index
    %swap3A_83 = vector.load %arg4[%swap3A_80, %swap3A_81, %swap3A_82] : memref<1x512x512xi16, #tpu.memory_space<vmem>>, vector<1x512x512xi16>
    %swap3A_84 = vector.shape_cast %swap3A_83 : vector<1x512x512xi16> to vector<512x512xi16>
    %swap3A_85 = vector.shape_cast %convert_element_type3A_79 : vector<512x512xi16> to vector<1x512x512xi16>
    tpu.vector_store %arg4[%swap3A_80, %swap3A_81, %swap3A_82], %swap3A_85 {strides = array<i32>} : memref<1x512x512xi16, #tpu.memory_space<vmem>>, vector<1x512x512xi16>,
    return
  }
  func.func @transform_0(%arg0: i32) -> (i32, i32, i32) {
    %c0_i32 = arith.constant 0 : i32
    %c0_i32_0 = arith.constant 0 : i32
    %c0_i32_1 = arith.constant 0 : i32
    return %arg0, %c0_i32, %c0_i32_0 : i32, i32, i32
  }
  func.func @transform_1(%arg0: i32) -> (i32, i32, i32) {
    %c0_i32 = arith.constant 0 : i32
    %c0_i32_0 = arith.constant 0 : i32
    %c0_i32_1 = arith.constant 0 : i32
    return %arg0, %c0_i32, %c0_i32_0 : i32, i32, i32
  }
  func.func @transform_2(%arg0: i32) -> (i32, i32, i32) {
    %c0_i32 = arith.constant 0 : i32
    %c0_i32_0 = arith.constant 0 : i32
    %c0_i32_1 = arith.constant 0 : i32
    return %arg0, %c0_i32, %c0_i32_0 : i32, i32, i32
  }
  func.func @transform_3(%arg0: i32) -> (i32, i32, i32) {
    %c0_i32 = arith.constant 0 : i32
    %c0_i32_0 = arith.constant 0 : i32
    %c0_i32_1 = arith.constant 0 : i32
    return %arg0, %c0_i32, %c0_i32_0 : i32, i32, i32
  }
}

</mosaic_0001>

<sc_bundles>
// kernel: kernel.5.cloned.1.call-start
scs
__scs_entry_jumppad:
0x0: {  	(pc) =	sbr.rel $0x88, $3  }
0x1: {  	(tag) =	ssettag $0x0;
	lr =	simm.s32 $0x1  }
0x2: {  	[smem:$0x3F9F] =	sst lr;
	_ =	strace $0xD0000000  }
0x3: {  	_ = 	snop  }
0x4: {  	_ = 	snop  }
0x5: {  	_ = 	snop  }
0x6: {  	_ = 	snop  }
0x7: {  	_ = 	snop  }
__scs_overlays_trampoline_lowered:
0x8: {  	[smem:$0x3FAE] =	sst s0  }
0x9: {  	[smem:$0x3FAF] =	sst s1  }
0xa: {  	[smem:$0x3FB0] =	sst s2  }
0xb: {  	[smem:$0x3FB1] =	sst s3  }
0xc: {  	[smem:$0x3FB2] =	sst s4  }
0xd: {  	[smem:$0x3FB3] =	sst s5  }
0xe: {  	[smem:$0x3FB4] =	sst s6  }
0xf: {  	[smem:$0x3FB5] =	sst s7  }
0x10: {  	[smem:$0x3FB6] =	sst s8  }
0x11: {  	[smem:$0x3FB7] =	sst s9;
	s0 =	simm.s32 @!p0 $0x0  }
0x12: {  	s1 =	sld [smem:$0x3F9D];
	s0 =	simm.s32 @p0 $0x1  }
0x13: {  	[smem:$0x3FB8] =	sst s0;
	s0 =	simm.s32 @!p1 $0x0  }
0x14: {  	s2 =	sld [smem:$0x3F9C];
	s0 =	simm.s32 @p1 $0x1  }
0x15: {  	[smem:$0x3FB9] =	sst s0;
	s0 =	simm.s32 @!p2 $0x0  }
0x16: {  	s3 =	sld [smem:$0x3FDB];
	s0 =	simm.s32 @p2 $0x1  }
0x17: {  	s4 =	simm.s32 $0x1BF5;
	[smem:$0x3FBB] =	sst s0  }
0x18: {  	s0 =	sld [smem:$0x3F9E];
	_ =	swait.ge [sflag:s4], $0x0  }
0x19: {  	s7 =	sld [smem:$0x3F9F]  }
0x1a: {  	s8 =	sadd.s32 $0xFFFFE003, lr  }
0x1b: {  	s9 =	sadd.s32 $0xFFFFFEF7, lr;
	s5 =	simm.s32 $0xFFFFFFFF;
	p2 =	slt.u32 s8, $0xFFFFF086  }
0x1c: {  	p1 =	slt.u32 s9, $0xF7A;
	s5 =	simm.s32 @!p2 $0x0  }
0x1d: {  	s5 =	simm.s32 @p1 $0x1;
	p0 =	seq.s32 s7, s2  }
0x1e: {  	s7 =	smul.u32 @!p0 $0xF7A, s2;
	p2 =	seq.s32 @!p0 s5, $0x0  }
0x1f: {  	s9 =	smul.u32 $0xF7A, s1;
	s8 =	simm.s32 @!p0 $0x1BF5;
	p2 =	por !p2, p0  }
0x20: {  	[sflag:s8] =	ssyncset.s32 @!p0 $0xFFFFF086;
	s6 =	sadd.s32 @!p0 s3, s7;
	s7 =	simm.s32 @!p0 $0x108  }
0x21: {  	s3 =	sadd.s32 s3, s9;
	s6 =	sadd.s32 @!p0 $0x88, s6;
	s7 =	simm.s32 @p2 $0x1082  }
0x22: {  	[simem:s7], [sflag:s8] =	dma.local @!p0 [hbm:s6], $0xF7A  }
0x23: {  	s9 =	sor.u32 $0xD0000000, s2;
	s6 =	simm.s32 $0x108;
	_ =	swait.ge @!p0 [sflag:s8], $0x0  }
0x24: {  	s3 =	sadd.s32 $0x88, s3;
	s6 =	simm.s32 @!p1 $0x1082;
	[sflag:s4] =	ssyncset.s32 $0xFFFFF086  }
0x25: {  	[simem:s6], [sflag:s4] =	dma.local [hbm:s3], $0xF7A  }
0x26: {  	[smem:$0x3F9F] =	sst s1;
	(tag) =	ssettag s2;
	_ =	strace s9  }
0x27: {  	s1 =	sld [smem:$0x3FAF]  }
0x28: {  	s2 =	sld [smem:$0x3FB0]  }
0x29: {  	s4 =	sld [smem:$0x3FB2]  }
0x2a: {  	p0 =	seq.s32 s5, $0x0;
	s5 =	sld [smem:$0x3FB3]  }
0x2b: {  	s6 =	sld [smem:$0x3FB4]  }
0x2c: {  	s7 =	sld [smem:$0x3FB5]  }
0x2d: {  	s3 =	simm.s32 $0x108;
	s8 =	sld [smem:$0x3FB6]  }
0x2e: {  	s3 =	simm.s32 @!p0 $0x1082;
	s9 =	sld [smem:$0x3FB7]  }
0x2f: {  	lr =	sadd.s32 s0, s3;
	s0 =	sld [smem:$0x3FAE]  }
0x30: {  	s3 =	sld [smem:$0x3FB1]  }
0x31: {  	[smem:$0x3FBA] =	sst s10  }
0x32: {  	s10 =	sld [smem:$0x3FB8];
	_ =	sdelay $0x3  }
0x33: {  	p0 =	seq.s32 s10, $0x1;
	s10 =	sld [smem:$0x3FBA];
	_ =	sdelay $0x3  }
0x34: {  	[smem:$0x3FBA] =	sst s10  }
0x35: {  	s10 =	sld [smem:$0x3FB9];
	_ =	sdelay $0x3  }
0x36: {  	p1 =	seq.s32 s10, $0x1;
	s10 =	sld [smem:$0x3FBA];
	_ =	sdelay $0x3  }
0x37: {  	[smem:$0x3FBA] =	sst s10  }
0x38: {  	s10 =	sld [smem:$0x3FBB]  }
0x39: {  	_ = 	snop;
	(pc) =	sbr.ind lr, $3  }
0x3a: {  	_ = 	snop  }
0x3b: {  	_ = 	snop  }
0x3c: {  	p2 =	seq.s32 s10, $0x1;
	s10 =	sld [smem:$0x3FBA]  }
0x3d: {  	_ =	shalt  }
0x3e: {  	_ =	shalt  }
0x3f: {  	_ =	shalt  }
0x40: {  	_ =	shalt  }
0x41: {  	_ =	shalt  }
0x42: {  	_ =	shalt  }
0x43: {  	_ =	shalt  }
0x44: {  	_ =	shalt  }
0x45: {  	_ =	shalt  }
0x46: {  	_ =	shalt  }
0x47: {  	_ =	shalt  }
0x48: {  	_ =	shalt  }
0x49: {  	_ =	shalt  }
0x4a: {  	_ =	shalt  }
0x4b: {  	_ =	shalt  }
0x4c: {  	_ =	shalt  }
0x4d: {  	_ =	shalt  }
0x4e: {  	_ =	shalt  }
0x4f: {  	_ =	shalt  }
0x50: {  	_ =	shalt  }
0x51: {  	_ =	shalt  }
0x52: {  	_ =	shalt  }
0x53: {  	_ =	shalt  }
0x54: {  	_ =	shalt  }
0x55: {  	_ =	shalt  }
0x56: {  	_ =	shalt  }
0x57: {  	_ =	shalt  }
0x58: {  	_ =	shalt  }
0x59: {  	_ =	shalt  }
0x5a: {  	_ =	shalt  }
0x5b: {  	_ =	shalt  }
0x5c: {  	_ =	shalt  }
0x5d: {  	_ =	shalt  }
0x5e: {  	_ =	shalt  }
0x5f: {  	_ =	shalt  }
0x60: {  	_ =	shalt  }
0x61: {  	_ =	shalt  }
0x62: {  	_ =	shalt  }
0x63: {  	_ =	shalt  }
0x64: {  	_ =	shalt  }
0x65: {  	_ =	shalt  }
0x66: {  	_ =	shalt  }
0x67: {  	_ =	shalt  }
0x68: {  	_ =	shalt  }
0x69: {  	_ =	shalt  }
0x6a: {  	_ =	shalt  }
0x6b: {  	_ =	shalt  }
0x6c: {  	_ =	shalt  }
0x6d: {  	_ =	shalt  }
0x6e: {  	_ =	shalt  }
0x6f: {  	_ =	shalt  }
0x70: {  	_ =	shalt  }
0x71: {  	_ =	shalt  }
0x72: {  	_ =	shalt  }
0x73: {  	_ =	shalt  }
0x74: {  	_ =	shalt  }
0x75: {  	_ =	shalt  }
0x76: {  	_ =	shalt  }
0x77: {  	_ =	shalt  }
0x78: {  	_ =	shalt  }
0x79: {  	_ =	shalt  }
0x7a: {  	_ =	shalt  }
0x7b: {  	_ =	shalt  }
0x7c: {  	_ =	shalt  }
0x7d: {  	_ =	shalt  }
0x7e: {  	_ =	shalt  }
0x7f: {  	_ =	shalt  }
0x80: {  	_ =	shalt  }
0x81: {  	_ =	shalt  }
0x82: {  	_ =	shalt  }
0x83: {  	_ =	shalt  }
0x84: {  	_ =	shalt  }
0x85: {  	_ =	shalt  }
0x86: {  	_ =	shalt  }
0x87: {  	_ =	shalt  }
.Lfunc_end0:
.L_simem_size_0:
called_computation_lowered:
.L_overlay_start_0:
0x88: {  	s2 =	sld [smem:$0x3FD9]  }
0x89: {  	s3 =	sld [smem:$0x3FFE];
	_ =	sdelay $0x1  }
0x8a: {  	s1 =	srdreg.scid  }
0x8b: {  	s0 =	sand.u32 $0x1, s1  }
0x8c: {  	s17 =	sshll.u32 s0, $0xA;
	s2 =	sadd.s32 s3, s2  }
0x8d: {  	s2 =	sadd.s32 s2, s17  }
0x8e: {  	[smem:$0x3FC6] =	sst s2  }
0x8f: {  	_ = 	snop  }
0x90: {  	s2 =	sld [smem:$0x3FD0];
	(tm) =	ssettm $0x1  }
0x91: {  	s18 =	sld [smem:$0x3FFB];
	_ =	sdelay $0x3  }
0x92: {  	_ =	strace s18  }
0x93: {  	s3 =	sld [smem:$0x3FFC];
	_ =	sdelay $0x3  }
0x94: {  	_ =	strace s3  }
0x95: {  	s3 =	sld [smem:$0x3FFD];
	_ =	sdelay $0x3  }
0x96: {  	_ =	strace s3  }
0x97: {  	_ =	strace $0x8FFFFFFF  }
0x98: {  	s19 =	sld [smem:$0x3FDB];
	_ =	sdelay $0x1  }
0x99: {  	s4 =	simm.s32 $_scs_section_size  }
0x9a: {  	s5 =	simm.s32 $_size__tile_overlayer_lowered;
	s6 =	simm.s32 $_tile_overlayer_lowered  }
0x9b: {  	s22 =	simm.s32 $0x1BFF;
	s21 =	sshll.u32 s6, $0x1;
	s3 =	sadd.s32 s4, s19  }
0x9c: {  	s7 =	simm.s32 $0x0;
	s20 =	sshll.u32 s5, $0x1;
	s5 =	sadd.s32 s21, s3  }
0x9d: {  	[timem:s7], [sflag:s22] =	dma.local [hbm:s5], s20  }
0x9e: {  	_ =	swait.ge [sflag:s22], s20  }
0x9f: {  	s4 =	ssub.s32 $0x0, s20;
	[sflag:s22] =	ssyncset.done $0x0  }
0xa0: {  	[sflag:s22] =	ssyncadd.s32 s4;
	_ =	sdelay $0x1  }
0xa1: {  	s23 =	simm.s32 $0x1B8B  }
0xa2: {  	_ =	swait.ge [sflag:s23], $0x1  }
0xa3: {  	[sflag:s23] =	ssyncset.done $0x0  }
0xa4: {  	s25 =	simm.s32 $0x1B8E;
	s24 =	sld [smem:$0x3FFE];
	[sflag:s23] =	ssyncadd.s32 $0xFFFFFFFF  }
0xa5: {  	s26 =	simm.s32 $execute0_lowered;
	[smem:$0x3FD2] =	sst s25  }
0xa6: {  	s5 =	sshll.u32 s26, $0x1;
	_ =	strace $0x80000046;
	[dreg:$0x1] =	wrdreg $0xFFFFFFFF  }
0xa7: {  	s28 =	simm.s32 $_size_execute0_lowered;
	s3 =	sadd.s32 s3, s5;
	[dreg:$0x0] =	wrdreg $0x0  }
0xa8: {  	s5 =	sshll.u32 s28, $0x1;
	[dreg:$0x2] =	wrdreg s3  }
0xa9: {  	[dreg:$0x3] =	wrdreg s5  }
0xaa: {  	[dreg:$0x4] =	wrdreg $0xC0  }
0xab: {  	_ =	task [dreg:s7], $0x5FFFF  }
0xac: {  	[dreg:$0x1] =	wrdreg $0xFFFFFFFF  }
0xad: {  	[dreg:$0x0] =	wrdreg $0x60  }
0xae: {  	[dreg:$0x2] =	wrdreg s24  }
0xaf: {  	[dreg:$0x3] =	wrdreg s2  }
0xb0: {  	[dreg:$0x4] =	wrdreg $0x141000  }
0xb1: {  	[dreg:$0x5] =	wrdreg $0x9  }
0xb2: {  	_ =	task.clear_ibuf [dreg:s7], $0x6FFFF;
	_ =	strace $0x90000046  }
0xb3: {  	s29 =	simm.s32 $0x9;
	_ =	strace $0x80000048  }
0xb4: {  	_ =	swait.ge [sflag:s29], $0x1  }
0xb5: {  	[sflag:s29] =	ssyncadd.s32 $0xFFFFFFFF  }
0xb6: {  	_ =	strace $0x90000048  }
0xb7: {  	_ =	sfence  }
0xb8: {  	s30 =	sld [smem:$0x0];
	_ =	sdelay $0x2  }
0xb9: {  	s31 =	sshll.u32 s1, $0xD;
	s1 =	sshrl.u32 s1, $0x2  }
0xba: {  	s3 =	sand.u32 $0x4000, s31;
	s1 =	sadd.s32 s1, s30  }
0xbb: {  	s0 =	sor.u32 s3, s0;
	s1 =	sshll.u32 s1, $0x11  }
0xbc: {  	s0 =	sor.u32 s1, s0  }
0xbd: {  	s0 =	sadd.s32 $0x8F2B, s0  }
0xbe: {  	[sflag:s0] =	ssyncadd.remote.s32 $0x1  }
0xbf: {  	_ =	sfence.sel $0xFFFF  }
0xc0: {  	[dreg:$0x0] =	wrdreg $0xFFFFFFFF;
	(pc) =	sbr.abs _section_cstart, $3  }
0xc1: {  	[dreg:$0x1] =	wrdreg $0xFFFFFFFF  }
0xc2: {  	_ =	task.clear_ibuf [dreg:s7], $0x2FFFF;
	_ =	strace $0x9FFFFFFF  }
0xc3: {  	(tm) =	ssettm $0x7FFFFFFF  }
tec
execute0_lowered:
.L_overlay_start_1:
0x0: {  	(tag) =	ssettag $0x1  }
0x1: {  	s0 =	srdreg.scid  }
0x2: {  	s0 =	sand.u32 $0x1, s0  }
0x3: {  	s9 =	stileid.u32;
	s1 =	sshll.u32 s0, $0x4  }
0x4: {  	s2 =	sand.u32 $0x3, s9;
	s1 =	sor.u32 s9, s1  }
0x5: {  	p1 =	sne.s32 s2, $0x0;
	p0 =	seq.s32 s1, $0x0  }
0x6: {  	p0 =	por !p1, !p0  }
0x7: {  	s3 =	rddreg [dreg:$0x0];
	s5 =	simm.s32 $0x1;
	p0 =	por !p0, !p0  }
0x8: {  	s4 =	rddreg [dreg:$0x1];
	s1 =	sshrl.u32 s1, $0x2;
	s5 =	simm.s32 @!p0 $0x0  }
0x9: {  	s6 =	rddreg [dreg:$0x2];
	s7 =	simm.s32 $0x0;
	s1 =	ssub.s32 s1, s5  }
0xa: {  	s2 =	sshll.u32 s2, $0x10;
	s12 =	sshll.u32 s0, $0x2;
	s1 =	sshll.u32 s1, $0x12  }
0xb: {  	[smem:$0x7FF] =	sst s7;
	s1 =	sor.u32 s2, s1;
	s2 =	sadd.s32 s9, s12  }
0xc: {  	s15 =	sshll.u32 s9, $0x10;
	s1 =	sshrl.u32 s1, $0x4;
	s13 =	sshll.u32 s2, $0x4  }
0xd: {  	s10 =	sadd.s32 s15, s6;
	s5 =	sadd.s32 s1, s3;
	s1 =	sadd.s32 s13, s3  }
0xe: {  	_ =	strace $0x80000047;
	[dreg:$0x5] =	wrdreg s10;
	s1 =	sadd.s32 $0x21000, s1  }
0xf: {  	s11 =	sadd.s32 $0x16C0, s5;
	[dreg:$0x4] =	wrdreg s1  }
0x10: {  	s18 =	sadd.s32 $0x1840, s5;
	[dreg:$0xb] =	wrdreg s11  }
0x11: {  	s0 =	ssub.s32 $0x2, s0;
	s19 =	sadd.s32 $0x1880, s5;
	[dreg:$0xc] =	wrdreg s18  }
0x12: {  	s16 =	sshrl.u32 s15, $0x2;
	s20 =	sadd.s32 $0x18C0, s5;
	[dreg:$0xd] =	wrdreg s19  }
0x13: {  	s14 =	sshrl.u32 s0, $0x1;
	s12 =	sadd.s32 $0x1A00, s5;
	[dreg:$0xe] =	wrdreg s20  }
0x14: {  	s29 =	sadd.s32 s16, s6;
	s13 =	sadd.s32 $0x1A40, s5;
	[dreg:$0xf] =	wrdreg s12  }
0x15: {  	s0 =	ssub.s32 s0, s14;
	s14 =	sadd.s32 $0x1A80, s5;
	[dreg:$0x10] =	wrdreg s13  }
0x16: {  	s30 =	smax.u32 s0, $0x1;
	s15 =	sadd.s32 $0x1AC0, s5;
	[dreg:$0x11] =	wrdreg s14  }
0x17: {  	p0 =	sgt.u32 s9, $0x3;
	s16 =	sadd.s32 $0x1C00, s5;
	[dreg:$0x12] =	wrdreg s15  }
0x18: {  	s9 =	simm.s32 $0x1;
	s22 =	sadd.s32 $0x14C0, s5;
	[dreg:$0x13] =	wrdreg s16  }
0x19: {  	s17 =	sshll.u32 s2, $0x1;
	s23 =	sadd.s32 $0x1600, s5;
	[dreg:$0x7] =	wrdreg s22  }
0x1a: {  	s26 =	sadd.s32 $0x1000, s5;
	s24 =	sadd.s32 $0x1640, s5;
	[dreg:$0x8] =	wrdreg s23  }
0x1b: {  	s28 =	sadd.s32 $0x1800, s5;
	s25 =	sadd.s32 $0x1680, s5;
	[dreg:$0x9] =	wrdreg s24  }
0x1c: {  	v0 =	vimm.f32 $1.500000000e+01;
	vm0 =	vcmask $0x300;
	s31 =	sadd.s32 $0x1040, s5;
	s1 =	sadd.s32 s4, s17;
	[dreg:$0xa] =	wrdreg s25  }
0x1d: {  	v0 =	vsel vm0, $0x0, v0;
	vm0 =	vcmask $0x704;
	s0 =	sadd.s32 $0x10C0, s5;
	s17 =	sadd.s32 $0x1C40, s5;
	[dreg:$0x6] =	wrdreg s1  }
0x1e: {  	v0 =	vsel vm0, $0x3F800000, v0;
	vm0 =	vcmask $0xB08;
	s2 =	sadd.s32 $0x1200, s5;
	s18 =	sadd.s32 $0x1C80, s5;
	[dreg:$0x14] =	wrdreg s17  }
0x1f: {  	v0 =	vsel vm0, $0x40000000, v0;
	vm0 =	vcmask $0xF0C;
	s6 =	sadd.s32 $0x1240, s5;
	s19 =	sadd.s32 $0x1CC0, s5;
	[dreg:$0x15] =	wrdreg s18  }
0x20: {  	v0 =	vsel vm0, $0x40400000, v0;
	vm0 =	vcmask $0x1310;
	s8 =	sadd.s32 $0x1280, s5;
	s20 =	sadd.s32 $0x1E00, s5;
	[dreg:$0x16] =	wrdreg s19  }
0x21: {  	v0 =	vsel vm0, $0x40800000, v0;
	vm0 =	vcmask $0x1714;
	s7 =	sadd.s32 $0x12C0, s5;
	s12 =	sadd.s32 $0x1E40, s5;
	[dreg:$0x17] =	wrdreg s20  }
0x22: {  	v0 =	vsel vm0, $0x40A00000, v0;
	vm0 =	vcmask $0x1B18;
	s3 =	sadd.s32 $0x1400, s5;
	s13 =	sadd.s32 $0x1E80, s5;
	[dreg:$0x18] =	wrdreg s12  }
0x23: {  	v0 =	vsel vm0, $0x40C00000, v0;
	vm0 =	vcmask $0x1F1C;
	s21 =	sadd.s32 $0x1480, s5;
	s14 =	sadd.s32 $0x4000, s10;
	[dreg:$0x19] =	wrdreg s13  }
0x24: {  	v0 =	vsel vm0, $0x40E00000, v0;
	vm0 =	vcmask $0x2320;
	s4 =	sadd.s32 $0x1440, s5;
	s15 =	sadd.s32 $0x8000, s10;
	[dreg:$0x1b] =	wrdreg s14  }
0x25: {  	v0 =	vsel vm0, $0x41000000, v0;
	vm0 =	vcmask $0x2724;
	s16 =	sadd.s32 $0xC000, s10;
	s11 =	simm.s32 $0x800;
	[dreg:$0x1c] =	wrdreg s15  }
0x26: {  	v0 =	vsel vm0, $0x41100000, v0;
	vm0 =	vcmask $0x2B28;
	s1 =	sadd.s32 $0x1080, s5;
	s5 =	sadd.s32 $0x1EC0, s5;
	[dreg:$0x1d] =	wrdreg s16  }
.Ltmp0:
0x27: {  	v0 =	vsel vm0, $0x41200000, v0;
	vm0 =	vcmask $0x2F2C;
	s17 =	sadd.s32 $0x2000, s10;
	[dreg:$0x1a] =	wrdreg s5;
	(pc) =	sbr.rel .LBB2_1-.Ltmp0, $4  }
0x28: {  	v1 =	vsel vm0, $0x41300000, v0;
	vm0 =	vcmask $0x3330;
	s18 =	sadd.s32 $0x6000, s10;
	s19 =	sadd.s32 $0xA000, s10;
	[dreg:$0x1e] =	wrdreg s17  }
0x29: {  	vm1 =	vcmask $0x3B38;
	v2 =	vsel vm0, $0x41400000, v1;
	vm0 =	vcmask $0x3734;
	s20 =	sadd.s32 $0xE000, s10;
	s10 =	simm.s32 $0x200;
	[dreg:$0x1f] =	wrdreg s18  }
0x2a: {  	v0 =	vimm.f32 $0.0e+00;
	v1 =	vimm.f32 $1.000000000e+00;
	v2 =	vsel vm0, $0x41500000, v2;
	s12 =	simm.s32 $0x8000;
	s13 =	simm.s32 $0x2;
	[smem:$0x7FC] =	sst s19  }
0x2b: {  	vm0 =	vcmask $0x308;
	s14 =	simm.s32 $0x3;
	v2 =	vsel vm1, $0x41600000, v2;
	vm1 =	vcmask $0x70C;
	s15 =	simm.s32 $0x0;
	[smem:$0x7FD] =	sst s20  }
.LBB2_12:
0x2c: {  	(xrf2) =	vadd.scan.msk.f32 $0xffff, v21;
	_ =	sdelay $0x7  }
0x2d: {  	v30, _, _ =	vpop (xrf2)  }
0x2e: {  	s16 =	spop (v2sf);
	(v2sf) =	vpush v30, $0xF  }
0x2f: {  	s17 =	spop (v2sf);
	v33, _, _ =	vpop (xrf2)  }
0x30: {  	s17 =	sadd.f32 s17, s19;
	(xrf2) =	vadd.scan.msk.f32 $0xffff, v19;
	(v2sf) =	vpush v33, $0xF;
	_ =	sdelay $0x1  }
0x31: {  	v34 =	vadd.f32 v22, v5;
	v35 =	vadd.f32 v23, v5;
	s16 =	sadd.f32 s16, s17  }
0x32: {  	v16 =	vsub.f32 v23, v16;
	v28 =	vadd.f32 s17, v28  }
0x33: {  	v34 =	vmax.f32 v34, $1.000000000e+00;
	v35 =	vmax.f32 v35, $1.000000000e+00;
	v30 =	vadd.f32 s16, v30  }
0x34: {  	v36 =	vadd.f32 v16, v5;
	(erf) = vrcp.f32 v34;
	v15 =	vsub.f32 v28, v15  }
0x35: {  	v31 =	vmul.f32 $1.442695020e+00, v31;
	(erf) = vrcp.f32 v35;
	v14 =	vsub.f32 v30, v14  }
0x36: {  	v42 =	vmax.f32 v36, $1.000000000e+00;
	(erf) = vrcp.f32 v12;
	v43 =	vadd.f32 v15, v5  }
0x37: {  	(erf) = vrcp.f32 v42;
	v44 =	vadd.f32 v14, v5  }
0x38: {  	(erf) = vpow2.f32 v31;
	v45 =	vadd.f32 v30, v5;
	v12 =	vmax.f32 v43, $1.000000000e+00  }
0x39: {  	v47 =	vadd.f32 v28, v5;
	(erf) = vrcp.f32 v12;
	v46 =	vmax.f32 v44, $1.000000000e+00;
	v48, _, _ =	vpop (xrf2)  }
0x3a: {  	v31 =	vmax.f32 v45, $1.000000000e+00;
	(erf) = vrcp.f32 v46;
	(v2sf) =	vpush v48, $0xF  }
0x3b: {  	v49 =	vpop (erf);
	v34 =	vmax.f32 v47, $1.000000000e+00;
	(erf) = vrcp.f32 v31  }
0x3c: {  	v50 =	vpop (erf);
	(erf) = vrcp.f32 v34;
	s18 =	spop (v2sf)  }
0x3d: {  	v51 =	vpop (erf);
	(erf) = vpow2.f32 v26;
	s16 =	sadd.f32 s18, s16  }
0x3e: {  	v52 =	vpop (erf);
	s19 =	spop (v2sf)  }
0x3f: {  	v6 =	vadd.f32 v17, v6;
	v53 =	vpop (erf);
	s17 =	sadd.f32 s19, s16  }
0x40: {  	v7 =	vsub.f32 v22, v7;
	v54 =	vpop (erf);
	v33 =	vadd.f32 s16, v33  }
0x41: {  	v32 =	vadd.f32 $1.000000000e+00, v32;
	v37 =	vpop (erf);
	(xrf2) =	vadd.scan.msk.f32 $0xffff, v6;
	v35 =	vadd.f32 s17, v48  }
0x42: {  	v39 =	vadd.f32 v7, v5;
	v38 =	vpop (erf);
	v21 =	vsub.f32 v33, v21  }
0x43: {  	(erf) = vrcp.f32 v32;
	v40 =	vpop (erf);
	v41 =	vadd.f32 v33, v5;
	v19 =	vsub.f32 v35, v19  }
0x44: {  	v55 =	vmax.f32 v39, $1.000000000e+00;
	v56 =	vpop (erf);
	v42 =	vadd.f32 v21, v5  }
0x45: {  	(erf) = vrcp.f32 v55;
	v57 =	vpop (erf);
	v41 =	vmax.f32 v41, $1.000000000e+00;
	v43 =	vadd.f32 v19, v5  }
0x46: {  	v13 =	vmul.f32 v29, v13;
	(erf) = vrcp.f32 v41;
	v58 =	vpop (erf);
	v42 =	vmax.f32 v42, $1.000000000e+00  }
0x47: {  	v41 =	vadd.f32 $1.000000000e+00, v58;
	(erf) = vrcp.f32 v42;
	v59 =	vmax.f32 v43, $1.000000000e+00  }
0x48: {  	(erf) = vrcp.f32 v59  }
0x49: {  	v18 =	vmul.f32 v50, v18;
	s20 =	spop (v2sf);
	(erf) = vrcp.f32 v41  }
0x4a: {  	s16 =	sadd.f32 s20, s17;
	(erf) = vrcp.f32 v10  }
0x4b: {  	v60 =	vadd.f32 v13, v27;
	v18 =	vsub.f32 v24, v18;
	v13, _, _ =	vpop (xrf2);
	(erf) = vrcp.f32 v9  }
0x4c: {  	v9 =	vpop (erf);
	(erf) = vrcp.f32 v11;
	v11 =	vadd.f32 s16, v13  }
0x4d: {  	v61 =	vsub.f32 v20, v25;
	v12 =	vmul.f32 v18, v49  }
0x4e: {  	v42 =	vadd.f32 v35, v5;
	v62 =	vpop (erf);
	(erf) = vrcp.f32 v8;
	v31 =	vadd.f32 v11, v5  }
0x4f: {  	v29 =	vmul.f32 v51, v22;
	v16 =	vmul.f32 v54, v16;
	v63 =	vpop (erf);
	v6 =	vsub.f32 v11, v6  }
0x50: {  	v46 =	vadd.f32 $1.000000000e+00, v37;
	v25 =	vmax.f32 v42, $1.000000000e+00;
	v34 =	vpop (erf);
	v22 =	vmax.f32 v31, $1.000000000e+00  }
0x51: {  	v41 =	vmul.f32 v52, v23;
	v44 =	vadd.f32 v6, v5;
	v43 =	vpop (erf);
	(erf) = vrcp.f32 v22  }
0x52: {  	v7 =	vmul.f32 v62, v7;
	v45 =	vpop (erf);
	(erf) = vrcp.f32 v25  }
0x53: {  	v10 =	vadd.f32 v12, v60;
	v5 =	vmax.f32 v44, $1.000000000e+00;
	v47 =	vpop (erf);
	(erf) = vrcp.f32 v46  }
0x54: {  	v7 =	vsub.f32 v29, v7;
	v18 =	vmul.f32 v61, v47;
	(erf) = vrcp.f32 v5  }
0x55: {  	v15 =	vmul.f32 v38, v15;
	v48 =	vmul.f32 v57, v28;
	v49 =	vpop (erf)  }
0x56: {  	v16 =	vsub.f32 v41, v16;
	v7 =	vmul.f32 v7, v53;
	v50 =	vpop (erf);
	v10 =	vadd.f32 v18, v10  }
0x57: {  	v14 =	vmul.f32 v40, v14;
	v51 =	vmul.f32 v56, v30;
	v52 =	vpop (erf)  }
0x58: {  	v15 =	vsub.f32 v48, v15;
	v53 =	vmul.f32 v16, v52;
	v7 =	vadd.f32 v7, v10  }
0x59: {  	v8 =	vmul.f32 v63, v33;
	v55 =	vmul.f32 v34, v21  }
0x5a: {  	v54 =	vsub.f32 v51, v14;
	v5 =	vmul.f32 v15, v50;
	v7 =	vadd.f32 v53, v7;
	v56 =	vpop (erf)  }
0x5b: {  	v8 =	vsub.f32 v8, v55;
	v59 =	vmul.f32 v43, v19;
	v57 =	vpop (erf)  }
0x5c: {  	v58 =	vmul.f32 v54, v49;
	v5 =	vadd.f32 v5, v7;
	v60 =	vmul.f32 v57, v35;
	v61 =	vpop (erf)  }
0x5d: {  	v8 =	vmul.f32 v8, v45;
	v11 =	vmul.f32 v56, v11;
	v62 =	vpop (erf)  }
0x5e: {  	v5 =	vadd.f32 v58, v5;
	v10 =	vsub.f32 v60, v59;
	v6 =	vmul.f32 v62, v6;
	_ =	sdelay $0x1  }
0x5f: {  	v5 =	vadd.f32 v8, v5;
	v63 =	vmul.f32 v10, v9;
	v6 =	vsub.f32 v11, v6;
	_ =	sdelay $0x1  }
0x60: {  	v5 =	vadd.f32 v63, v5;
	v6 =	vmul.f32 v6, v61;
	_ =	sdelay $0x1  }
0x61: {  	v4 =	vsel vm1, $0x0, v4;
	v5 =	vadd.f32 v6, v5  }
0x62: {  	(xrf2) =	vadd.scan.msk.f32 $0xffff, v4  }
0x63: {  	(xrf2) =	vadd.scan.msk.f32 $0xffff, v5;
	_ =	sdelay $0x5  }
0x64: {  	(v2sf) =	vpush v13, $0xF  }
0x65: {  	(v2sf) =	vpush v3, $0xF;
	_ =	sdelay $0x1  }
0x66: {  	v3, _, _ =	vpop (xrf2)  }
0x67: {  	(v2sf) =	vpush v3, $0xF;
	v3, _, _ =	vpop (xrf2)  }
0x68: {  	(v2sf) =	vpush v3, $0xF;
	_ =	sdelay $0x9  }
0x69: {  	s21 =	spop (v2sf)  }
0x6a: {  	s16 =	spop (v2sf)  }
0x6b: {  	s16 =	ssub.f32 $2.621440000e+05, s16;
	_ =	sdelay $0x1  }
0x6c: {  	s16 =	smul.f32 $3.814697270e-06, s16;
	s22 =	spop (v2sf)  }
0x6d: {  	s18 =	spop (v2sf)  }
0x6e: {  	s17 =	smul.f32 $3.814697270e-06, s22;
	s16 =	sadd.f32 s18, s16  }
0x6f: {  	_ = 	snop  }
0x70: {  	s16 =	sadd.f32 s16, s17;
	_ =	sdelay $0x1  }
0x71: {  	v3 =	vmov s16  }
0x72: {  	s23 =	simm.s32 $0x0;
	s24 =	rddreg [dreg:$0x6];
	s25 =	simm.s32 $0x14080;
	[tilespmem:$0x14080] =	vst v3  }
0x73: {  	[hbm4b:s24+s23] =	stream.linear.scatter [tilespmem:s25], [sflag:$0x3], $0x10, $0x38;
	[tilespmem:$0x18100] =	vst v63  }
0x74: {  	_ =	swait.ge [sflag:s14], $0x10  }
0x75: {  	s22 =	rddreg [dreg:$0x7]  }
0x76: {  	s23 =	rddreg [dreg:$0x8]  }
0x77: {  	[sflag:s14] =	ssyncset.done $0x0;
	s24 =	rddreg [dreg:$0x9]  }
0x78: {  	s21 =	smov.u32 s5;
	s25 =	rddreg [dreg:$0xa];
	[sflag:s14] =	ssyncadd.s32 $0xFFFFFFF0  }
.LBB2_13:
0x79: {  	s15 =	sadd.s32 $0x1, s15  }
0x7a: {  	p1 =	sne.s32 s15, s30  }
.Ltmp1:
0x7b: {  	_ = 	snop;
	(pc) =	sbr.rel @!p1 .LBB2_14-.Ltmp1, $1  }
0x7c: {  	_ =	sdelay $0x3  }
.LBB2_1:
0x7d: {  	s16 =	simm.s32 $0x8020  }
0x7e: {  	[tilespmem:s16+$0xFFFFFFE0] =	vst v0  }
0x7f: {  	[tilespmem:s16+$0x10] =	vst v0  }
0x80: {  	s17 =	simm.s32 $0x0;
	[tilespmem:s16+$0x0] =	vst v0  }
.LBB2_2:
0x81: {  	s17 =	sadd.s32 $0x4, s17  }
0x82: {  	[tilespmem:s16+$0xFFFFFFF0] =	vst v0;
	s16 =	sadd.s32 $0x40, s16;
	p1 =	slt.u32 s17, $0x3FC  }
.Ltmp2:
0x83: {  	[tilespmem:s16+$0xFFFFFFE0] =	vst v0;
	(pc) =	sbr.rel @p1 .LBB2_2-.Ltmp2, $3  }
0x84: {  	_ =	sdelay $0x1  }
0x85: {  	[tilespmem:s16+$0x10] =	vst v0  }
0x86: {  	[tilespmem:s16+$0x0] =	vst v0  }
0x87: {  	[tilespmem:s16+$0xFFFFFFF0] =	vst v0;
	s16 =	simm.s32 $0x0  }
0x88: {  	[tilespmem:s16], [sflag:$0x1] =	stream.strided.gather [hbm4b:s26+s10], $0x400, s11, s10, $0x38;
	[tilespmem:$0x18100] =	vst v63  }
0x89: {  	s5 =	simm.s32 $0x400  }
0x8a: {  	[tilespmem:s5], [sflag:$0x1] =	stream.strided.gather [hbm4b:s31+s10], $0x400, s11, s10, $0x38;
	[tilespmem:$0x18100] =	vst v63  }
0x8b: {  	_ = 	snop  }
0x8c: {  	[tilespmem:s11], [sflag:$0x1] =	stream.strided.gather [hbm4b:s1+s10], $0x400, s11, s10, $0x38;
	[tilespmem:$0x18100] =	vst v63  }
0x8d: {  	s20 =	simm.s32 $0xC00  }
0x8e: {  	[tilespmem:s20], [sflag:$0x1] =	stream.strided.gather [hbm4b:s0+s10], $0x400, s11, s10, $0x38;
	[tilespmem:$0x18100] =	vst v63  }
0x8f: {  	s17 =	simm.s32 $0x1000  }
0x90: {  	[tilespmem:s17], [sflag:$0x1] =	stream.strided.gather [hbm4b:s2+s10], $0x400, s11, s10, $0x38;
	[tilespmem:$0x18100] =	vst v63  }
0x91: {  	s18 =	simm.s32 $0x1400  }
0x92: {  	[tilespmem:s18], [sflag:$0x1] =	stream.strided.gather [hbm4b:s6+s10], $0x400, s11, s10, $0x38;
	[tilespmem:$0x18100] =	vst v63  }
0x93: {  	s19 =	simm.s32 $0x1800  }
0x94: {  	[tilespmem:s19], [sflag:$0x1] =	stream.strided.gather [hbm4b:s8+s10], $0x400, s11, s10, $0x38;
	[tilespmem:$0x18100] =	vst v63  }
0x95: {  	s20 =	simm.s32 $0x1C00  }
0x96: {  	[tilespmem:s20], [sflag:$0x1] =	stream.strided.gather [hbm4b:s7+s10], $0x400, s11, s10, $0x38;
	[tilespmem:$0x18100] =	vst v63  }
0x97: {  	s17 =	simm.s32 $0x2000  }
0x98: {  	[tilespmem:s17], [sflag:$0x1] =	stream.strided.gather [hbm4b:s3+s10], $0x400, s11, s10, $0x38;
	[tilespmem:$0x18100] =	vst v63  }
0x99: {  	s18 =	simm.s32 $0x2400  }
0x9a: {  	[tilespmem:s18], [sflag:$0x1] =	stream.strided.gather [hbm4b:s4+s10], $0x400, s11, s10, $0x38;
	[tilespmem:$0x18100] =	vst v63  }
0x9b: {  	s19 =	simm.s32 $0x2800  }
0x9c: {  	[tilespmem:s19], [sflag:$0x1] =	stream.strided.gather [hbm4b:s21+s10], $0x400, s11, s10, $0x38;
	[tilespmem:$0x18100] =	vst v63  }
0x9d: {  	s20 =	simm.s32 $0x2C00  }
0x9e: {  	[tilespmem:s20], [sflag:$0x1] =	stream.strided.gather [hbm4b:s22+s10], $0x400, s11, s10, $0x38;
	[tilespmem:$0x18100] =	vst v63  }
0x9f: {  	s17 =	simm.s32 $0x3000  }
0xa0: {  	[tilespmem:s17], [sflag:$0x1] =	stream.strided.gather [hbm4b:s23+s10], $0x400, s11, s10, $0x38;
	[tilespmem:$0x18100] =	vst v63  }
0xa1: {  	s18 =	simm.s32 $0x3400  }
0xa2: {  	[tilespmem:s18], [sflag:$0x1] =	stream.strided.gather [hbm4b:s24+s10], $0x400, s11, s10, $0x38;
	[tilespmem:$0x18100] =	vst v63  }
0xa3: {  	s19 =	simm.s32 $0x3800  }
0xa4: {  	[tilespmem:s19], [sflag:$0x1] =	stream.strided.gather [hbm4b:s25+s10], $0x400, s11, s10, $0x38;
	[tilespmem:$0x18100] =	vst v63  }
0xa5: {  	s20 =	rddreg [dreg:$0xb];
	s17 =	simm.s32 $0x3C00  }
0xa6: {  	[tilespmem:s17], [sflag:$0x1] =	stream.strided.gather [hbm4b:s20+s10], $0x400, s11, s10, $0x38;
	[tilespmem:$0x18100] =	vst v63  }
0xa7: {  	s18 =	simm.s32 $0x4000  }
0xa8: {  	[tilespmem:s18], [sflag:$0x2] =	stream.strided.gather [hbm4b:s28+s10], $0x400, s11, s10, $0x38;
	[tilespmem:$0x18100] =	vst v63  }
0xa9: {  	s19 =	rddreg [dreg:$0xc];
	s20 =	simm.s32 $0x4400  }
0xaa: {  	[tilespmem:s20], [sflag:$0x2] =	stream.strided.gather [hbm4b:s19+s10], $0x400, s11, s10, $0x38;
	[tilespmem:$0x18100] =	vst v63  }
0xab: {  	s17 =	rddreg [dreg:$0xd];
	s18 =	simm.s32 $0x4800  }
0xac: {  	[tilespmem:s18], [sflag:$0x2] =	stream.strided.gather [hbm4b:s17+s10], $0x400, s11, s10, $0x38;
	[tilespmem:$0x18100] =	vst v63  }
0xad: {  	s19 =	rddreg [dreg:$0xe];
	s20 =	simm.s32 $0x4C00  }
0xae: {  	[tilespmem:s20], [sflag:$0x2] =	stream.strided.gather [hbm4b:s19+s10], $0x400, s11, s10, $0x38;
	[tilespmem:$0x18100] =	vst v63  }
0xaf: {  	s17 =	rddreg [dreg:$0xf];
	s18 =	simm.s32 $0x5000  }
0xb0: {  	[tilespmem:s18], [sflag:$0x2] =	stream.strided.gather [hbm4b:s17+s10], $0x400, s11, s10, $0x38;
	[tilespmem:$0x18100] =	vst v63  }
0xb1: {  	s19 =	rddreg [dreg:$0x10];
	s20 =	simm.s32 $0x5400  }
0xb2: {  	[tilespmem:s20], [sflag:$0x2] =	stream.strided.gather [hbm4b:s19+s10], $0x400, s11, s10, $0x38;
	[tilespmem:$0x18100] =	vst v63  }
0xb3: {  	s17 =	rddreg [dreg:$0x11];
	s18 =	simm.s32 $0x5800  }
0xb4: {  	[tilespmem:s18], [sflag:$0x2] =	stream.strided.gather [hbm4b:s17+s10], $0x400, s11, s10, $0x38;
	[tilespmem:$0x18100] =	vst v63  }
0xb5: {  	s19 =	rddreg [dreg:$0x12];
	s20 =	simm.s32 $0x5C00  }
0xb6: {  	[tilespmem:s20], [sflag:$0x2] =	stream.strided.gather [hbm4b:s19+s10], $0x400, s11, s10, $0x38;
	[tilespmem:$0x18100] =	vst v63  }
0xb7: {  	s17 =	rddreg [dreg:$0x13];
	s18 =	simm.s32 $0x6000  }
0xb8: {  	[tilespmem:s18], [sflag:$0x2] =	stream.strided.gather [hbm4b:s17+s10], $0x400, s11, s10, $0x38;
	[tilespmem:$0x18100] =	vst v63  }
0xb9: {  	s19 =	rddreg [dreg:$0x14];
	s20 =	simm.s32 $0x6400  }
0xba: {  	[tilespmem:s20], [sflag:$0x2] =	stream.strided.gather [hbm4b:s19+s10], $0x400, s11, s10, $0x38;
	[tilespmem:$0x18100] =	vst v63  }
0xbb: {  	s17 =	rddreg [dreg:$0x15];
	s18 =	simm.s32 $0x6800  }
0xbc: {  	[tilespmem:s18], [sflag:$0x2] =	stream.strided.gather [hbm4b:s17+s10], $0x400, s11, s10, $0x38;
	[tilespmem:$0x18100] =	vst v63  }
0xbd: {  	s19 =	rddreg [dreg:$0x16];
	s20 =	simm.s32 $0x6C00  }
0xbe: {  	[tilespmem:s20], [sflag:$0x2] =	stream.strided.gather [hbm4b:s19+s10], $0x400, s11, s10, $0x38;
	[tilespmem:$0x18100] =	vst v63  }
0xbf: {  	s17 =	rddreg [dreg:$0x17];
	s18 =	simm.s32 $0x7000  }
0xc0: {  	[tilespmem:s18], [sflag:$0x2] =	stream.strided.gather [hbm4b:s17+s10], $0x400, s11, s10, $0x38;
	[tilespmem:$0x18100] =	vst v63  }
0xc1: {  	s19 =	rddreg [dreg:$0x18];
	s20 =	simm.s32 $0x7400  }
0xc2: {  	[tilespmem:s20], [sflag:$0x2] =	stream.strided.gather [hbm4b:s19+s10], $0x400, s11, s10, $0x38;
	[tilespmem:$0x18100] =	vst v63  }
0xc3: {  	s17 =	rddreg [dreg:$0x19];
	s18 =	simm.s32 $0x7800  }
0xc4: {  	[tilespmem:s18], [sflag:$0x2] =	stream.strided.gather [hbm4b:s17+s10], $0x400, s11, s10, $0x38;
	[tilespmem:$0x18100] =	vst v63  }
0xc5: {  	s19 =	rddreg [dreg:$0x1a];
	s20 =	simm.s32 $0x7C00  }
0xc6: {  	[tilespmem:s20], [sflag:$0x2] =	stream.strided.gather [hbm4b:s19+s10], $0x400, s11, s10, $0x38;
	[tilespmem:$0x18100] =	vst v63  }
0xc7: {  	_ =	swait.ge [sflag:s9], $0x4000  }
0xc8: {  	[sflag:s9] =	ssyncset.done $0x0  }
0xc9: {  	s17 =	simm.s32 $0x0;
	s18 =	simm.s32 $0x0;
	[sflag:s9] =	ssyncadd.s32 $0xFFFFC000  }
.LBB2_4:
0xca: {  	s19 =	sand.u32 $0x6000, s16;
	s20 =	sand.u32 $0x700, s17  }
0xcb: {  	s19 =	sor.u32 s20, s19  }
0xcc: {  	s19 =	sshrl.u32 s19, $0x1  }
0xcd: {  	v3 =	vld [tilespmem:s19+$0x0];
	_ =	sdelay $0x4  }
0xce: {  	v4 =	vunpack.i.l.s16.s32 v3  }
0xcf: {  	v3 =	vunpack.i.u.s16.s32 v3;
	vm2 =	vlt.s32 v4, $0x4000  }
0xd0: {  	vm3 =	vlt.s32 v3, $0x4000;
	_ =	sdelay $0x4  }
0xd1: {  	[tilespmem:v4+s12+$0x0] =	vst.idx.add.f32.msk vm2, v1  }
0xd2: {  	[tilespmem:v3+s12+$0x0] =	vst.idx.add.f32.msk vm3, v1  }
0xd3: {  	v3 =	vld [tilespmem:s19+$0x20];
	_ =	sdelay $0x4  }
0xd4: {  	v49 =	vunpack.i.l.s16.s32 v3  }
0xd5: {  	v3 =	vunpack.i.u.s16.s32 v3;
	vm2 =	vlt.s32 v49, $0x4000  }
0xd6: {  	vm3 =	vlt.s32 v3, $0x4000;
	_ =	sdelay $0x4  }
0xd7: {  	[tilespmem:v49+s12+$0x0] =	vst.idx.add.f32.msk vm2, v1  }
0xd8: {  	[tilespmem:v3+s12+$0x0] =	vst.idx.add.f32.msk vm3, v1  }
0xd9: {  	v3 =	vld [tilespmem:s19+$0x40];
	_ =	sdelay $0x4  }
0xda: {  	v50 =	vunpack.i.l.s16.s32 v3  }
0xdb: {  	v3 =	vunpack.i.u.s16.s32 v3;
	vm2 =	vlt.s32 v50, $0x4000  }
0xdc: {  	vm3 =	vlt.s32 v3, $0x4000;
	_ =	sdelay $0x4  }
0xdd: {  	[tilespmem:v50+s12+$0x0] =	vst.idx.add.f32.msk vm2, v1  }
0xde: {  	[tilespmem:v3+s12+$0x0] =	vst.idx.add.f32.msk vm3, v1  }
0xdf: {  	v3 =	vld [tilespmem:s19+$0x60];
	_ =	sdelay $0x4  }
0xe0: {  	v51 =	vunpack.i.l.s16.s32 v3  }
0xe1: {  	v3 =	vunpack.i.u.s16.s32 v3;
	vm2 =	vlt.s32 v51, $0x4000  }
0xe2: {  	vm3 =	vlt.s32 v3, $0x4000;
	_ =	sdelay $0x4  }
0xe3: {  	[tilespmem:v51+s12+$0x0] =	vst.idx.add.f32.msk vm2, v1  }
0xe4: {  	[tilespmem:v3+s12+$0x0] =	vst.idx.add.f32.msk vm3, v1  }
0xe5: {  	v3 =	vld [tilespmem:s19+$0x400];
	_ =	sdelay $0x4  }
0xe6: {  	v52 =	vunpack.i.l.s16.s32 v3  }
0xe7: {  	v3 =	vunpack.i.u.s16.s32 v3;
	vm2 =	vlt.s32 v52, $0x4000  }
0xe8: {  	vm3 =	vlt.s32 v3, $0x4000;
	_ =	sdelay $0x4  }
0xe9: {  	[tilespmem:v52+s12+$0x0] =	vst.idx.add.f32.msk vm2, v1  }
0xea: {  	[tilespmem:v3+s12+$0x0] =	vst.idx.add.f32.msk vm3, v1  }
0xeb: {  	v3 =	vld [tilespmem:s19+$0x420];
	_ =	sdelay $0x4  }
0xec: {  	v53 =	vunpack.i.l.s16.s32 v3  }
0xed: {  	v3 =	vunpack.i.u.s16.s32 v3;
	vm2 =	vlt.s32 v53, $0x4000  }
0xee: {  	vm3 =	vlt.s32 v3, $0x4000;
	_ =	sdelay $0x4  }
0xef: {  	[tilespmem:v53+s12+$0x0] =	vst.idx.add.f32.msk vm2, v1  }
0xf0: {  	[tilespmem:v3+s12+$0x0] =	vst.idx.add.f32.msk vm3, v1  }
0xf1: {  	v3 =	vld [tilespmem:s19+$0x440];
	_ =	sdelay $0x4  }
0xf2: {  	v54 =	vunpack.i.l.s16.s32 v3  }
0xf3: {  	v3 =	vunpack.i.u.s16.s32 v3;
	vm2 =	vlt.s32 v54, $0x4000  }
0xf4: {  	vm3 =	vlt.s32 v3, $0x4000;
	_ =	sdelay $0x4  }
0xf5: {  	[tilespmem:v54+s12+$0x0] =	vst.idx.add.f32.msk vm2, v1  }
0xf6: {  	[tilespmem:v3+s12+$0x0] =	vst.idx.add.f32.msk vm3, v1  }
0xf7: {  	v3 =	vld [tilespmem:s19+$0x460];
	_ =	sdelay $0x4  }
0xf8: {  	v55 =	vunpack.i.l.s16.s32 v3  }
0xf9: {  	v3 =	vunpack.i.u.s16.s32 v3;
	vm2 =	vlt.s32 v55, $0x4000  }
0xfa: {  	vm3 =	vlt.s32 v3, $0x4000;
	_ =	sdelay $0x4  }
0xfb: {  	[tilespmem:v55+s12+$0x0] =	vst.idx.add.f32.msk vm2, v1  }
0xfc: {  	[tilespmem:v3+s12+$0x0] =	vst.idx.add.f32.msk vm3, v1  }
0xfd: {  	v3 =	vld [tilespmem:s19+$0x800];
	_ =	sdelay $0x4  }
0xfe: {  	v56 =	vunpack.i.l.s16.s32 v3  }
0xff: {  	v3 =	vunpack.i.u.s16.s32 v3;
	vm2 =	vlt.s32 v56, $0x4000  }
0x100: {  	vm3 =	vlt.s32 v3, $0x4000;
	_ =	sdelay $0x4  }
0x101: {  	[tilespmem:v56+s12+$0x0] =	vst.idx.add.f32.msk vm2, v1  }
0x102: {  	[tilespmem:v3+s12+$0x0] =	vst.idx.add.f32.msk vm3, v1  }
0x103: {  	v3 =	vld [tilespmem:s19+$0x820];
	_ =	sdelay $0x4  }
0x104: {  	v57 =	vunpack.i.l.s16.s32 v3  }
0x105: {  	v3 =	vunpack.i.u.s16.s32 v3;
	vm2 =	vlt.s32 v57, $0x4000  }
0x106: {  	vm3 =	vlt.s32 v3, $0x4000;
	_ =	sdelay $0x4  }
0x107: {  	[tilespmem:v57+s12+$0x0] =	vst.idx.add.f32.msk vm2, v1  }
0x108: {  	[tilespmem:v3+s12+$0x0] =	vst.idx.add.f32.msk vm3, v1  }
0x109: {  	v3 =	vld [tilespmem:s19+$0x840];
	_ =	sdelay $0x4  }
0x10a: {  	v58 =	vunpack.i.l.s16.s32 v3  }
0x10b: {  	v3 =	vunpack.i.u.s16.s32 v3;
	vm2 =	vlt.s32 v58, $0x4000  }
0x10c: {  	vm3 =	vlt.s32 v3, $0x4000;
	_ =	sdelay $0x4  }
0x10d: {  	[tilespmem:v58+s12+$0x0] =	vst.idx.add.f32.msk vm2, v1  }
0x10e: {  	[tilespmem:v3+s12+$0x0] =	vst.idx.add.f32.msk vm3, v1  }
0x10f: {  	v3 =	vld [tilespmem:s19+$0x860];
	_ =	sdelay $0x4  }
0x110: {  	v59 =	vunpack.i.l.s16.s32 v3  }
0x111: {  	v3 =	vunpack.i.u.s16.s32 v3;
	vm2 =	vlt.s32 v59, $0x4000  }
0x112: {  	vm3 =	vlt.s32 v3, $0x4000;
	_ =	sdelay $0x4  }
0x113: {  	[tilespmem:v59+s12+$0x0] =	vst.idx.add.f32.msk vm2, v1  }
0x114: {  	[tilespmem:v3+s12+$0x0] =	vst.idx.add.f32.msk vm3, v1  }
0x115: {  	v3 =	vld [tilespmem:s19+$0xC00];
	_ =	sdelay $0x4  }
0x116: {  	v60 =	vunpack.i.l.s16.s32 v3  }
0x117: {  	v3 =	vunpack.i.u.s16.s32 v3;
	vm2 =	vlt.s32 v60, $0x4000  }
0x118: {  	vm3 =	vlt.s32 v3, $0x4000;
	_ =	sdelay $0x4  }
0x119: {  	[tilespmem:v60+s12+$0x0] =	vst.idx.add.f32.msk vm2, v1  }
0x11a: {  	[tilespmem:v3+s12+$0x0] =	vst.idx.add.f32.msk vm3, v1  }
0x11b: {  	v3 =	vld [tilespmem:s19+$0xC20];
	_ =	sdelay $0x4  }
0x11c: {  	v61 =	vunpack.i.l.s16.s32 v3  }
0x11d: {  	v3 =	vunpack.i.u.s16.s32 v3;
	vm2 =	vlt.s32 v61, $0x4000  }
0x11e: {  	vm3 =	vlt.s32 v3, $0x4000;
	_ =	sdelay $0x4  }
0x11f: {  	[tilespmem:v61+s12+$0x0] =	vst.idx.add.f32.msk vm2, v1  }
0x120: {  	[tilespmem:v3+s12+$0x0] =	vst.idx.add.f32.msk vm3, v1  }
0x121: {  	v3 =	vld [tilespmem:s19+$0xC40];
	_ =	sdelay $0x4  }
0x122: {  	v62 =	vunpack.i.l.s16.s32 v3  }
0x123: {  	v3 =	vunpack.i.u.s16.s32 v3;
	vm2 =	vlt.s32 v62, $0x4000  }
0x124: {  	vm3 =	vlt.s32 v3, $0x4000;
	_ =	sdelay $0x4  }
0x125: {  	[tilespmem:v62+s12+$0x0] =	vst.idx.add.f32.msk vm2, v1  }
0x126: {  	[tilespmem:v3+s12+$0x0] =	vst.idx.add.f32.msk vm3, v1  }
0x127: {  	v3 =	vld [tilespmem:s19+$0xC60];
	_ =	sdelay $0x4  }
0x128: {  	v63 =	vunpack.i.l.s16.s32 v3  }
0x129: {  	v3 =	vunpack.i.u.s16.s32 v3;
	vm2 =	vlt.s32 v63, $0x4000  }
0x12a: {  	vm3 =	vlt.s32 v3, $0x4000  }
0x12b: {  	p1 =	sne.s32 s18, $0x3F  }
.Ltmp3:
0x12c: {  	_ = 	snop;
	(pc) =	sbr.rel @p1 .LBB2_4-.Ltmp3, $3  }
0x12d: {  	_ =	sdelay $0x1  }
0x12e: {  	[tilespmem:v63+s12+$0x0] =	vst.idx.add.f32.msk vm2, v1  }
0x12f: {  	s17 =	sadd.s32 $0x80, s17;
	s16 =	sadd.s32 $0x200, s16;
	s18 =	sadd.s32 $0x1, s18;
	[tilespmem:v3+s12+$0x0] =	vst.idx.add.f32.msk vm3, v1  }
0x130: {  	_ =	swait.ge [sflag:s13], $0x4000  }
0x131: {  	s16 =	simm.s32 $0x0;
	[sflag:s13] =	ssyncset.done $0x0  }
0x132: {  	s17 =	simm.s32 $0x0;
	s18 =	simm.s32 $0x0;
	[sflag:s13] =	ssyncadd.s32 $0xFFFFC000  }
.LBB2_6:
0x133: {  	s19 =	sand.u32 $0x6000, s16;
	s20 =	sand.u32 $0x700, s17  }
0x134: {  	s19 =	sor.u32 s20, s19  }
0x135: {  	s19 =	sshrl.u32 s19, $0x1  }
0x136: {  	v3 =	vld [tilespmem:s19+$0x4000];
	_ =	sdelay $0x4  }
0x137: {  	v4 =	vunpack.i.l.s16.s32 v3  }
0x138: {  	v3 =	vunpack.i.u.s16.s32 v3;
	vm2 =	vlt.s32 v4, $0x4000  }
0x139: {  	vm3 =	vlt.s32 v3, $0x4000;
	_ =	sdelay $0x4  }
0x13a: {  	[tilespmem:v4+s12+$0x0] =	vst.idx.add.f32.msk vm2, v1  }
0x13b: {  	[tilespmem:v3+s12+$0x0] =	vst.idx.add.f32.msk vm3, v1  }
0x13c: {  	v3 =	vld [tilespmem:s19+$0x4020];
	_ =	sdelay $0x4  }
0x13d: {  	v49 =	vunpack.i.l.s16.s32 v3  }
0x13e: {  	v3 =	vunpack.i.u.s16.s32 v3;
	vm2 =	vlt.s32 v49, $0x4000  }
0x13f: {  	vm3 =	vlt.s32 v3, $0x4000;
	_ =	sdelay $0x4  }
0x140: {  	[tilespmem:v49+s12+$0x0] =	vst.idx.add.f32.msk vm2, v1  }
0x141: {  	[tilespmem:v3+s12+$0x0] =	vst.idx.add.f32.msk vm3, v1  }
0x142: {  	v3 =	vld [tilespmem:s19+$0x4040];
	_ =	sdelay $0x4  }
0x143: {  	v50 =	vunpack.i.l.s16.s32 v3  }
0x144: {  	v3 =	vunpack.i.u.s16.s32 v3;
	vm2 =	vlt.s32 v50, $0x4000  }
0x145: {  	vm3 =	vlt.s32 v3, $0x4000;
	_ =	sdelay $0x4  }
0x146: {  	[tilespmem:v50+s12+$0x0] =	vst.idx.add.f32.msk vm2, v1  }
0x147: {  	[tilespmem:v3+s12+$0x0] =	vst.idx.add.f32.msk vm3, v1  }
0x148: {  	v3 =	vld [tilespmem:s19+$0x4060];
	_ =	sdelay $0x4  }
0x149: {  	v51 =	vunpack.i.l.s16.s32 v3  }
0x14a: {  	v3 =	vunpack.i.u.s16.s32 v3;
	vm2 =	vlt.s32 v51, $0x4000  }
0x14b: {  	vm3 =	vlt.s32 v3, $0x4000;
	_ =	sdelay $0x4  }
0x14c: {  	[tilespmem:v51+s12+$0x0] =	vst.idx.add.f32.msk vm2, v1  }
0x14d: {  	[tilespmem:v3+s12+$0x0] =	vst.idx.add.f32.msk vm3, v1  }
0x14e: {  	v3 =	vld [tilespmem:s19+$0x4400];
	_ =	sdelay $0x4  }
0x14f: {  	v52 =	vunpack.i.l.s16.s32 v3  }
0x150: {  	v3 =	vunpack.i.u.s16.s32 v3;
	vm2 =	vlt.s32 v52, $0x4000  }
0x151: {  	vm3 =	vlt.s32 v3, $0x4000;
	_ =	sdelay $0x4  }
0x152: {  	[tilespmem:v52+s12+$0x0] =	vst.idx.add.f32.msk vm2, v1  }
0x153: {  	[tilespmem:v3+s12+$0x0] =	vst.idx.add.f32.msk vm3, v1  }
0x154: {  	v3 =	vld [tilespmem:s19+$0x4420];
	_ =	sdelay $0x4  }
0x155: {  	v53 =	vunpack.i.l.s16.s32 v3  }
0x156: {  	v3 =	vunpack.i.u.s16.s32 v3;
	vm2 =	vlt.s32 v53, $0x4000  }
0x157: {  	vm3 =	vlt.s32 v3, $0x4000;
	_ =	sdelay $0x4  }
0x158: {  	[tilespmem:v53+s12+$0x0] =	vst.idx.add.f32.msk vm2, v1  }
0x159: {  	[tilespmem:v3+s12+$0x0] =	vst.idx.add.f32.msk vm3, v1  }
0x15a: {  	v3 =	vld [tilespmem:s19+$0x4440];
	_ =	sdelay $0x4  }
0x15b: {  	v54 =	vunpack.i.l.s16.s32 v3  }
0x15c: {  	v3 =	vunpack.i.u.s16.s32 v3;
	vm2 =	vlt.s32 v54, $0x4000  }
0x15d: {  	vm3 =	vlt.s32 v3, $0x4000;
	_ =	sdelay $0x4  }
0x15e: {  	[tilespmem:v54+s12+$0x0] =	vst.idx.add.f32.msk vm2, v1  }
0x15f: {  	[tilespmem:v3+s12+$0x0] =	vst.idx.add.f32.msk vm3, v1  }
0x160: {  	v3 =	vld [tilespmem:s19+$0x4460];
	_ =	sdelay $0x4  }
0x161: {  	v55 =	vunpack.i.l.s16.s32 v3  }
0x162: {  	v3 =	vunpack.i.u.s16.s32 v3;
	vm2 =	vlt.s32 v55, $0x4000  }
0x163: {  	vm3 =	vlt.s32 v3, $0x4000;
	_ =	sdelay $0x4  }
0x164: {  	[tilespmem:v55+s12+$0x0] =	vst.idx.add.f32.msk vm2, v1  }
0x165: {  	[tilespmem:v3+s12+$0x0] =	vst.idx.add.f32.msk vm3, v1  }
0x166: {  	v3 =	vld [tilespmem:s19+$0x4800];
	_ =	sdelay $0x4  }
0x167: {  	v56 =	vunpack.i.l.s16.s32 v3  }
0x168: {  	v3 =	vunpack.i.u.s16.s32 v3;
	vm2 =	vlt.s32 v56, $0x4000  }
0x169: {  	vm3 =	vlt.s32 v3, $0x4000;
	_ =	sdelay $0x4  }
0x16a: {  	[tilespmem:v56+s12+$0x0] =	vst.idx.add.f32.msk vm2, v1  }
0x16b: {  	[tilespmem:v3+s12+$0x0] =	vst.idx.add.f32.msk vm3, v1  }
0x16c: {  	v3 =	vld [tilespmem:s19+$0x4820];
	_ =	sdelay $0x4  }
0x16d: {  	v57 =	vunpack.i.l.s16.s32 v3  }
0x16e: {  	v3 =	vunpack.i.u.s16.s32 v3;
	vm2 =	vlt.s32 v57, $0x4000  }
0x16f: {  	vm3 =	vlt.s32 v3, $0x4000;
	_ =	sdelay $0x4  }
0x170: {  	[tilespmem:v57+s12+$0x0] =	vst.idx.add.f32.msk vm2, v1  }
0x171: {  	[tilespmem:v3+s12+$0x0] =	vst.idx.add.f32.msk vm3, v1  }
0x172: {  	v3 =	vld [tilespmem:s19+$0x4840];
	_ =	sdelay $0x4  }
0x173: {  	v58 =	vunpack.i.l.s16.s32 v3  }
0x174: {  	v3 =	vunpack.i.u.s16.s32 v3;
	vm2 =	vlt.s32 v58, $0x4000  }
0x175: {  	vm3 =	vlt.s32 v3, $0x4000;
	_ =	sdelay $0x4  }
0x176: {  	[tilespmem:v58+s12+$0x0] =	vst.idx.add.f32.msk vm2, v1  }
0x177: {  	[tilespmem:v3+s12+$0x0] =	vst.idx.add.f32.msk vm3, v1  }
0x178: {  	v3 =	vld [tilespmem:s19+$0x4860];
	_ =	sdelay $0x4  }
0x179: {  	v59 =	vunpack.i.l.s16.s32 v3  }
0x17a: {  	v3 =	vunpack.i.u.s16.s32 v3;
	vm2 =	vlt.s32 v59, $0x4000  }
0x17b: {  	vm3 =	vlt.s32 v3, $0x4000;
	_ =	sdelay $0x4  }
0x17c: {  	[tilespmem:v59+s12+$0x0] =	vst.idx.add.f32.msk vm2, v1  }
0x17d: {  	[tilespmem:v3+s12+$0x0] =	vst.idx.add.f32.msk vm3, v1  }
0x17e: {  	v3 =	vld [tilespmem:s19+$0x4C00];
	_ =	sdelay $0x4  }
0x17f: {  	v60 =	vunpack.i.l.s16.s32 v3  }
0x180: {  	v3 =	vunpack.i.u.s16.s32 v3;
	vm2 =	vlt.s32 v60, $0x4000  }
0x181: {  	vm3 =	vlt.s32 v3, $0x4000;
	_ =	sdelay $0x4  }
0x182: {  	[tilespmem:v60+s12+$0x0] =	vst.idx.add.f32.msk vm2, v1  }
0x183: {  	[tilespmem:v3+s12+$0x0] =	vst.idx.add.f32.msk vm3, v1  }
0x184: {  	v3 =	vld [tilespmem:s19+$0x4C20];
	_ =	sdelay $0x4  }
0x185: {  	v61 =	vunpack.i.l.s16.s32 v3  }
0x186: {  	v3 =	vunpack.i.u.s16.s32 v3;
	vm2 =	vlt.s32 v61, $0x4000  }
0x187: {  	vm3 =	vlt.s32 v3, $0x4000;
	_ =	sdelay $0x4  }
0x188: {  	[tilespmem:v61+s12+$0x0] =	vst.idx.add.f32.msk vm2, v1  }
0x189: {  	[tilespmem:v3+s12+$0x0] =	vst.idx.add.f32.msk vm3, v1  }
0x18a: {  	v3 =	vld [tilespmem:s19+$0x4C40];
	_ =	sdelay $0x4  }
0x18b: {  	v62 =	vunpack.i.l.s16.s32 v3  }
0x18c: {  	v3 =	vunpack.i.u.s16.s32 v3;
	vm2 =	vlt.s32 v62, $0x4000  }
0x18d: {  	vm3 =	vlt.s32 v3, $0x4000;
	_ =	sdelay $0x4  }
0x18e: {  	[tilespmem:v62+s12+$0x0] =	vst.idx.add.f32.msk vm2, v1  }
0x18f: {  	[tilespmem:v3+s12+$0x0] =	vst.idx.add.f32.msk vm3, v1  }
0x190: {  	v3 =	vld [tilespmem:s19+$0x4C60];
	_ =	sdelay $0x4  }
0x191: {  	v63 =	vunpack.i.l.s16.s32 v3  }
0x192: {  	v3 =	vunpack.i.u.s16.s32 v3;
	vm2 =	vlt.s32 v63, $0x4000  }
0x193: {  	vm3 =	vlt.s32 v3, $0x4000  }
0x194: {  	p1 =	sne.s32 s18, $0x3F  }
.Ltmp4:
0x195: {  	_ = 	snop;
	(pc) =	sbr.rel @p1 .LBB2_6-.Ltmp4, $3  }
0x196: {  	_ =	sdelay $0x1  }
0x197: {  	[tilespmem:v63+s12+$0x0] =	vst.idx.add.f32.msk vm2, v1  }
0x198: {  	s17 =	sadd.s32 $0x80, s17;
	s16 =	sadd.s32 $0x200, s16;
	s18 =	sadd.s32 $0x1, s18;
	[tilespmem:v3+s12+$0x0] =	vst.idx.add.f32.msk vm3, v1  }
0x199: {  	[spmem:s29] =	stream.linear.scatter [tilespmem:s12], [sflag:$0x3], $0x4000, $0x38;
	[tilespmem:$0x18100] =	vst v63  }
.Ltmp5:
0x19a: {  	_ =	swait.ge [sflag:s14], $0x4000;
	(pc) =	sbr.rel @p0 .LBB2_13-.Ltmp5, $3  }
0x19b: {  	[sflag:s14] =	ssyncset.done $0x0  }
0x19c: {  	[sflag:s14] =	ssyncadd.s32 $0xFFFFC000  }
0x19d: {  	[bflag:$0x0] =	sbarrier.arrive $0xFFFF;
	_ =	sdelay $0x1  }
0x19e: {  	s17 =	simm.s32 $0x0;
	s16 =	rddreg [dreg:$0x4];
	s18 =	simm.s32 $0x14000  }
0x19f: {  	[tilespmem:s18], [sflag:$0x3] =	stream.linear.gather [hbm4b:s16+s17], $0x10, $0x38;
	[tilespmem:$0x18100] =	vst v63  }
0x1a0: {  	_ =	swait.ge [sflag:s14], $0x10  }
0x1a1: {  	[sflag:s14] =	ssyncset.done $0x0  }
0x1a2: {  	[sflag:s14] =	ssyncadd.s32 $0xFFFFFFF0  }
0x1a3: {  	v4 =	vld [tilespmem:$0x14000];
	_ =	sdelay $0x4  }
0x1a4: {  	v3 =	vsel vm0, $0x0, v4  }
0x1a5: {  	(xrf2) =	vadd.scan.msk.f32 $0xffff, v3;
	_ =	sdelay $0x8  }
0x1a6: {  	s19 =	simm.s32 $0xC000;
	s18 =	rddreg [dreg:$0x5]  }
0x1a7: {  	[tilespmem:s19], [sflag:$0x3] =	stream.linear.gather [spmem:s18], $0x2000, $0x38;
	v3, _, _ =	vpop (xrf2);
	[tilespmem:$0x18100] =	vst v63  }
0x1a8: {  	_ =	swait.ge [sflag:s14], $0x2000  }
0x1a9: {  	s5 =	smov.u32 s21;
	[sflag:s14] =	ssyncset.done $0x0  }
0x1aa: {  	s21 =	simm.s32 $0xE000;
	s20 =	rddreg [dreg:$0x1b];
	[sflag:s14] =	ssyncadd.s32 $0xFFFFE000  }
0x1ab: {  	[tilespmem:s21], [sflag:$0x3] =	stream.linear.gather [spmem:s20], $0x2000, $0x38;
	[tilespmem:$0x18100] =	vst v63  }
0x1ac: {  	_ =	swait.ge [sflag:s14], $0x2000  }
0x1ad: {  	[sflag:s14] =	ssyncset.done $0x0  }
0x1ae: {  	s23 =	simm.s32 $0x10000;
	s22 =	rddreg [dreg:$0x1c];
	[sflag:s14] =	ssyncadd.s32 $0xFFFFE000  }
0x1af: {  	[tilespmem:s23], [sflag:$0x3] =	stream.linear.gather [spmem:s22], $0x2000, $0x38;
	[tilespmem:$0x18100] =	vst v63  }
0x1b0: {  	_ =	swait.ge [sflag:s14], $0x2000  }
0x1b1: {  	[sflag:s14] =	ssyncset.done $0x0  }
0x1b2: {  	s25 =	simm.s32 $0x12000;
	s24 =	rddreg [dreg:$0x1d];
	[sflag:s14] =	ssyncadd.s32 $0xFFFFE000  }
0x1b3: {  	[tilespmem:s25], [sflag:$0x3] =	stream.linear.gather [spmem:s24], $0x2000, $0x38;
	[tilespmem:$0x18100] =	vst v63  }
0x1b4: {  	_ =	swait.ge [sflag:s14], $0x2000  }
0x1b5: {  	[sflag:s14] =	ssyncset.done $0x0  }
0x1b6: {  	s16 =	simm.s32 $0x12070;
	[sflag:s14] =	ssyncadd.s32 $0xFFFFE000  }
0x1b7: {  	v5 =	vld [tilespmem:s16+$0xFFFFBF90]  }
0x1b8: {  	v6 =	vld [tilespmem:s16+$0xFFFF9F90];
	_ =	sdelay $0x1  }
0x1b9: {  	v7 =	vld [tilespmem:s16+$0xFFFFDF90]  }
0x1ba: {  	v8 =	vld [tilespmem:s16+$0xFFFFFF90]  }
0x1bb: {  	v9 =	vld [tilespmem:s16+$0xFFFFDFA0]  }
0x1bc: {  	v10 =	vld [tilespmem:s16+$0xFFFFBFA0];
	v5 =	vadd.f32 v5, v6  }
0x1bd: {  	v11 =	vld [tilespmem:s16+$0xFFFF9FA0]  }
0x1be: {  	v12 =	vld [tilespmem:s16+$0xFFFF9FB0];
	v5 =	vadd.f32 v7, v5  }
0x1bf: {  	s17 =	scvt.s32.f32 s17;
	v14 =	vld [tilespmem:s16+$0xFFFFDFB0]  }
0x1c0: {  	v6 =	vld [tilespmem:s16+$0xFFFFBFD0];
	v13 =	vadd.f32 v8, v5  }
0x1c1: {  	s17 =	smul.f32 $1.600000000e+01, s17;
	s19 =	simm.s32 $0x3;
	v5 =	vld [tilespmem:s16+$0xFFFFBFB0]  }
0x1c2: {  	s18 =	scvt.s32.f32 s19;
	v7 =	vld [tilespmem:s16+$0xFFFF9FD0];
	(xrf2) =	vadd.scan.msk.f32 $0xffff, v13  }
0x1c3: {  	v16 =	vadd.f32 s17, v2;
	v15 =	vld [tilespmem:s16+$0xFFFFBFC0]  }
0x1c4: {  	s18 =	smul.f32 $1.600000000e+01, s18;
	v17 =	vld [tilespmem:s16+$0xFFFFDFD0]  }
0x1c5: {  	v16 =	vadd.f32 $5.000000000e-01, v16;
	s20 =	simm.s32 $0x2;
	v19 =	vld [tilespmem:s16+$0xFFFFFFB0]  }
0x1c6: {  	v18 =	vadd.f32 s18, v2;
	s21 =	simm.s32 $0x1;
	s17 =	scvt.s32.f32 s20;
	v8 =	vld [tilespmem:s16+$0xFFFF9FC0];
	v5 =	vadd.f32 v5, v12  }
0x1c7: {  	s18 =	scvt.s32.f32 s21;
	v10 =	vadd.f32 v10, v11;
	v6 =	vadd.f32 v6, v7;
	v12 =	vld [tilespmem:s16+$0xFFFFFFD0]  }
0x1c8: {  	s17 =	smul.f32 $1.600000000e+01, s17;
	v11 =	vadd.f32 $5.000000000e-01, v18;
	v5 =	vadd.f32 v14, v5;
	v14 =	vld [tilespmem:s16+$0xFFFFFFA0]  }
0x1c9: {  	s18 =	smul.f32 $1.600000000e+01, s18;
	v9 =	vadd.f32 v9, v10;
	v6 =	vadd.f32 v17, v6  }
0x1ca: {  	v10 =	vld [tilespmem:s16+$0xFFFFDFC0];
	v7 =	vadd.f32 v19, v5;
	v5 =	vadd.f32 s17, v2  }
0x1cb: {  	v8 =	vadd.f32 v15, v8;
	v17 =	vadd.f32 s18, v2  }
0x1cc: {  	v15 =	vmul.f32 $1.953125000e-03, v16;
	v16 =	vld [tilespmem:s16+$0xFFFFFFC0];
	v6 =	vadd.f32 v12, v6;
	v5 =	vadd.f32 $5.000000000e-01, v5;
	v12, _, _ =	vpop (xrf2)  }
0x1cd: {  	v11 =	vmul.f32 $1.953125000e-03, v11;
	(xrf2) =	vadd.scan.msk.f32 $0xffff, v7;
	v14 =	vadd.f32 v14, v9;
	(v2sf) =	vpush v12, $0xF  }
0x1ce: {  	v9 =	vadd.f32 $-1.600000000e+01, v15;
	(xrf2) =	vadd.scan.msk.f32 $0xffff, v6;
	v15 =	vadd.f32 $5.000000000e-01, v17  }
0x1cf: {  	s22 =	simm.s32 $0x4;
	v11 =	vadd.f32 $-1.600000000e+01, v11;
	v8 =	vadd.f32 v10, v8;
	v5 =	vmul.f32 $1.953125000e-03, v5;
	(xrf2) =	vadd.scan.msk.f32 $0xffff, v14  }
0x1d0: {  	v10 =	vld [tilespmem:s16+$0xFFFFBFE0];
	s17 =	scvt.s32.f32 s22;
	v9 =	vmul.f32 $1.442695020e+00, v9;
	v15 =	vmul.f32 $1.953125000e-03, v15  }
0x1d1: {  	s23 =	simm.s32 $0x5;
	v11 =	vmul.f32 $1.442695020e+00, v11;
	v8 =	vadd.f32 v16, v8;
	v17 =	vld [tilespmem:s16+$0xFFFF9FE0];
	v5 =	vadd.f32 $-1.600000000e+01, v5  }
0x1d2: {  	s18 =	scvt.s32.f32 s23;
	s17 =	smul.f32 $1.600000000e+01, s17;
	(erf) = vpow2.f32 v9;
	v9 =	vadd.f32 $-1.600000000e+01, v15  }
0x1d3: {  	(xrf2) =	vadd.scan.msk.f32 $0xffff, v8;
	(erf) = vpow2.f32 v11;
	v11 =	vld [tilespmem:s16+$0xFFFFDFE0];
	v5 =	vmul.f32 $1.442695020e+00, v5  }
0x1d4: {  	s24 =	simm.f32 $0.0e+00;
	v18 =	vld [tilespmem:s16+$0xFFFFA000];
	s18 =	smul.f32 $1.600000000e+01, s18;
	v15 =	vadd.f32 s17, v2;
	v9 =	vmul.f32 $1.442695020e+00, v9  }
0x1d5: {  	v16 =	vld [tilespmem:s16+$0xFFFFC000];
	v19 =	vadd.f32 s24, v12;
	(erf) = vpow2.f32 v5;
	v5 =	vbroadcast v3, $0xF  }
0x1d6: {  	v12 =	vld [tilespmem:s16+$0xFFFFFFE0];
	v10 =	vadd.f32 v10, v17;
	v17 =	vadd.f32 s18, v2  }
0x1d7: {  	(erf) = vpow2.f32 v9;
	v9 =	vadd.f32 $5.000000000e-01, v15;
	v20, _, _ =	vpop (xrf2);
	v21 =	vadd.f32 v19, v5  }
0x1d8: {  	v10 =	vadd.f32 v11, v10;
	v15, _, _ =	vpop (xrf2);
	v11 =	vadd.f32 $5.000000000e-01, v17  }
0x1d9: {  	v17 =	vsub.f32 v19, v13;
	(v2sf) =	vpush v20, $0xF;
	v13, _, _ =	vpop (xrf2)  }
0x1da: {  	v22 =	vld [tilespmem:s16+$0xFFFFBFF0];
	v16 =	vadd.f32 v16, v18;
	v18 =	vmul.f32 $1.953125000e-03, v9;
	(v2sf) =	vpush v13, $0xF  }
0x1db: {  	v25 =	vld [tilespmem:s16+$0xFFFF9FF0];
	v11 =	vmul.f32 $1.953125000e-03, v11;
	v9 =	vadd.f32 v12, v10;
	v10 =	vmax.f32 v21, $1.000000000e+00;
	v23 =	vpop (erf)  }
0x1dc: {  	v24 =	vadd.f32 v17, v5;
	v26 =	vpop (erf);
	(erf) = vrcp.f32 v10;
	v10 =	vld [tilespmem:s16+$0xFFFFE000];
	s25 =	spop (v2sf)  }
0x1dd: {  	v12 =	vadd.f32 $-1.600000000e+01, v18;
	v21, _, _ =	vpop (xrf2);
	v11 =	vadd.f32 $-1.600000000e+01, v11;
	(xrf2) =	vadd.scan.msk.f32 $0xffff, v9;
	s17 =	sadd.f32 s25, s24  }
0x1de: {  	s19 =	simm.s32 $0x7;
	v28 =	vld [tilespmem:s16+$0x0];
	v18 =	vmax.f32 v24, $1.000000000e+00;
	v23 =	vadd.f32 $1.000000000e+00, v23;
	(v2sf) =	vpush v21, $0xF  }
0x1df: {  	s18 =	scvt.s32.f32 s19;
	v11 =	vmul.f32 $1.442695020e+00, v11;
	v24 =	vadd.f32 s17, v13;
	v13 =	vpop (erf);
	(erf) = vrcp.f32 v18;
	v18 =	vld [tilespmem:s16+$0xFFFFDFF0]  }
0x1e0: {  	s19 =	simm.s32 $0x6;
	(v2sf) =	vpush v15, $0xF;
	v26 =	vadd.f32 $1.000000000e+00, v26  }
0x1e1: {  	s19 =	scvt.s32.f32 s19;
	s18 =	smul.f32 $1.600000000e+01, s18;
	v10 =	vadd.f32 v10, v16;
	v27 =	vpop (erf);
	(erf) = vpow2.f32 v11;
	v11 =	vadd.f32 v22, v25  }
0x1e2: {  	s23 =	simm.s32 $0xB;
	v12 =	vmul.f32 $1.442695020e+00, v12;
	v22 =	vld [tilespmem:s16+$0xFFFFFFF0];
	v29 =	vadd.f32 v24, v5;
	v27 =	vadd.f32 $1.000000000e+00, v27  }
0x1e3: {  	s20 =	smul.f32 $1.600000000e+01, s19;
	v25 =	vadd.f32 s18, v2;
	s18 =	scvt.s32.f32 s23;
	s16 =	simm.s32 $0x120F0;
	(erf) = vrcp.f32 v23;
	v10 =	vadd.f32 v28, v10  }
0x1e4: {  	s21 =	simm.s32 $0x8;
	v47 =	vld [tilespmem:s16+$0xFFFFBFE0];
	v23 =	vmax.f32 v29, $1.000000000e+00;
	(erf) = vrcp.f32 v27;
	v16 =	vadd.f32 v18, v11  }
0x1e5: {  	s22 =	scvt.s32.f32 s21;
	v63 =	vld [tilespmem:s16+$0xFFFF9FE0];
	v25 =	vadd.f32 $5.000000000e-01, v25;
	s18 =	smul.f32 $1.600000000e+01, s18;
	(erf) = vrcp.f32 v23;
	v18 =	vadd.f32 s20, v2  }
0x1e6: {  	v23 =	vadd.f32 $1.000000000e+00, v13;
	(erf) = vpow2.f32 v12;
	v12 =	vsub.f32 v24, v14;
	v14 =	vpop (erf)  }
0x1e7: {  	s24 =	smul.f32 $1.600000000e+01, s22;
	v11 =	vimm.f32 $0.0e+00;
	v30 =	vadd.f32 s18, v2;
	v27, _, _ =	vpop (xrf2);
	v13 =	vadd.f32 v22, v16  }
0x1e8: {  	s20 =	spop (v2sf);
	v18 =	vadd.f32 $5.000000000e-01, v18;
	v14 =	vmul.f32 v14, v19;
	(v2sf) =	vpush v27, $0xF;
	v16 =	vpop (erf)  }
0x1e9: {  	v22 =	vadd.f32 s24, v2;
	(erf) = vrcp.f32 v23;
	s25 =	spop (v2sf);
	v16 =	vmul.f32 v16, v17  }
0x1ea: {  	s22 =	simm.s32 $0xF;
	v31 =	vld [tilespmem:s16+$0xFFFFDF90];
	v52 =	vadd.f32 v47, v63;
	v35 =	vadd.f32 v12, v5;
	(xrf2) =	vadd.scan.msk.f32 $0xffff, v13;
	v28 =	vmul.f32 $1.953125000e-03, v18;
	s17 =	sadd.f32 s25, s17  }
0x1eb: {  	s22 =	scvt.s32.f32 s22;
	v37 =	vld [tilespmem:s16+$0xFFFFBFD0];
	v23 =	vadd.f32 $5.000000000e-01, v22;
	v17 =	vmul.f32 $1.953125000e-03, v25;
	v19 =	vpop (erf);
	(xrf2) =	vadd.scan.msk.f32 $0xffff, v10;
	v14 =	vsub.f32 v14, v16  }
0x1ec: {  	v56 =	vld [tilespmem:s16+$0xFFFF9FD0];
	(erf) = vrcp.f32 v26;
	v18 =	vpop (erf);
	v28 =	vadd.f32 $-1.600000000e+01, v28;
	v32 =	vadd.f32 s17, v20  }
0x1ed: {  	s23 =	smul.f32 $1.600000000e+01, s22;
	v25 =	vld [tilespmem:s16+$0xFFFFBF90];
	v17 =	vadd.f32 $-1.600000000e+01, v17;
	v16 =	vpop (erf);
	v22 =	vmul.f32 v14, v18;
	v14 =	vadd.f32 $5.000000000e-01, v30  }
0x1ee: {  	v23 =	vmul.f32 $1.953125000e-03, v23;
	s17 =	sadd.f32 s20, s17;
	v30 =	vadd.f32 $1.000000000e+00, v19;
	v38 =	vsub.f32 v32, v7;
	v7 =	vld [tilespmem:s16+$0xFFFF9F90];
	v18 =	vpop (erf)  }
0x1ef: {  	v34 =	vld [tilespmem:s16+$0xFFFFBFA0];
	s24 =	spop (v2sf);
	v19 =	vadd.f32 s23, v2;
	v26 =	vadd.f32 v32, v5;
	v20 =	vpop (erf);
	v36 =	vmul.f32 $1.953125000e-03, v14  }
0x1f0: {  	s25 =	sadd.f32 s24, s17;
	v18 =	vmul.f32 v18, v24;
	v24 =	vld [tilespmem:s16+$0xFFFF9FA0];
	v22 =	vadd.f32 v22, v11;
	v14 =	vadd.f32 $1.000000000e+00, v20  }
0x1f1: {  	v33 =	vld [tilespmem:s16+$0xFFFFDFA0];
	v35 =	vmax.f32 v35, $1.000000000e+00;
	s19 =	spop (v2sf);
	v20 =	vadd.f32 $-1.600000000e+01, v23;
	v23 =	vadd.f32 s17, v21  }
0x1f2: {  	v57 =	vld [tilespmem:s16+$0xFFFF9FC0];
	v21 =	vmul.f32 $1.442695020e+00, v17;
	s17 =	sadd.f32 s19, s25;
	v17 =	vadd.f32 $-1.600000000e+01, v36;
	v36 =	vadd.f32 v37, v56  }
0x1f3: {  	v20 =	vmul.f32 $1.442695020e+00, v20;
	v39 =	vsub.f32 v23, v8;
	v8 =	vld [tilespmem:s16+$0xFFFF9FB0];
	v25 =	vadd.f32 v25, v7  }
0x1f4: {  	v41, _, _ =	vpop (xrf2);
	v40 =	vmul.f32 $1.442695020e+00, v17;
	v17 =	vadd.f32 s25, v15;
	v15 =	vadd.f32 s17, v27;
	v27 =	vld [tilespmem:s16+$0xFFFFBFB0]  }
0x1f5: {  	v58 =	vld [tilespmem:s16+$0xFFFFDFB0];
	v42, _, _ =	vpop (xrf2);
	(erf) = vpow2.f32 v20;
	v24 =	vadd.f32 v34, v24;
	v20 =	vadd.f32 v38, v5  }
0x1f6: {  	v29 =	vld [tilespmem:s16+$0xFFFFFF90];
	v28 =	vmul.f32 $1.442695020e+00, v28;
	(v2sf) =	vpush v42, $0xF;
	v60 =	vadd.f32 v39, v5  }
0x1f7: {  	v7 =	vld [tilespmem:s16+$0xFFFFBFC0];
	v25 =	vadd.f32 v31, v25;
	(erf) = vpow2.f32 v40;
	(v2sf) =	vpush v41, $0xF  }
0x1f8: {  	v44 =	vadd.f32 v17, v5;
	v43 =	vmax.f32 v20, $1.000000000e+00;
	v20 =	vsub.f32 v15, v9;
	v9 =	vld [tilespmem:s16+$0xFFFFDFD0]  }
0x1f9: {  	s22 =	simm.s32 $0xC;
	s20 =	simm.s32 $0xA;
	v46 =	vsub.f32 v17, v6;
	(erf) = vpow2.f32 v21;
	v8 =	vadd.f32 v27, v8;
	v27 =	vld [tilespmem:s16+$0xFFFFDFC0]  }
0x1fa: {  	v59 =	vld [tilespmem:s16+$0xFFFFFFB0];
	s18 =	scvt.s32.f32 s20;
	s19 =	scvt.s32.f32 s22;
	s22 =	simm.s32 $0x9;
	v6 =	vadd.f32 v23, v5;
	v21 =	vmax.f32 v26, $1.000000000e+00;
	(erf) = vrcp.f32 v43  }
0x1fb: {  	v45 =	vld [tilespmem:s16+$0xFFFFFFD0];
	s20 =	scvt.s32.f32 s22;
	s21 =	spop (v2sf);
	v26 =	vadd.f32 v15, v5;
	v24 =	vadd.f32 v33, v24;
	(erf) = vrcp.f32 v21  }
0x1fc: {  	s17 =	sadd.f32 s21, s17;
	v25 =	vadd.f32 v29, v25;
	v34 =	vadd.f32 v7, v57;
	(erf) = vrcp.f32 v35  }
0x1fd: {  	v61 =	vld [tilespmem:s16+$0xFFFFFFC0];
	s20 =	smul.f32 $1.600000000e+01, s20;
	v31 =	vmax.f32 v60, $1.000000000e+00;
	v8 =	vadd.f32 v58, v8;
	v48 =	vadd.f32 v9, v36  }
0x1fe: {  	v62 =	vmax.f32 v44, $1.000000000e+00;
	(xrf2) =	vadd.scan.msk.f32 $0xffff, v25;
	v43 =	vpop (erf);
	v36 =	vadd.f32 s17, v41;
	v27 =	vadd.f32 v27, v34  }
0x1ff: {  	v49 =	vmax.f32 v6, $1.000000000e+00;
	v35 =	vpop (erf);
	v7 =	vadd.f32 v59, v8;
	v59 =	vadd.f32 s20, v2  }
0x200: {  	s18 =	smul.f32 $1.600000000e+01, s18;
	v21 =	vpop (erf);
	(erf) = vrcp.f32 v31;
	v6 =	vadd.f32 v45, v48;
	v31 =	vadd.f32 v46, v5  }
0x201: {  	v11 =	vmax.f32 v26, $1.000000000e+00;
	v44 =	vsub.f32 v36, v13;
	v13 =	vadd.f32 v36, v5;
	v8 =	vpop (erf)  }
0x202: {  	v50 =	vld [tilespmem:s16+$0xFFFFA000];
	s24 =	simm.s32 $0xD;
	(erf) = vrcp.f32 v30;
	v30 =	vadd.f32 s18, v2;
	v9 =	vadd.f32 v61, v27;
	v27 =	vpop (erf)  }
0x203: {  	s23 =	smul.f32 $1.600000000e+01, s19;
	v29 =	vld [tilespmem:s16+$0xFFFFC000];
	s18 =	scvt.s32.f32 s24;
	v31 =	vmax.f32 v31, $1.000000000e+00;
	(erf) = vrcp.f32 v49;
	v51 =	vpop (erf);
	v27 =	vadd.f32 $1.000000000e+00, v27  }
0x204: {  	v55 =	vadd.f32 v44, v5;
	v30 =	vadd.f32 $5.000000000e-01, v30;
	(erf) = vpow2.f32 v28;
	v53 =	vpop (erf)  }
0x205: {  	v63 =	vld [tilespmem:s16+$0xFFFFE000];
	v26 =	vmax.f32 v13, $1.000000000e+00;
	s18 =	smul.f32 $1.600000000e+01, s18;
	v28 =	vadd.f32 s23, v2;
	v54 =	vpop (erf);
	(erf) = vrcp.f32 v27  }
0x206: {  	v45 =	vmax.f32 v55, $1.000000000e+00;
	v30 =	vmul.f32 $1.953125000e-03, v30;
	(erf) = vrcp.f32 v31;
	v31 =	vld [tilespmem:s16+$0xFFFFFFA0]  }
0x207: {  	v56 =	vld [tilespmem:s16+$0xFFFFBFF0];
	v60 =	vadd.f32 s18, v2;
	v32 =	vmul.f32 v53, v32;
	v28 =	vadd.f32 $5.000000000e-01, v28  }
0x208: {  	v58 =	vld [tilespmem:s16+$0xFFFF9FF0];
	v61, _, _ =	vpop (xrf2);
	v27 =	vadd.f32 v29, v50;
	v29 =	vmul.f32 v51, v38;
	(erf) = vrcp.f32 v62  }
0x209: {  	s25 =	spop (v2sf);
	(v2sf) =	vpush v61, $0xF;
	v30 =	vadd.f32 $-1.600000000e+01, v30;
	v41 =	vmul.f32 v54, v12;
	v12 =	vld [tilespmem:s16+$0xFFFFDFE0]  }
0x20a: {  	s23 =	spop (v2sf);
	v13 =	vpop (erf);
	v57 =	vmul.f32 $1.953125000e-03, v28;
	v29 =	vsub.f32 v32, v29;
	v27 =	vadd.f32 v63, v27  }
0x20b: {  	s21 =	sadd.f32 s23, s17;
	(erf) = vrcp.f32 v11;
	v11 =	vmul.f32 v13, v39;
	v28 =	vpop (erf);
	v24 =	vadd.f32 v31, v24;
	v31 =	vld [tilespmem:s16+$0xFFFFDFF0]  }
0x20c: {  	(xrf2) =	vadd.scan.msk.f32 $0xffff, v7;
	v18 =	vsub.f32 v18, v41;
	v39 =	vadd.f32 $5.000000000e-01, v59;
	(erf) = vrcp.f32 v14;
	v13 =	vpop (erf)  }
0x20d: {  	s17 =	sadd.f32 s25, s21;
	(erf) = vrcp.f32 v26;
	v26 =	vadd.f32 v56, v58;
	v23 =	vmul.f32 v13, v23  }
0x20e: {  	v48 =	vld [tilespmem:s16+$0xFFFFFFE0];
	(xrf2) =	vadd.scan.msk.f32 $0xffff, v6;
	v30 =	vmul.f32 $1.442695020e+00, v30;
	v34 =	vadd.f32 v12, v52;
	v12 =	vadd.f32 s21, v42;
	v62 =	vpop (erf)  }
0x20f: {  	v16 =	vmul.f32 v18, v16;
	v13 =	vadd.f32 s17, v61;
	(xrf2) =	vadd.scan.msk.f32 $0xffff, v24;
	v23 =	vsub.f32 v23, v11;
	v11 =	vpop (erf)  }
0x210: {  	v47 =	vmul.f32 $1.953125000e-03, v39;
	v14 =	vsub.f32 v12, v10;
	v10 =	vpop (erf);
	v31 =	vadd.f32 v31, v26;
	v26 =	vld [tilespmem:s16+$0x0]  }
0x211: {  	s24 =	simm.s32 $0xE;
	v29 =	vmul.f32 v29, v43;
	v22 =	vadd.f32 v16, v22;
	v18 =	vpop (erf);
	v10 =	vmul.f32 v10, v46  }
0x212: {  	s18 =	scvt.s32.f32 s24;
	v18 =	vmul.f32 v18, v17;
	v17 =	vsub.f32 v13, v25;
	v25 =	vadd.f32 $-1.600000000e+01, v47  }
0x213: {  	(erf) = vrcp.f32 v45;
	v52 =	vadd.f32 v20, v5;
	v16 =	vadd.f32 v48, v34;
	(xrf2) =	vadd.scan.msk.f32 $0xffff, v9  }
0x214: {  	s18 =	smul.f32 $1.600000000e+01, s18;
	v53 =	vadd.f32 v29, v22;
	v51 =	vsub.f32 v18, v10;
	v25 =	vmul.f32 $1.442695020e+00, v25  }
0x215: {  	(erf) = vpow2.f32 v30;
	v10 =	vadd.f32 v26, v27;
	v26 =	vadd.f32 v12, v5  }
0x216: {  	v29 =	vadd.f32 s18, v2;
	v50 =	vmul.f32 v23, v35;
	v23, _, _ =	vpop (xrf2);
	(xrf2) =	vadd.scan.msk.f32 $0xffff, v16;
	(erf) = vpow2.f32 v25  }
0x217: {  	v56 =	vadd.f32 v13, v5;
	(v2sf) =	vpush v23, $0xF;
	v27 =	vpop (erf);
	v22 =	vmax.f32 v26, $1.000000000e+00  }
0x218: {  	v18, _, _ =	vpop (xrf2);
	v25 =	vmax.f32 v52, $1.000000000e+00;
	v27 =	vmul.f32 v27, v15;
	(erf) = vrcp.f32 v22  }
0x219: {  	v15 =	vadd.f32 $1.000000000e+00, v62;
	v26 =	vadd.f32 $5.000000000e-01, v60;
	v54, _, _ =	vpop (xrf2);
	(erf) = vrcp.f32 v25  }
0x21a: {  	v55 =	vpop (erf);
	(v2sf) =	vpush v54, $0xF;
	v25 =	vadd.f32 v17, v5  }
0x21b: {  	v40 =	vmul.f32 $1.953125000e-03, v26;
	v22 =	vpop (erf);
	(erf) = vrcp.f32 v15;
	v15 =	vmax.f32 v56, $1.000000000e+00  }
0x21c: {  	v30 =	vadd.f32 $-1.600000000e+01, v57;
	v49 =	vadd.f32 v14, v5;
	s25 =	spop (v2sf);
	v36 =	vmul.f32 v22, v36;
	v22 =	vpop (erf)  }
0x21d: {  	v29 =	vadd.f32 $5.000000000e-01, v29;
	s18 =	sadd.f32 s25, s17;
	v25 =	vmax.f32 v25, $1.000000000e+00;
	v26, _, _ =	vpop (xrf2);
	v58 =	vadd.f32 $-1.600000000e+01, v40  }
0x21e: {  	(erf) = vrcp.f32 v15;
	v57 =	vmul.f32 v22, v44;
	v22 =	vadd.f32 $1.000000000e+00, v21;
	v15 =	vpop (erf)  }
0x21f: {  	v30 =	vmul.f32 $1.442695020e+00, v30;
	(v2sf) =	vpush v26, $0xF;
	v21 =	vadd.f32 s18, v54;
	v59 =	vpop (erf)  }
0x220: {  	v39 =	vmax.f32 v49, $1.000000000e+00;
	(erf) = vrcp.f32 v25;
	(v2sf) =	vpush v18, $0xF;
	v25, _, _ =	vpop (xrf2)  }
0x221: {  	v61 =	vld [tilespmem:s16+$0xFFFFFFF0];
	v34 =	vmul.f32 $1.442695020e+00, v58;
	v33 =	vadd.f32 $1.000000000e+00, v15;
	v15 =	vsub.f32 v21, v24;
	v24 =	vpop (erf)  }
0x222: {  	v60 =	vadd.f32 v21, v5;
	(erf) = vrcp.f32 v39;
	v40 =	vadd.f32 $1.000000000e+00, v59;
	v62 =	vpop (erf)  }
0x223: {  	(erf) = vpow2.f32 v34;
	(v2sf) =	vpush v25, $0xF;
	v20 =	vmul.f32 v62, v20  }
0x224: {  	(erf) = vrcp.f32 v22;
	v22 =	vmul.f32 $1.953125000e-03, v29;
	v29 =	vadd.f32 $5.000000000e-01, v19  }
0x225: {  	v32 =	vmul.f32 v51, v55;
	v63 =	vmax.f32 v60, $1.000000000e+00;
	(erf) = vrcp.f32 v40  }
0x226: {  	v19 =	vadd.f32 v61, v31;
	(erf) = vrcp.f32 v63;
	v31 =	vsub.f32 v27, v20  }
0x227: {  	v8 =	vadd.f32 $1.000000000e+00, v8;
	v34 =	vmul.f32 $1.953125000e-03, v29;
	(erf) = vpow2.f32 v30;
	v20 =	vpop (erf)  }
0x228: {  	s16 =	simm.s32 $0x12170;
	s17 =	simm.s32 $0x10;
	s20 =	spop (v2sf);
	(xrf2) =	vadd.scan.msk.f32 $0xffff, v19;
	v30 =	vadd.f32 v50, v53;
	v27 =	vsub.f32 v36, v57;
	v28 =	vmul.f32 v31, v28;
	v29 =	vpop (erf)  }
.LBB2_9:
0x229: {  	s21 =	scvt.s32.f32 s17  }
0x22a: {  	v35 =	vld [tilespmem:s16+$0xFFFFBF90];
	s22 =	sadd.s32 $0x3, s17;
	v36 =	vpop (erf);
	s23 =	spop (v2sf);
	v37 =	vmul.f32 v24, v12;
	s19 =	smov.u32 s17  }
0x22b: {  	s24 =	sadd.s32 $0x6, s17;
	v12 =	vmul.f32 v29, v13;
	v31 =	vld [tilespmem:s16+$0xFFFFFF90];
	s22 =	scvt.s32.f32 s22;
	v36 =	vmul.f32 v36, v17;
	s23 =	sadd.f32 s23, s18;
	v24 =	vadd.f32 v32, v30  }
0x22c: {  	s18 =	scvt.s32.f32 s24;
	v32 =	vadd.f32 $-1.600000000e+01, v34;
	s25 =	smul.f32 $1.600000000e+01, s21;
	v17 =	vld [tilespmem:s16+$0xFFFFBFF0];
	s21 =	sadd.s32 $0x8, s17;
	(erf) = vrcp.f32 v33;
	(xrf2) =	vadd.scan.msk.f32 $0xffff, v10;
	v33 =	vpop (erf)  }
0x22d: {  	v20 =	vmul.f32 v27, v20;
	s24 =	sadd.s32 $0x7, s19;
	s22 =	smul.f32 $1.600000000e+01, s22;
	v30 =	vld [tilespmem:s16+$0xFFFFBFE0];
	v12 =	vsub.f32 v12, v36;
	v29 =	vadd.f32 s23, v23;
	s20 =	sadd.f32 s20, s23;
	v13 =	vpop (erf)  }
0x22e: {  	p1 =	slt.u32 s17, $0x1F8;
	s23 =	scvt.s32.f32 s24;
	v36 =	vadd.f32 v28, v24;
	v14 =	vmul.f32 v33, v14;
	v40 =	vadd.f32 s25, v2;
	v23 =	vld [tilespmem:s16+$0xFFFF9FF0];
	v34 =	vpop (erf);
	s17 =	spop (v2sf)  }
0x22f: {  	v38 =	vadd.f32 $1.000000000e+00, v13;
	v33 =	vadd.f32 s22, v2;
	v28 =	vld [tilespmem:s16+$0xFFFF9FE0];
	v12 =	vmul.f32 v12, v34;
	s17 =	sadd.f32 s17, s20;
	v24 =	vpop (erf)  }
0x230: {  	v34 =	vsub.f32 v37, v14;
	v39 =	vld [tilespmem:s16+$0xFFFFDF90];
	v13 =	vadd.f32 $5.000000000e-01, v40;
	v27 =	vpop (erf);
	s22 =	spop (v2sf)  }
0x231: {  	s23 =	smul.f32 $1.600000000e+01, s23;
	v37 =	vld [tilespmem:s16+$0xFFFFDFA0];
	v33 =	vadd.f32 $5.000000000e-01, v33;
	v14 =	vmul.f32 v27, v21;
	s22 =	sadd.f32 s22, s17;
	v21 =	vpop (erf);
	v27 =	vadd.f32 v20, v36  }
0x232: {  	v40 =	vadd.f32 v15, v5;
	v34 =	vmul.f32 v34, v11;
	v13 =	vmul.f32 $1.953125000e-03, v13;
	v36 =	vld [tilespmem:s16+$0xFFFFBFA0]  }
0x233: {  	v20 =	vadd.f32 s23, v2;
	v11 =	vadd.f32 $1.000000000e+00, v21;
	v49 =	vmul.f32 $1.953125000e-03, v33;
	v41 =	vld [tilespmem:s16+$0xFFFFBFD0];
	s23 =	spop (v2sf);
	v42, _, _ =	vpop (xrf2)  }
0x234: {  	v44 =	vmul.f32 $1.442695020e+00, v32;
	v21 =	vadd.f32 $-1.600000000e+01, v13;
	v43 =	vld [tilespmem:s16+$0xFFFF9FA0];
	v13 =	vadd.f32 s20, v26;
	s20 =	sadd.f32 s23, s22  }
0x235: {  	v47 =	vsub.f32 v29, v7;
	v45 =	vadd.f32 $-1.600000000e+01, v49;
	v46 =	vld [tilespmem:s16+$0xFFFF9FD0];
	v26 =	vpop (erf);
	(erf) = vrcp.f32 v8  }
0x236: {  	v48 =	vadd.f32 v29, v5;
	v7 =	vld [tilespmem:s16+$0xFFFF9F90];
	v8 =	vmul.f32 $1.442695020e+00, v21;
	v32 =	vsub.f32 v13, v9;
	v33, _, _ =	vpop (xrf2)  }
0x237: {  	v18 =	vadd.f32 s17, v18;
	v21 =	vadd.f32 s22, v25;
	v9 =	vld [tilespmem:s16+$0xFFFF9FB0];
	v45 =	vmul.f32 $1.442695020e+00, v45  }
0x238: {  	v25 =	vld [tilespmem:s16+$0xFFFFBFB0];
	(erf) = vpow2.f32 v8;
	v8 =	vmax.f32 v40, $1.000000000e+00;
	v40 =	vadd.f32 v34, v27  }
0x239: {  	v27 =	vadd.f32 v36, v43;
	v34 =	vld [tilespmem:s16+$0xFFFF9FC0];
	(erf) = vpow2.f32 v45;
	v36 =	vadd.f32 v47, v5  }
0x23a: {  	v43 =	vld [tilespmem:s16+$0xFFFFDFB0];
	v41 =	vadd.f32 v41, v46;
	(erf) = vpow2.f32 v44;
	(v2sf) =	vpush v33, $0xF  }
0x23b: {  	v45 =	vadd.f32 v21, v5;
	v44 =	vmax.f32 v48, $1.000000000e+00;
	v35 =	vadd.f32 v35, v7;
	v7 =	vld [tilespmem:s16+$0xFFFFBFC0]  }
0x23c: {  	v48 =	vadd.f32 $-1.600000000e+01, v22;
	v36 =	vmax.f32 v36, $1.000000000e+00;
	v46 =	vld [tilespmem:s16+$0xFFFFFFB0];
	(v2sf) =	vpush v42, $0xF  }
0x23d: {  	v22 =	vsub.f32 v21, v16;
	v9 =	vadd.f32 v25, v9;
	v49 =	vld [tilespmem:s16+$0xFFFFDFC0];
	(erf) = vrcp.f32 v36  }
0x23e: {  	v36 =	vadd.f32 v37, v27;
	v37 =	vadd.f32 v32, v5;
	v27 =	vld [tilespmem:s16+$0xFFFFDFD0];
	(erf) = vrcp.f32 v44;
	v16 =	vpop (erf)  }
0x23f: {  	v44 =	vadd.f32 v18, v5;
	v9 =	vadd.f32 v43, v9;
	v43 =	vld [tilespmem:s16+$0xFFFFFFC0];
	(erf) = vrcp.f32 v8  }
0x240: {  	v48 =	vmul.f32 $1.442695020e+00, v48;
	v51 =	vadd.f32 v7, v34;
	v50 =	vld [tilespmem:s16+$0xFFFFFFD0];
	v34 =	vsub.f32 v18, v6  }
0x241: {  	s17 =	sadd.s32 $0x2, s19;
	v6 =	vadd.f32 v13, v5;
	v44 =	vmax.f32 v44, $1.000000000e+00;
	v7 =	vadd.f32 v46, v9;
	v25 =	vpop (erf)  }
0x242: {  	s17 =	scvt.s32.f32 s17;
	v37 =	vmax.f32 v37, $1.000000000e+00;
	v9 =	vadd.f32 v39, v35;
	v35 =	vadd.f32 v49, v51;
	v8 =	vpop (erf)  }
0x243: {  	v39 =	vmax.f32 v6, $1.000000000e+00;
	v8 =	vadd.f32 $1.000000000e+00, v8;
	v27 =	vadd.f32 v27, v41;
	v41 =	vpop (erf)  }
0x244: {  	s17 =	smul.f32 $1.600000000e+01, s17;
	s22 =	sadd.s32 $0x4, s19;
	v31 =	vadd.f32 v31, v9;
	v9 =	vadd.f32 v43, v35;
	(erf) = vrcp.f32 v37  }
0x245: {  	s22 =	scvt.s32.f32 s22;
	v37 =	vadd.f32 v34, v5;
	v6 =	vadd.f32 v50, v27;
	v35 =	vld [tilespmem:s16+$0xFFFFC000];
	(erf) = vrcp.f32 v38  }
0x246: {  	v38 =	vadd.f32 s17, v2;
	v27 =	vadd.f32 s20, v42;
	v43 =	vld [tilespmem:s16+$0xFFFFA000];
	(xrf2) =	vadd.scan.msk.f32 $0xffff, v31;
	v42 =	vpop (erf);
	(erf) = vrcp.f32 v39  }
0x247: {  	v30 =	vadd.f32 v30, v28;
	s17 =	smul.f32 $1.600000000e+01, s22;
	s22 =	sadd.s32 $0x5, s19;
	v28 =	vmax.f32 v37, $1.000000000e+00;
	v37 =	vadd.f32 $1.000000000e+00, v41;
	v39 =	vpop (erf)  }
0x248: {  	s22 =	scvt.s32.f32 s22;
	v38 =	vadd.f32 $5.000000000e-01, v38;
	v29 =	vmul.f32 v39, v29;
	v39 =	vpop (erf);
	(erf) = vpow2.f32 v48  }
0x249: {  	v41 =	vadd.f32 s17, v2;
	v39 =	vmul.f32 v39, v15;
	v15 =	vsub.f32 v27, v19;
	s17 =	spop (v2sf)  }
0x24a: {  	s19 =	sadd.s32 $0x1, s19;
	v46 =	vadd.f32 v27, v5;
	s22 =	smul.f32 $1.600000000e+01, s22;
	v19 =	vmul.f32 $1.953125000e-03, v38;
	v38 =	vld [tilespmem:s16+$0xFFFFDFE0];
	(erf) = vrcp.f32 v37  }
0x24b: {  	s19 =	scvt.s32.f32 s19;
	v37 =	vmul.f32 v42, v47;
	v35 =	vadd.f32 v35, v43;
	(erf) = vrcp.f32 v28;
	s23 =	spop (v2sf)  }
0x24c: {  	v47 =	vadd.f32 $5.000000000e-01, v41;
	v41 =	vadd.f32 v15, v5;
	v42 =	vld [tilespmem:s16+$0xFFFFFFA0];
	(xrf2) =	vadd.scan.msk.f32 $0xffff, v7;
	s20 =	sadd.f32 s23, s20;
	(erf) = vrcp.f32 v44  }
0x24d: {  	v40 =	vadd.f32 v12, v40;
	v12 =	vmax.f32 v45, $1.000000000e+00;
	v43 =	vmax.f32 v46, $1.000000000e+00;
	s23 =	smul.f32 $1.600000000e+01, s19;
	v44 =	vpop (erf)  }
0x24e: {  	v45 =	vmul.f32 $1.953125000e-03, v47;
	v46 =	vsub.f32 v29, v37;
	s19 =	sadd.f32 s17, s20;
	(erf) = vrcp.f32 v12;
	v28 =	vpop (erf)  }
0x24f: {  	v32 =	vmul.f32 v44, v32;
	v12 =	vadd.f32 s20, v33;
	v30 =	vadd.f32 v38, v30;
	v33 =	vpop (erf)  }
0x250: {  	v37 =	vadd.f32 s23, v2;
	v38 =	vadd.f32 s22, v2;
	v44, _, _ =	vpop (xrf2);
	(xrf2) =	vadd.scan.msk.f32 $0xffff, v6;
	v33 =	vmul.f32 v33, v13  }
0x251: {  	v26 =	vmul.f32 v46, v26;
	v13 =	vadd.f32 s19, v44;
	v36 =	vadd.f32 v42, v36;
	v42 =	vld [tilespmem:s16+$0xFFFFDFF0];
	v29 =	vpop (erf)  }
0x252: {  	v46 =	vsub.f32 v14, v39;
	(v2sf) =	vpush v44, $0xF;
	(erf) = vrcp.f32 v11  }
0x253: {  	v37 =	vadd.f32 $5.000000000e-01, v37;
	v32 =	vsub.f32 v33, v32;
	v44 =	vld [tilespmem:s16+$0xFFFFE000];
	(erf) = vrcp.f32 v43;
	v11 =	vpop (erf)  }
0x254: {  	v17 =	vadd.f32 v17, v23;
	v14 =	vsub.f32 v12, v10;
	v33 =	vmax.f32 v41, $1.000000000e+00;
	(xrf2) =	vadd.scan.msk.f32 $0xffff, v36;
	v10 =	vpop (erf)  }
0x255: {  	v19 =	vadd.f32 $-1.600000000e+01, v19;
	v24 =	vmul.f32 v46, v24;
	v37 =	vmul.f32 $1.953125000e-03, v37;
	v41 =	vld [tilespmem:s16+$0xFFFFFFE0];
	v39 =	vpop (erf)  }
0x256: {  	v42 =	vadd.f32 v42, v17;
	v43 =	vld [tilespmem:s16+$0x0];
	v23, _, _ =	vpop (xrf2);
	v18 =	vmul.f32 v39, v18;
	v39 =	vadd.f32 v14, v5  }
0x257: {  	v10 =	vmul.f32 v10, v34;
	v17 =	vsub.f32 v13, v31;
	v31 =	vadd.f32 $-1.600000000e+01, v37;
	v34 =	vpop (erf)  }
0x258: {  	v19 =	vmul.f32 $1.442695020e+00, v19;
	v44 =	vadd.f32 v44, v35;
	(xrf2) =	vadd.scan.msk.f32 $0xffff, v9;
	(erf) = vrcp.f32 v33  }
0x259: {  	v24 =	vadd.f32 v24, v40;
	v32 =	vmul.f32 v32, v16;
	v37 =	vsub.f32 v18, v10  }
0x25a: {  	v33 =	vmul.f32 $1.442695020e+00, v31;
	v16 =	vadd.f32 v41, v30;
	v18, _, _ =	vpop (xrf2);
	v30 =	vadd.f32 v22, v5  }
0x25b: {  	v10 =	vadd.f32 v43, v44;
	(erf) = vpow2.f32 v19;
	v19 =	vadd.f32 v12, v5;
	v35 =	vpop (erf)  }
0x25c: {  	s17 =	smul.f32 $1.600000000e+01, s18;
	(erf) = vpow2.f32 v33;
	(v2sf) =	vpush v23, $0xF;
	(xrf2) =	vadd.scan.msk.f32 $0xffff, v16;
	v30 =	vmax.f32 v30, $1.000000000e+00;
	v31 =	vpop (erf)  }
0x25d: {  	v40 =	vadd.f32 v26, v24;
	v33 =	vadd.f32 $-1.600000000e+01, v45;
	v19 =	vmax.f32 v19, $1.000000000e+00  }
0x25e: {  	v24 =	vadd.f32 $5.000000000e-01, v38;
	v38 =	vadd.f32 s17, v2;
	v41, _, _ =	vpop (xrf2);
	(erf) = vrcp.f32 v19  }
0x25f: {  	v43 =	vmul.f32 $1.442695020e+00, v33;
	(v2sf) =	vpush v41, $0xF;
	(erf) = vrcp.f32 v30  }
0x260: {  	v19 =	vadd.f32 v17, v5;
	v30 =	vmul.f32 v34, v21;
	v21 =	vadd.f32 $1.000000000e+00, v29  }
0x261: {  	v24 =	vmul.f32 $1.953125000e-03, v24;
	v27 =	vmul.f32 v31, v27;
	v29 =	vadd.f32 v13, v5;
	s17 =	spop (v2sf);
	v31 =	vpop (erf)  }
0x262: {  	v19 =	vmax.f32 v19, $1.000000000e+00;
	s18 =	sadd.f32 s17, s19;
	v26, _, _ =	vpop (xrf2);
	v31 =	vmul.f32 v31, v15;
	(erf) = vrcp.f32 v21  }
0x263: {  	v33 =	vmax.f32 v29, $1.000000000e+00;
	v29 =	vadd.f32 $1.000000000e+00, v25;
	(v2sf) =	vpush v26, $0xF  }
0x264: {  	v45 =	vadd.f32 $-1.600000000e+01, v24;
	v21 =	vadd.f32 s18, v41;
	(erf) = vrcp.f32 v33;
	v15 =	vpop (erf)  }
0x265: {  	v33 =	vadd.f32 $1.000000000e+00, v15;
	(erf) = vrcp.f32 v19;
	v19 =	vpop (erf);
	(v2sf) =	vpush v18, $0xF  }
0x266: {  	v39 =	vmax.f32 v39, $1.000000000e+00;
	v41 =	vmul.f32 $1.442695020e+00, v45;
	v34 =	vadd.f32 v21, v5;
	v44 =	vld [tilespmem:s16+$0xFFFFFFF0];
	v25, _, _ =	vpop (xrf2)  }
0x267: {  	v15 =	vsub.f32 v21, v36;
	v19 =	vadd.f32 $1.000000000e+00, v19;
	v24 =	vpop (erf);
	(erf) = vrcp.f32 v39  }
0x268: {  	v36 =	vadd.f32 $5.000000000e-01, v38;
	(erf) = vpow2.f32 v41;
	(v2sf) =	vpush v25, $0xF;
	v38 =	vpop (erf)  }
.Ltmp6:
0x269: {  	v34 =	vmax.f32 v34, $1.000000000e+00;
	(erf) = vrcp.f32 v29;
	v29 =	vmul.f32 v38, v22;
	(pc) =	sbr.rel @p1 .LBB2_9-.Ltmp6, $4  }
0x26a: {  	v22 =	vmul.f32 $1.953125000e-03, v36;
	v36 =	vadd.f32 $5.000000000e-01, v20;
	(erf) = vrcp.f32 v19  }
0x26b: {  	v19 =	vadd.f32 v44, v42;
	(erf) = vrcp.f32 v34;
	s20 =	spop (v2sf);
	v38 =	vsub.f32 v30, v29;
	v20 =	vpop (erf)  }
0x26c: {  	v27 =	vsub.f32 v27, v31;
	v34 =	vmul.f32 $1.953125000e-03, v36;
	(erf) = vpow2.f32 v43  }
0x26d: {  	s17 =	smov.u32 s21;
	s16 =	sadd.s32 $0x80, s16;
	v30 =	vadd.f32 v32, v40;
	v32 =	vmul.f32 v37, v35;
	v29 =	vpop (erf);
	(xrf2) =	vadd.scan.msk.f32 $0xffff, v19;
	v28 =	vmul.f32 v38, v28  }
0x26e: {  	(xrf2) =	vadd.scan.msk.f32 $0xffff, v10;
	_ =	sdelay $0x8  }
0x26f: {  	s16 =	spop (v2sf);
	v35, _, _ =	vpop (xrf2)  }
0x270: {  	s16 =	sadd.f32 s16, s18;
	v36, _, _ =	vpop (xrf2)  }
0x271: {  	v31 =	vadd.f32 $-1.600000000e+01, v34;
	(v2sf) =	vpush v36, $0xF  }
0x272: {  	v23 =	vadd.f32 s16, v23;
	(v2sf) =	vpush v35, $0xF  }
0x273: {  	(erf) = vrcp.f32 v33;
	v53 =	vmul.f32 $1.442695020e+00, v31;
	s16 =	sadd.f32 s20, s16  }
0x274: {  	v34 =	vpop (erf);
	(erf) = vrcp.f32 v8;
	v31 =	vsub.f32 v23, v7  }
0x275: {  	(erf) = vpow2.f32 v53;
	v7 =	vadd.f32 s16, v26;
	v38 =	vadd.f32 v23, v5  }
0x276: {  	v37 =	vpop (erf);
	v8 =	vadd.f32 v31, v5  }
0x277: {  	v54 =	vpop (erf);
	s17 =	spop (v2sf);
	v26 =	vsub.f32 v7, v9;
	v38 =	vmax.f32 v38, $1.000000000e+00  }
0x278: {  	v55 =	vadd.f32 v15, v5;
	v39 =	vpop (erf);
	s16 =	sadd.f32 s17, s16;
	v8 =	vmax.f32 v8, $1.000000000e+00  }
0x279: {  	v22 =	vadd.f32 $-1.600000000e+01, v22;
	v40 =	vpop (erf);
	s18 =	spop (v2sf);
	(erf) = vrcp.f32 v8;
	v8 =	vadd.f32 v26, v5  }
0x27a: {  	v33 =	vmax.f32 v55, $1.000000000e+00;
	v9 =	vadd.f32 $1.000000000e+00, v54;
	s17 =	sadd.f32 s18, s16;
	(erf) = vrcp.f32 v38;
	v38 =	vpop (erf)  }
0x27b: {  	v56 =	vadd.f32 v7, v5;
	(erf) = vrcp.f32 v33;
	v8 =	vmax.f32 v8, $1.000000000e+00;
	v41 =	vpop (erf)  }
0x27c: {  	v18 =	vadd.f32 s16, v18;
	v25 =	vadd.f32 s17, v25;
	(erf) = vrcp.f32 v8;
	v42 =	vpop (erf)  }
0x27d: {  	s19 =	spop (v2sf);
	v8 =	vmul.f32 $1.442695020e+00, v22;
	v22 =	vmax.f32 v56, $1.000000000e+00;
	(erf) = vrcp.f32 v9;
	v33 =	vpop (erf)  }
0x27e: {  	s16 =	sadd.f32 s19, s17;
	v9 =	vadd.f32 $1.000000000e+00, v41;
	v41 =	vsub.f32 v18, v6;
	(erf) = vrcp.f32 v22;
	v43 =	vpop (erf)  }
0x27f: {  	v16 =	vsub.f32 v25, v16;
	(erf) = vpow2.f32 v8;
	v43 =	vadd.f32 $1.000000000e+00, v43  }
0x280: {  	v35 =	vadd.f32 s16, v35;
	v8 =	vadd.f32 v41, v5;
	s17 =	spop (v2sf)  }
0x281: {  	v6 =	vadd.f32 v25, v5;
	v22 =	vadd.f32 v18, v5;
	s20 =	spop (v2sf)  }
0x282: {  	v19 =	vsub.f32 v35, v19;
	v8 =	vmax.f32 v8, $1.000000000e+00;
	v44 =	vpop (erf);
	(erf) = vrcp.f32 v43;
	s18 =	sadd.f32 s20, s16  }
0x283: {  	v45 =	vadd.f32 v35, v5;
	v22 =	vmax.f32 v22, $1.000000000e+00;
	v43 =	vpop (erf);
	(erf) = vrcp.f32 v8  }
0x284: {  	v8 =	vmax.f32 v6, $1.000000000e+00;
	v46 =	vpop (erf);
	(erf) = vrcp.f32 v22;
	v6 =	vadd.f32 s18, v36  }
0x285: {  	v57 =	vmax.f32 v45, $1.000000000e+00;
	v22 =	vadd.f32 v19, v5;
	v58 =	vpop (erf);
	(erf) = vrcp.f32 v8  }
0x286: {  	v47 =	vpop (erf);
	(erf) = vrcp.f32 v9;
	v9 =	vsub.f32 v6, v10;
	v8 =	vadd.f32 v6, v5  }
0x287: {  	v59 =	vadd.f32 v16, v5;
	v22 =	vmax.f32 v22, $1.000000000e+00;
	(erf) = vrcp.f32 v57;
	v10 =	vpop (erf)  }
0x288: {  	(erf) = vrcp.f32 v22;
	v48 =	vpop (erf);
	v49 =	vadd.f32 v9, v5;
	v8 =	vmax.f32 v8, $1.000000000e+00  }
0x289: {  	v22 =	vmax.f32 v59, $1.000000000e+00;
	v60 =	vadd.f32 $1.000000000e+00, v48;
	(erf) = vrcp.f32 v8  }
0x28a: {  	(erf) = vrcp.f32 v22;
	v22 =	vmax.f32 v49, $1.000000000e+00  }
0x28b: {  	v8 =	vpop (erf);
	(erf) = vrcp.f32 v60  }
0x28c: {  	v61 =	vpop (erf);
	(erf) = vrcp.f32 v22  }
0x28d: {  	v22 =	vpop (erf)  }
0x28e: {  	v62 =	vpop (erf)  }
0x28f: {  	v63 =	vpop (erf)  }
0x290: {  	v50 =	vpop (erf)  }
0x291: {  	v51 =	vpop (erf)  }
0x292: {  	v52 =	vpop (erf)  }
0x293: {  	v53 =	vpop (erf)  }
0x294: {  	s21 =	rddreg [dreg:$0x1e];
	s19 =	simm.s32 $0xC000;
	v54 =	vpop (erf)  }
0x295: {  	[tilespmem:s19], [sflag:$0x3] =	stream.linear.gather [spmem:s21], $0x2000, $0x38;
	v55 =	vpop (erf);
	[tilespmem:$0x18100] =	vst v63  }
0x296: {  	_ =	swait.ge [sflag:s14], $0x2000  }
0x297: {  	[sflag:s14] =	ssyncset.done $0x0  }
0x298: {  	s23 =	simm.s32 $0xE000;
	s22 =	rddreg [dreg:$0x1f];
	[sflag:s14] =	ssyncadd.s32 $0xFFFFE000  }
0x299: {  	[tilespmem:s23], [sflag:$0x3] =	stream.linear.gather [spmem:s22], $0x2000, $0x38;
	[tilespmem:$0x18100] =	vst v63  }
0x29a: {  	_ =	swait.ge [sflag:s14], $0x2000  }
0x29b: {  	s24 =	sld [smem:$0x7FC]  }
0x29c: {  	[sflag:s14] =	ssyncset.done $0x0  }
0x29d: {  	s25 =	simm.s32 $0x10000;
	[sflag:s14] =	ssyncadd.s32 $0xFFFFE000  }
0x29e: {  	[tilespmem:s25], [sflag:$0x3] =	stream.linear.gather [spmem:s24], $0x2000, $0x38;
	[tilespmem:$0x18100] =	vst v63  }
0x29f: {  	_ =	swait.ge [sflag:s14], $0x2000  }
0x2a0: {  	v12 =	vmul.f32 v24, v12;
	v24 =	vadd.f32 v32, v30;
	v14 =	vmul.f32 v37, v14;
	s19 =	sld [smem:$0x7FD]  }
0x2a1: {  	v13 =	vmul.f32 v29, v13;
	v20 =	vmul.f32 v27, v20;
	[sflag:s14] =	ssyncset.done $0x0  }
0x2a2: {  	v17 =	vmul.f32 v34, v17;
	v24 =	vadd.f32 v28, v24;
	v12 =	vsub.f32 v12, v14;
	s20 =	simm.s32 $0x12000;
	[sflag:s14] =	ssyncadd.s32 $0xFFFFE000  }
0x2a3: {  	[tilespmem:s20], [sflag:$0x3] =	stream.linear.gather [spmem:s19], $0x2000, $0x38;
	[tilespmem:$0x18100] =	vst v63  }
0x2a4: {  	v13 =	vsub.f32 v13, v17;
	v14 =	vadd.f32 v20, v24;
	v11 =	vmul.f32 v12, v11;
	_ =	swait.ge [sflag:s14], $0x2000  }
0x2a5: {  	v17 =	vmul.f32 v38, v21;
	v15 =	vmul.f32 v46, v15;
	[sflag:s14] =	ssyncset.done $0x0  }
0x2a6: {  	v13 =	vmul.f32 v13, v39;
	v11 =	vadd.f32 v11, v14;
	s16 =	simm.s32 $0x12070;
	[sflag:s14] =	ssyncadd.s32 $0xFFFFE000  }
0x2a7: {  	v21 =	vmul.f32 v43, v23;
	v23 =	vmul.f32 v44, v31;
	v15 =	vsub.f32 v17, v15;
	v12 =	vld [tilespmem:s16+$0xFFFFBF90]  }
0x2a8: {  	v11 =	vadd.f32 v13, v11;
	v13 =	vmul.f32 v58, v26;
	v20 =	vld [tilespmem:s16+$0xFFFFBFB0]  }
0x2a9: {  	v21 =	vsub.f32 v21, v23;
	v7 =	vmul.f32 v10, v7;
	v10 =	vmul.f32 v15, v40;
	v14 =	vld [tilespmem:s16+$0xFFFFBFC0]  }
0x2aa: {  	v17 =	vld [tilespmem:s16+$0xFFFFBFA0]  }
0x2ab: {  	v21 =	vmul.f32 v21, v42;
	v7 =	vsub.f32 v7, v13;
	v10 =	vadd.f32 v10, v11;
	v24 =	vld [tilespmem:s16+$0xFFFF9FA0]  }
0x2ac: {  	v18 =	vmul.f32 v22, v18;
	v22 =	vmul.f32 v61, v41;
	v15 =	vld [tilespmem:s16+$0xFFFF9F90]  }
0x2ad: {  	v7 =	vmul.f32 v7, v33;
	v10 =	vadd.f32 v21, v10;
	v23 =	vld [tilespmem:s16+$0xFFFFDFA0]  }
0x2ae: {  	v13 =	vsub.f32 v18, v22;
	v18 =	vmul.f32 v62, v25;
	v16 =	vmul.f32 v53, v16;
	v11 =	vld [tilespmem:s16+$0xFFFFDF90]  }
0x2af: {  	s21 =	simm.s32 $0x0;
	v22 =	vld [tilespmem:s16+$0xFFFFFFA0]  }
0x2b0: {  	v7 =	vadd.f32 v7, v10;
	v10 =	vmul.f32 v13, v63;
	v16 =	vsub.f32 v18, v16;
	s22 =	simm.s32 $0x1;
	s19 =	scvt.s32.f32 s21;
	v21 =	vld [tilespmem:s16+$0xFFFFFF90]  }
0x2b1: {  	s20 =	scvt.s32.f32 s22;
	v18 =	vld [tilespmem:s16+$0xFFFF9FC0];
	v17 =	vadd.f32 v17, v24;
	v12 =	vadd.f32 v12, v15  }
0x2b2: {  	v19 =	vmul.f32 v51, v19;
	v10 =	vadd.f32 v10, v7;
	v16 =	vmul.f32 v16, v47;
	s19 =	smul.f32 $1.600000000e+01, s19;
	v13 =	vld [tilespmem:s16+$0xFFFF9FB0]  }
0x2b3: {  	s20 =	smul.f32 $1.600000000e+01, s20;
	v15 =	vadd.f32 v23, v17;
	v17 =	vmul.f32 v50, v35;
	v11 =	vadd.f32 v11, v12;
	v12 =	vld [tilespmem:s16+$0xFFFFDFC0]  }
0x2b4: {  	v10 =	vadd.f32 v16, v10;
	s21 =	simm.s32 $0x2;
	s19 =	sadd.f32 $8.192000000e+03, s19;
	v23 =	vld [tilespmem:s16+$0xFFFFDFB0]  }
0x2b5: {  	s21 =	scvt.s32.f32 s21;
	s20 =	sadd.f32 $8.192000000e+03, s20;
	v7 =	vadd.f32 v22, v15;
	v15 =	vsub.f32 v17, v19;
	v17 =	vld [tilespmem:s16+$0xFFFFFFC0]  }
0x2b6: {  	v19 =	vadd.f32 v21, v11;
	v11 =	vadd.f32 v14, v18  }
0x2b7: {  	s21 =	smul.f32 $1.600000000e+01, s21;
	v16 =	vadd.f32 s19, v2;
	v14 =	vld [tilespmem:s16+$0xFFFFFFB0];
	v18 =	vadd.f32 s20, v2  }
0x2b8: {  	v9 =	vmul.f32 v55, v9;
	s23 =	simm.s32 $0x4;
	v13 =	vadd.f32 v20, v13;
	(xrf2) =	vadd.scan.msk.f32 $0xffff, v7;
	v11 =	vadd.f32 v12, v11  }
0x2b9: {  	s25 =	simm.s32 $0x3;
	s24 =	sadd.f32 $8.192000000e+03, s21;
	s19 =	scvt.s32.f32 s23;
	v16 =	vadd.f32 $5.000000000e-01, v16;
	v18 =	vadd.f32 $5.000000000e-01, v18;
	(xrf2) =	vadd.scan.msk.f32 $0xffff, v19;
	v12 =	vmul.f32 v52, v6  }
0x2ba: {  	s21 =	scvt.s32.f32 s25;
	v13 =	vadd.f32 v23, v13;
	v6 =	vadd.f32 v17, v11;
	v11 =	vmul.f32 v15, v54  }
0x2bb: {  	s19 =	smul.f32 $1.600000000e+01, s19;
	v15 =	vadd.f32 s24, v2;
	v9 =	vsub.f32 v12, v9;
	v12 =	vmul.f32 $1.953125000e-03, v16  }
0x2bc: {  	s22 =	smul.f32 $1.600000000e+01, s21;
	v14 =	vadd.f32 v14, v13;
	v10 =	vadd.f32 v11, v10;
	v11 =	vmul.f32 $1.953125000e-03, v18  }
0x2bd: {  	s19 =	sadd.f32 $8.192000000e+03, s19;
	s24 =	simm.s32 $0x6;
	v13 =	vadd.f32 $5.000000000e-01, v15;
	v12 =	vadd.f32 $-1.600000000e+01, v12  }
0x2be: {  	s23 =	sadd.f32 $8.192000000e+03, s22;
	s20 =	scvt.s32.f32 s24;
	(xrf2) =	vadd.scan.msk.f32 $0xffff, v6;
	v8 =	vmul.f32 v9, v8;
	v9 =	vadd.f32 $-1.600000000e+01, v11  }
0x2bf: {  	v15 =	vadd.f32 s19, v2;
	(xrf2) =	vadd.scan.msk.f32 $0xffff, v14;
	v11 =	vmul.f32 $1.953125000e-03, v13;
	v12 =	vmul.f32 $1.442695020e+00, v12  }
0x2c0: {  	v17 =	vadd.f32 s23, v2;
	s25 =	smul.f32 $1.600000000e+01, s20;
	v9 =	vmul.f32 $1.442695020e+00, v9  }
0x2c1: {  	v26 =	vld [tilespmem:s16+$0xFFFF9FE0];
	v15 =	vadd.f32 $5.000000000e-01, v15;
	v20 =	vadd.f32 $-1.600000000e+01, v11;
	(erf) = vpow2.f32 v12  }
0x2c2: {  	s19 =	sadd.f32 $8.192000000e+03, s25;
	v12 =	vadd.f32 $5.000000000e-01, v17;
	v17 =	vld [tilespmem:s16+$0xFFFFBFD0];
	v11 =	vadd.f32 v8, v10;
	v13, _, _ =	vpop (xrf2);
	(erf) = vpow2.f32 v9  }
0x2c3: {  	s17 =	sadd.f32 s17, s18;
	v8 =	vld [tilespmem:s16+$0xFFFF9FD0];
	(v2sf) =	vpush v13, $0xF;
	v21, _, _ =	vpop (xrf2);
	v9 =	vmul.f32 $1.953125000e-03, v15;
	v10 =	vmul.f32 $1.442695020e+00, v20  }
0x2c4: {  	v22 =	vld [tilespmem:s16+$0xFFFFA000];
	v12 =	vmul.f32 $1.953125000e-03, v12;
	v20 =	vadd.f32 s19, v2;
	(v2sf) =	vpush v21, $0xF  }
0x2c5: {  	v23 =	vld [tilespmem:s16+$0xFFFFDFD0];
	v21 =	vadd.f32 s17, v21;
	v9 =	vadd.f32 $-1.600000000e+01, v9  }
0x2c6: {  	v16 =	vld [tilespmem:s16+$0xFFFFE000];
	(erf) = vpow2.f32 v10;
	v10 =	vadd.f32 $-1.600000000e+01, v12;
	v20 =	vadd.f32 $5.000000000e-01, v20  }
0x2c7: {  	v18 =	vld [tilespmem:s16+$0xFFFFC000];
	v19 =	vsub.f32 v21, v19;
	v9 =	vmul.f32 $1.442695020e+00, v9  }
0x2c8: {  	s19 =	simm.s32 $0x7;
	v8 =	vadd.f32 v17, v8;
	v17 =	vld [tilespmem:s16+$0xFFFFFFD0];
	v24, _, _ =	vpop (xrf2);
	v10 =	vmul.f32 $1.442695020e+00, v10;
	v20 =	vmul.f32 $1.953125000e-03, v20  }
0x2c9: {  	s20 =	simm.s32 $0x5;
	v15 =	vld [tilespmem:s16+$0xFFFFBFF0];
	s18 =	scvt.s32.f32 s19;
	(v2sf) =	vpush v24, $0xF;
	v25, _, _ =	vpop (xrf2);
	(erf) = vpow2.f32 v9;
	v9 =	vadd.f32 v21, v5  }
0x2ca: {  	s19 =	scvt.s32.f32 s20;
	v12 =	vld [tilespmem:s16+$0xFFFF9FF0];
	(v2sf) =	vpush v25, $0xF;
	(erf) = vpow2.f32 v10;
	v10 =	vadd.f32 v19, v5  }
0x2cb: {  	v27 =	vld [tilespmem:s16+$0xFFFFBFE0];
	s18 =	smul.f32 $1.600000000e+01, s18;
	v8 =	vadd.f32 v23, v8;
	v20 =	vadd.f32 $-1.600000000e+01, v20;
	v9 =	vmax.f32 v9, $1.000000000e+00  }
0x2cc: {  	v18 =	vadd.f32 v18, v22;
	s19 =	smul.f32 $1.600000000e+01, s19;
	v23 =	vld [tilespmem:s16+$0xFFFFDFF0];
	v22 =	vpop (erf);
	(erf) = vrcp.f32 v9;
	v9 =	vmax.f32 v10, $1.000000000e+00  }
0x2cd: {  	s18 =	sadd.f32 $8.192000000e+03, s18;
	v29 =	vadd.f32 v17, v8;
	v8 =	vmul.f32 $1.442695020e+00, v20;
	v17 =	vld [tilespmem:s16+$0xFFFFDFE0];
	v28 =	vpop (erf);
	(erf) = vrcp.f32 v9  }
0x2ce: {  	v16 =	vadd.f32 v16, v18;
	s21 =	sadd.f32 $8.192000000e+03, s19  }
0x2cf: {  	v10 =	vadd.f32 v15, v12;
	v12 =	vld [tilespmem:s16+$0xFFFFFFE0];
	v9 =	vadd.f32 s18, v2;
	v15 =	vpop (erf);
	(erf) = vpow2.f32 v8  }
0x2d0: {  	v18 =	vadd.f32 v27, v26;
	v26 =	vadd.f32 s21, v2  }
0x2d1: {  	v23 =	vadd.f32 v23, v10;
	v20 =	vadd.f32 $5.000000000e-01, v9  }
0x2d2: {  	(xrf2) =	vadd.scan.msk.f32 $0xffff, v29;
	v8 =	vadd.f32 $1.000000000e+00, v22;
	v22 =	vld [tilespmem:s16+$0xFFFFFFF0];
	v18 =	vadd.f32 v17, v18;
	s22 =	spop (v2sf)  }
0x2d3: {  	s20 =	simm.s32 $0x9;
	v9 =	vadd.f32 $1.000000000e+00, v15;
	v15 =	vmul.f32 $1.953125000e-03, v20;
	v20 =	vadd.f32 $5.000000000e-01, v26;
	v10 =	vpop (erf);
	s23 =	spop (v2sf)  }
0x2d4: {  	s19 =	scvt.s32.f32 s20;
	v12 =	vadd.f32 v12, v18;
	v26 =	vpop (erf);
	s17 =	sadd.f32 s23, s17  }
0x2d5: {  	v28 =	vadd.f32 $1.000000000e+00, v28;
	v20 =	vmul.f32 $1.953125000e-03, v20;
	v17 =	vadd.f32 $1.000000000e+00, v26;
	v26 =	vpop (erf)  }
0x2d6: {  	s24 =	simm.s32 $0x8;
	s19 =	smul.f32 $1.600000000e+01, s19;
	v15 =	vadd.f32 $-1.600000000e+01, v15;
	(xrf2) =	vadd.scan.msk.f32 $0xffff, v12;
	s18 =	sadd.f32 s22, s17;
	v27 =	vadd.f32 s17, v13;
	v18 =	vmul.f32 v26, v21;
	v21 =	vpop (erf);
	v26 =	vld [tilespmem:s16+$0x0]  }
0x2d7: {  	s25 =	scvt.s32.f32 s24;
	v20 =	vadd.f32 $-1.600000000e+01, v20;
	v13 =	vadd.f32 v22, v23;
	s16 =	simm.s32 $0x120F0;
	v19 =	vmul.f32 v21, v19  }
0x2d8: {  	s19 =	sadd.f32 $8.192000000e+03, s19;
	s21 =	spop (v2sf);
	v23 =	vpop (erf);
	v55 =	vld [tilespmem:s16+$0xFFFFBF90];
	v25 =	vadd.f32 s18, v25;
	v21 =	vadd.f32 v27, v5  }
0x2d9: {  	v15 =	vmul.f32 $1.442695020e+00, v15;
	s17 =	smul.f32 $1.600000000e+01, s25;
	v60 =	vld [tilespmem:s16+$0xFFFF9F90];
	s22 =	spop (v2sf);
	v32 =	vadd.f32 $1.000000000e+00, v23;
	v19 =	vsub.f32 v18, v19  }
0x2da: {  	s18 =	sadd.f32 s22, s18;
	v22 =	vsub.f32 v25, v14;
	v14 =	vadd.f32 v25, v5;
	v18 =	vmax.f32 v21, $1.000000000e+00  }
0x2db: {  	s17 =	sadd.f32 $8.192000000e+03, s17;
	v23 =	vld [tilespmem:s16+$0xFFFFA000];
	(erf) = vrcp.f32 v18;
	v18 =	vadd.f32 v26, v16;
	v26 =	vadd.f32 s19, v2  }
0x2dc: {  	v21 =	vld [tilespmem:s16+$0xFFFFC000];
	v16, _, _ =	vpop (xrf2);
	v30 =	vmax.f32 v14, $1.000000000e+00;
	v31 =	vadd.f32 v22, v5;
	v14 =	vadd.f32 s18, v24  }
0x2dd: {  	s24 =	simm.s32 $0xC;
	v57 =	vmul.f32 $1.442695020e+00, v20;
	v24 =	vadd.f32 s17, v2;
	(v2sf) =	vpush v16, $0xF  }
0x2de: {  	s19 =	scvt.s32.f32 s24;
	s17 =	sadd.f32 s21, s18;
	v33 =	vadd.f32 v55, v60;
	(erf) = vrcp.f32 v30;
	v31 =	vmax.f32 v31, $1.000000000e+00  }
0x2df: {  	v30 =	vld [tilespmem:s16+$0xFFFFE000];
	v24 =	vadd.f32 $5.000000000e-01, v24;
	(erf) = vrcp.f32 v28;
	v34 =	vsub.f32 v14, v6  }
0x2e0: {  	s19 =	smul.f32 $1.600000000e+01, s19;
	v28 =	vld [tilespmem:s16+$0xFFFFBFD0];
	v6 =	vadd.f32 $5.000000000e-01, v26;
	v16 =	vadd.f32 s17, v16;
	v58, _, _ =	vpop (xrf2);
	(erf) = vrcp.f32 v31  }
0x2e1: {  	v26 =	vld [tilespmem:s16+$0xFFFF9FD0];
	v21 =	vadd.f32 v21, v23;
	(v2sf) =	vpush v58, $0xF;
	v24 =	vmul.f32 $1.953125000e-03, v24  }
0x2e2: {  	v31 =	vld [tilespmem:s16+$0xFFFFBFB0];
	s19 =	sadd.f32 $8.192000000e+03, s19;
	v6 =	vmul.f32 $1.953125000e-03, v6;
	v56 =	vadd.f32 v34, v5;
	v23 =	vsub.f32 v16, v29  }
0x2e3: {  	s23 =	simm.s32 $0xA;
	(erf) = vpow2.f32 v15;
	v29 =	vld [tilespmem:s16+$0xFFFF9FC0];
	v62 =	vadd.f32 v16, v5;
	v20 =	vadd.f32 $-1.600000000e+01, v24  }
0x2e4: {  	(xrf2) =	vadd.scan.msk.f32 $0xffff, v13;
	s18 =	scvt.s32.f32 s23;
	v53 =	vadd.f32 s19, v2;
	v24 =	vld [tilespmem:s16+$0xFFFFBFC0];
	v15 =	vadd.f32 $-1.600000000e+01, v6;
	v35 =	vmax.f32 v56, $1.000000000e+00  }
0x2e5: {  	v59 =	vadd.f32 v23, v5;
	v6 =	vadd.f32 v30, v21;
	v21 =	vld [tilespmem:s16+$0xFFFF9FB0];
	v20 =	vmul.f32 $1.442695020e+00, v20  }
0x2e6: {  	s18 =	smul.f32 $1.600000000e+01, s18;
	(erf) = vrcp.f32 v35;
	v28 =	vadd.f32 v28, v26;
	v15 =	vmul.f32 $1.442695020e+00, v15  }
0x2e7: {  	v48 =	vld [tilespmem:s16+$0xFFFFBFA0];
	v54 =	vadd.f32 $5.000000000e-01, v53;
	v61 =	vpop (erf);
	v38 =	vmax.f32 v59, $1.000000000e+00;
	(erf) = vpow2.f32 v20  }
0x2e8: {  	s18 =	sadd.f32 $8.192000000e+03, s18;
	v30 =	vld [tilespmem:s16+$0xFFFFDFB0];
	v35 =	vmul.f32 v61, v27;
	v63 =	vpop (erf);
	v20 =	vadd.f32 v14, v5;
	(erf) = vpow2.f32 v15  }
0x2e9: {  	v26 =	vpop (erf);
	v15 =	vmax.f32 v62, $1.000000000e+00;
	v29 =	vadd.f32 v24, v29;
	v24 =	vld [tilespmem:s16+$0xFFFFDF90];
	(erf) = vrcp.f32 v38  }
0x2ea: {  	v49 =	vld [tilespmem:s16+$0xFFFF9FA0];
	(xrf2) =	vadd.scan.msk.f32 $0xffff, v18;
	v50 =	vpop (erf);
	(erf) = vrcp.f32 v15;
	v15 =	vadd.f32 v31, v21;
	v31 =	vadd.f32 s18, v2  }
0x2eb: {  	v60 =	vld [tilespmem:s16+$0xFFFFDFC0];
	v27 =	vsub.f32 v27, v7;
	v51 =	vmax.f32 v20, $1.000000000e+00;
	v20 =	vmul.f32 v50, v22  }
0x2ec: {  	s25 =	simm.s32 $0xB;
	v52 =	vld [tilespmem:s16+$0xFFFFDFA0];
	v22 =	vmul.f32 v63, v25;
	(erf) = vrcp.f32 v51;
	v25 =	vadd.f32 $5.000000000e-01, v31  }
0x2ed: {  	v10 =	vadd.f32 $1.000000000e+00, v10;
	s21 =	scvt.s32.f32 s25;
	v36 =	vmul.f32 $1.953125000e-03, v54;
	v21 =	vpop (erf);
	v15 =	vadd.f32 v30, v15  }
0x2ee: {  	v7 =	vld [tilespmem:s16+$0xFFFFFFA0];
	v30, _, _ =	vpop (xrf2);
	v56 =	vadd.f32 v24, v33;
	v24 =	vmul.f32 $1.953125000e-03, v25;
	v25 =	vadd.f32 v27, v5  }
0x2ef: {  	v36 =	vadd.f32 $-1.600000000e+01, v36;
	s18 =	smul.f32 $1.600000000e+01, s21;
	s22 =	spop (v2sf);
	v31 =	vadd.f32 v48, v49;
	v55 =	vpop (erf)  }
0x2f0: {  	v29 =	vadd.f32 v60, v29;
	(erf) = vpow2.f32 v57;
	s17 =	sadd.f32 s22, s17;
	v40 =	vpop (erf);
	v25 =	vmax.f32 v25, $1.000000000e+00  }
0x2f1: {  	s24 =	simm.s32 $0xE;
	v21 =	vadd.f32 $1.000000000e+00, v21;
	s18 =	sadd.f32 $8.192000000e+03, s18;
	v31 =	vadd.f32 v52, v31;
	v59 =	vpop (erf)  }
0x2f2: {  	s19 =	scvt.s32.f32 s24;
	(erf) = vrcp.f32 v32;
	(v2sf) =	vpush v30, $0xF;
	v37 =	vadd.f32 s17, v58;
	v42 =	vpop (erf)  }
0x2f3: {  	v57 =	vld [tilespmem:s16+$0xFFFFFF90];
	v58 =	vadd.f32 s18, v2;
	v7 =	vadd.f32 v7, v31;
	(erf) = vrcp.f32 v25;
	v25 =	vpop (erf)  }
0x2f4: {  	v33, _, _ =	vpop (xrf2);
	s23 =	spop (v2sf);
	s18 =	smul.f32 $1.600000000e+01, s19;
	v31 =	vld [tilespmem:s16+$0xFFFFFFB0];
	v61 =	vadd.f32 $-1.600000000e+01, v24;
	v24 =	vmul.f32 v25, v16;
	v16 =	vadd.f32 v37, v5  }
0x2f5: {  	v20 =	vsub.f32 v22, v20;
	s17 =	sadd.f32 s23, s17;
	v43 =	vsub.f32 v37, v12;
	v25 =	vpop (erf)  }
0x2f6: {  	(v2sf) =	vpush v33, $0xF;
	s18 =	sadd.f32 $8.192000000e+03, s18;
	v63 =	vmul.f32 v25, v14;
	v14 =	vld [tilespmem:s16+$0xFFFFDFD0];
	v16 =	vmax.f32 v16, $1.000000000e+00  }
0x2f7: {  	v62 =	vadd.f32 v43, v5;
	v25 =	vadd.f32 s17, v30;
	(erf) = vrcp.f32 v16  }
0x2f8: {  	v53 =	vld [tilespmem:s16+$0xFFFFFFC0];
	(xrf2) =	vadd.scan.msk.f32 $0xffff, v7;
	v30 =	vadd.f32 v57, v56;
	v57 =	vadd.f32 s18, v2  }
0x2f9: {  	v44 =	vmul.f32 $1.442695020e+00, v61;
	v52 =	vpop (erf);
	v48 =	vsub.f32 v25, v13;
	v16 =	vadd.f32 v31, v15;
	v31 =	vld [tilespmem:s16+$0xFFFFFFD0]  }
0x2fa: {  	v34 =	vmul.f32 v55, v34;
	v32 =	vadd.f32 $1.000000000e+00, v52;
	v13 =	vadd.f32 $5.000000000e-01, v58;
	v58 =	vld [tilespmem:s16+$0xFFFF9FE0]  }
0x2fb: {  	(xrf2) =	vadd.scan.msk.f32 $0xffff, v30;
	(erf) = vpow2.f32 v44;
	v56 =	vadd.f32 v48, v5;
	v14 =	vadd.f32 v14, v28;
	v28 =	vld [tilespmem:s16+$0xFFFFBFE0]  }
0x2fc: {  	s25 =	simm.s32 $0xF;
	v54 =	vld [tilespmem:s16+$0xFFFFBFF0];
	v15 =	vmax.f32 v62, $1.000000000e+00;
	v34 =	vsub.f32 v63, v34;
	v60 =	vmul.f32 $1.953125000e-03, v13  }
0x2fd: {  	s20 =	scvt.s32.f32 s25;
	v55 =	vld [tilespmem:s16+$0xFFFF9FF0];
	v44 =	vadd.f32 $5.000000000e-01, v57;
	(erf) = vrcp.f32 v15;
	v41 =	vmax.f32 v56, $1.000000000e+00  }
0x2fe: {  	v15 =	vadd.f32 v53, v29;
	v13 =	vpop (erf);
	v62 =	vadd.f32 $-1.600000000e+01, v60;
	(erf) = vrcp.f32 v41  }
0x2ff: {  	s19 =	smul.f32 $1.600000000e+01, s20;
	v29 =	vld [tilespmem:s16+$0xFFFFDFF0];
	v14 =	vadd.f32 v31, v14;
	v31 =	vmul.f32 $1.442695020e+00, v36;
	v61 =	vpop (erf);
	(erf) = vrcp.f32 v32  }
0x300: {  	(erf) = vrcp.f32 v8;
	v8 =	vmul.f32 v61, v27;
	v63 =	vadd.f32 v28, v58;
	v28 =	vpop (erf)  }
0x301: {  	s19 =	sadd.f32 $8.192000000e+03, s19;
	v12 =	vadd.f32 $1.000000000e+00, v59;
	v47 =	vmul.f32 v28, v37;
	v28 =	vmul.f32 $1.953125000e-03, v44  }
0x302: {  	v36, _, _ =	vpop (xrf2);
	(xrf2) =	vadd.scan.msk.f32 $0xffff, v15;
	v27 =	vadd.f32 v54, v55;
	(erf) = vpow2.f32 v31;
	v31 =	vmul.f32 $1.442695020e+00, v62  }
0x303: {  	s23 =	simm.s32 $0xD;
	v59 =	vadd.f32 s19, v2;
	s21 =	spop (v2sf);
	v8 =	vsub.f32 v35, v8  }
0x304: {  	v23 =	vmul.f32 v42, v23;
	s18 =	scvt.s32.f32 s23;
	s17 =	sadd.f32 s21, s17;
	v27 =	vadd.f32 v29, v27;
	v29 =	vpop (erf);
	(erf) = vpow2.f32 v31  }
0x305: {  	v26 =	vmul.f32 v8, v26;
	v8 =	vadd.f32 $1.000000000e+00, v29;
	v29 =	vadd.f32 $-1.600000000e+01, v28;
	v28, _, _ =	vpop (xrf2);
	(xrf2) =	vadd.scan.msk.f32 $0xffff, v16  }
0x306: {  	s18 =	smul.f32 $1.600000000e+01, s18;
	(v2sf) =	vpush v36, $0xF;
	s22 =	spop (v2sf);
	v33 =	vadd.f32 s17, v33;
	(erf) = vrcp.f32 v10;
	v10 =	vpop (erf)  }
0x307: {  	v23 =	vsub.f32 v24, v23;
	s17 =	sadd.f32 s22, s17;
	v50 =	vpop (erf);
	(v2sf) =	vpush v28, $0xF  }
0x308: {  	s18 =	sadd.f32 $8.192000000e+03, s18;
	v56 =	vadd.f32 $5.000000000e-01, v59;
	(erf) = vrcp.f32 v17;
	v17 =	vadd.f32 v33, v5;
	v54 =	vpop (erf)  }
0x309: {  	v52 =	vmul.f32 v10, v43;
	(erf) = vrcp.f32 v9;
	v51 =	vadd.f32 s17, v28;
	v10 =	vpop (erf)  }
0x30a: {  	v57 =	vadd.f32 s18, v2;
	v31 =	vadd.f32 v25, v5;
	v19 =	vmul.f32 v19, v10  }
0x30b: {  	v60 =	vld [tilespmem:s16+$0xFFFFDFE0];
	v59 =	vmul.f32 $1.953125000e-03, v56;
	v9 =	vmax.f32 v17, $1.000000000e+00;
	v30 =	vsub.f32 v51, v30  }
0x30c: {  	v31 =	vmax.f32 v31, $1.000000000e+00;
	v28, _, _ =	vpop (xrf2);
	(erf) = vrcp.f32 v9;
	v17 =	vadd.f32 v51, v5  }
0x30d: {  	v35 =	vadd.f32 $5.000000000e-01, v57;
	v55 =	vpop (erf);
	(erf) = vrcp.f32 v31;
	v31 =	vadd.f32 v30, v5  }
0x30e: {  	(v2sf) =	vpush v28, $0xF;
	v17 =	vmax.f32 v17, $1.000000000e+00;
	v11 =	vadd.f32 v19, v11;
	v19 =	vpop (erf)  }
0x30f: {  	v18 =	vsub.f32 v33, v18;
	(erf) = vrcp.f32 v17;
	v31 =	vmax.f32 v31, $1.000000000e+00;
	v61, _, _ =	vpop (xrf2)  }
0x310: {  	v32 =	vadd.f32 v60, v63;
	v29 =	vmul.f32 $1.442695020e+00, v29;
	v58 =	vpop (erf);
	(v2sf) =	vpush v61, $0xF  }
0x311: {  	v53 =	vadd.f32 v18, v5;
	v37 =	vmul.f32 v50, v48;
	(erf) = vrcp.f32 v31;
	v22 =	vpop (erf)  }
0x312: {  	v10 =	vadd.f32 $1.000000000e+00, v40;
	v9 =	vadd.f32 $1.000000000e+00, v55;
	(erf) = vpow2.f32 v29;
	v31 =	vpop (erf)  }
0x313: {  	v62 =	vld [tilespmem:s16+$0xFFFFFFE0];
	v17 =	vsub.f32 v47, v52;
	v26 =	vadd.f32 v26, v11;
	v20 =	vmul.f32 v20, v31  }
0x314: {  	v11 =	vadd.f32 $1.000000000e+00, v19;
	v19 =	vmul.f32 $1.953125000e-03, v35;
	v29 =	vld [tilespmem:s16+$0xFFFFFFF0];
	v23 =	vmul.f32 v23, v58  }
0x315: {  	s24 =	spop (v2sf);
	(erf) = vrcp.f32 v21;
	v22 =	vmul.f32 v34, v22;
	v20 =	vadd.f32 v20, v26  }
0x316: {  	v63 =	vmul.f32 v17, v54;
	v31 =	vadd.f32 $-1.600000000e+01, v59;
	v21 =	vpop (erf);
	v26 =	vmax.f32 v53, $1.000000000e+00;
	s25 =	spop (v2sf)  }
0x317: {  	v24 =	vmul.f32 v21, v33;
	v21 =	vpop (erf);
	(erf) = vrcp.f32 v26;
	v22 =	vadd.f32 v22, v20;
	s17 =	sadd.f32 s25, s17  }
0x318: {  	v25 =	vmul.f32 v21, v25;
	v21 =	vadd.f32 v62, v32;
	v26 =	vadd.f32 $-1.600000000e+01, v19;
	v19 =	vpop (erf)  }
0x319: {  	(xrf2) =	vadd.scan.msk.f32 $0xffff, v14;
	v20 =	vmul.f32 v19, v51;
	v19 =	vadd.f32 v29, v27;
	v27 =	vadd.f32 v23, v22;
	s19 =	sadd.f32 s24, s17  }
0x31a: {  	v26 =	vmul.f32 $1.442695020e+00, v26;
	v23 =	vpop (erf);
	v29 =	vsub.f32 v25, v37;
	v22 =	vadd.f32 s17, v36  }
0x31b: {  	s20 =	simm.s32 $0x10;
	v17 =	vld [tilespmem:s16+$0x0];
	s16 =	simm.s32 $0x12170;
	v25 =	vmul.f32 v23, v30;
	v32 =	vpop (erf);
	v27 =	vadd.f32 v63, v27;
	v23 =	vadd.f32 s19, v61  }
.LBB2_11:
0x31c: {  	s21 =	scvt.s32.f32 s20  }
0x31d: {  	v30 =	vld [tilespmem:s16+$0xFFFFBF90];
	s17 =	sadd.s32 $0x1, s20;
	v33 =	vadd.f32 v22, v5;
	v31 =	vmul.f32 $1.442695020e+00, v31;
	s22 =	spop (v2sf);
	(xrf2) =	vadd.scan.msk.f32 $0xffff, v21;
	v13 =	vmul.f32 v29, v13;
	s18 =	smov.u32 s20  }
0x31e: {  	v16 =	vsub.f32 v23, v16;
	v38 =	vadd.f32 v23, v5;
	s23 =	scvt.s32.f32 s17;
	v34 =	vld [tilespmem:s16+$0xFFFFE000];
	s24 =	sadd.s32 $0x7, s18;
	s17 =	sadd.s32 $0x8, s20;
	v35 =	vpop (erf)  }
0x31f: {  	p1 =	slt.u32 s20, $0x1F8;
	v20 =	vsub.f32 v20, v25;
	s21 =	smul.f32 $1.600000000e+01, s21;
	v36 =	vld [tilespmem:s16+$0xFFFFC000];
	v33 =	vmax.f32 v33, $1.000000000e+00;
	s20 =	spop (v2sf);
	v27 =	vadd.f32 v13, v27  }
0x320: {  	v13 =	vmax.f32 v38, $1.000000000e+00;
	v37 =	vadd.f32 v16, v5;
	s23 =	smul.f32 $1.600000000e+01, s23;
	v25 =	vld [tilespmem:s16+$0xFFFFDFF0];
	s20 =	sadd.f32 s20, s19;
	(erf) = vrcp.f32 v33;
	v29 =	vpop (erf)  }
0x321: {  	v38 =	vadd.f32 $1.000000000e+00, v32;
	s19 =	sadd.f32 $8.192000000e+03, s21;
	v33 =	vld [tilespmem:s16+$0xFFFFA000];
	s21 =	scvt.s32.f32 s24;
	(erf) = vrcp.f32 v13;
	(xrf2) =	vadd.scan.msk.f32 $0xffff, v19;
	v32 =	vmul.f32 v29, v18  }
0x322: {  	v37 =	vmax.f32 v37, $1.000000000e+00;
	v18 =	vadd.f32 v17, v6;
	s23 =	sadd.f32 $8.192000000e+03, s23;
	v29 =	vld [tilespmem:s16+$0xFFFFBFF0];
	v13 =	vadd.f32 s20, v28  }
0x323: {  	s20 =	sadd.f32 s22, s20;
	v6 =	vadd.f32 s19, v2;
	v28 =	vld [tilespmem:s16+$0xFFFF9FF0];
	s19 =	smul.f32 $1.600000000e+01, s21;
	(erf) = vrcp.f32 v12;
	v12, _, _ =	vpop (xrf2);
	v17 =	vsub.f32 v24, v32  }
0x324: {  	v24 =	vadd.f32 s23, v2;
	v39 =	vld [tilespmem:s16+$0xFFFFDFB0];
	(erf) = vrcp.f32 v37;
	(v2sf) =	vpush v12, $0xF  }
0x325: {  	v15 =	vsub.f32 v13, v15;
	v6 =	vadd.f32 $5.000000000e-01, v6;
	v37 =	vld [tilespmem:s16+$0xFFFFBFD0];
	v17 =	vmul.f32 v17, v35  }
0x326: {  	v41 =	vadd.f32 s20, v12;
	v35 =	vadd.f32 $5.000000000e-01, v24;
	v40 =	vld [tilespmem:s16+$0xFFFF9FD0];
	(erf) = vpow2.f32 v31  }
0x327: {  	v12 =	vadd.f32 v36, v33;
	v6 =	vmul.f32 $1.953125000e-03, v6;
	v32 =	vld [tilespmem:s16+$0xFFFF9FE0];
	v36, _, _ =	vpop (xrf2);
	v24 =	vadd.f32 v17, v27  }
0x328: {  	v31 =	vsub.f32 v41, v14;
	v27 =	vadd.f32 v15, v5;
	v17 =	vmul.f32 $1.953125000e-03, v35;
	v35 =	vld [tilespmem:s16+$0xFFFFBFB0]  }
0x329: {  	v6 =	vadd.f32 $-1.600000000e+01, v6;
	v14 =	vld [tilespmem:s16+$0xFFFFBFC0];
	v42 =	vpop (erf);
	(v2sf) =	vpush v36, $0xF  }
0x32a: {  	s21 =	sadd.s32 $0x2, s18;
	v49 =	vadd.f32 v31, v5;
	v27 =	vmax.f32 v27, $1.000000000e+00;
	v17 =	vadd.f32 $-1.600000000e+01, v17;
	v43 =	vld [tilespmem:s16+$0xFFFF9FC0];
	v44 =	vpop (erf)  }
0x32b: {  	s22 =	sadd.s32 $0x4, s18;
	s21 =	scvt.s32.f32 s21;
	v45 =	vld [tilespmem:s16+$0xFFFF9F90];
	v50 =	vmul.f32 $1.442695020e+00, v6;
	v6 =	vadd.f32 v34, v12;
	(erf) = vrcp.f32 v27;
	v47, _, _ =	vpop (xrf2);
	(xrf2) =	vadd.scan.msk.f32 $0xffff, v18  }
0x32c: {  	s22 =	scvt.s32.f32 s22;
	v51 =	vadd.f32 v41, v5;
	v48 =	vmax.f32 v49, $1.000000000e+00;
	v12 =	vmul.f32 $1.442695020e+00, v17;
	v17 =	vld [tilespmem:s16+$0xFFFF9FB0];
	v33 =	vpop (erf)  }
0x32d: {  	s21 =	smul.f32 $1.600000000e+01, s21;
	v37 =	vadd.f32 v37, v40;
	v40 =	vadd.f32 v13, v5;
	v49 =	vld [tilespmem:s16+$0xFFFFDF90];
	(erf) = vpow2.f32 v50;
	v46 =	vpop (erf)  }
0x32e: {  	s22 =	smul.f32 $1.600000000e+01, s22;
	v34 =	vmul.f32 v42, v22;
	v50 =	vld [tilespmem:s16+$0xFFFFBFA0];
	(erf) = vpow2.f32 v12;
	v12 =	vmax.f32 v51, $1.000000000e+00  }
0x32f: {  	s21 =	sadd.f32 $8.192000000e+03, s21;
	v40 =	vmax.f32 v40, $1.000000000e+00;
	v42 =	vld [tilespmem:s16+$0xFFFF9FA0];
	v14 =	vadd.f32 v14, v43;
	(erf) = vrcp.f32 v48;
	v27 =	vpop (erf)  }
0x330: {  	s23 =	sadd.s32 $0x3, s18;
	s22 =	sadd.f32 $8.192000000e+03, s22;
	v43 =	vadd.f32 v30, v45;
	v45 =	vld [tilespmem:s16+$0xFFFFDFA0];
	v30 =	vmul.f32 v46, v16;
	(erf) = vrcp.f32 v12  }
0x331: {  	v16 =	vld [tilespmem:s16+$0xFFFFFF90];
	v12 =	vadd.f32 v35, v17;
	v35 =	vadd.f32 s21, v2;
	s21 =	scvt.s32.f32 s23;
	(erf) = vrcp.f32 v40  }
0x332: {  	v48 =	vadd.f32 s22, v2;
	v46 =	vsub.f32 v22, v7;
	v22 =	vmul.f32 v44, v23;
	v17 =	vld [tilespmem:s16+$0x0]  }
0x333: {  	v7 =	vld [tilespmem:s16+$0xFFFFFFA0];
	v39 =	vadd.f32 v39, v12;
	v12 =	vadd.f32 $5.000000000e-01, v35;
	s21 =	smul.f32 $1.600000000e+01, s21;
	s22 =	spop (v2sf);
	(erf) = vpow2.f32 v26  }
0x334: {  	v48 =	vadd.f32 $5.000000000e-01, v48;
	v23 =	vadd.f32 v50, v42;
	s20 =	sadd.f32 s22, s20;
	v40 =	vpop (erf);
	(erf) = vrcp.f32 v38  }
0x335: {  	v38 =	vadd.f32 v49, v43;
	v42 =	vmul.f32 $1.953125000e-03, v12;
	s21 =	sadd.f32 $8.192000000e+03, s21;
	v12 =	vadd.f32 v46, v5;
	v43, _, _ =	vpop (xrf2)  }
0x336: {  	v40 =	vmul.f32 v40, v15;
	v23 =	vadd.f32 v45, v23;
	v35 =	vpop (erf);
	(v2sf) =	vpush v47, $0xF  }
0x337: {  	v44 =	vmul.f32 $1.953125000e-03, v48;
	v36 =	vadd.f32 s20, v36;
	v15 =	vadd.f32 s21, v2;
	v26 =	vpop (erf)  }
0x338: {  	v7 =	vadd.f32 v7, v23;
	v45 =	vld [tilespmem:s16+$0xFFFFFFB0];
	v23 =	vmax.f32 v12, $1.000000000e+00;
	v48 =	vpop (erf);
	s21 =	spop (v2sf);
	(v2sf) =	vpush v43, $0xF  }
0x339: {  	s22 =	sadd.s32 $0x6, s18;
	v12 =	vadd.f32 $1.000000000e+00, v26;
	v49 =	vsub.f32 v36, v21;
	v26 =	vld [tilespmem:s16+$0xFFFFDFC0];
	s20 =	sadd.f32 s21, s20;
	(erf) = vrcp.f32 v23;
	v21 =	vpop (erf)  }
0x33a: {  	v42 =	vadd.f32 $-1.600000000e+01, v42;
	s21 =	scvt.s32.f32 s22;
	v23 =	vmul.f32 v21, v41;
	v41 =	vadd.f32 v36, v5;
	v21 =	vpop (erf)  }
0x33b: {  	v52 =	vadd.f32 v49, v5;
	v50 =	vld [tilespmem:s16+$0xFFFFFFC0];
	(xrf2) =	vadd.scan.msk.f32 $0xffff, v7;
	v51 =	vmul.f32 v21, v13;
	v21 =	vadd.f32 s20, v47  }
0x33c: {  	v38 =	vadd.f32 v16, v38;
	v42 =	vmul.f32 $1.442695020e+00, v42;
	s21 =	smul.f32 $1.600000000e+01, s21;
	v47 =	vld [tilespmem:s16+$0xFFFFDFD0];
	v53 =	vmax.f32 v41, $1.000000000e+00;
	v16 =	vpop (erf)  }
0x33d: {  	s19 =	sadd.f32 $8.192000000e+03, s19;
	v41 =	vadd.f32 $1.000000000e+00, v16;
	v19 =	vsub.f32 v21, v19;
	(erf) = vrcp.f32 v53;
	v13 =	vpop (erf)  }
0x33e: {  	v16 =	vadd.f32 v45, v39;
	v39 =	vadd.f32 $5.000000000e-01, v15;
	s21 =	sadd.f32 $8.192000000e+03, s21;
	v15 =	vmax.f32 v52, $1.000000000e+00;
	v45 =	vld [tilespmem:s16+$0xFFFFFFD0]  }
0x33f: {  	v14 =	vadd.f32 v26, v14;
	v52 =	vld [tilespmem:s16+$0xFFFFBFE0];
	(erf) = vpow2.f32 v42;
	v42 =	vadd.f32 v19, v5  }
0x340: {  	v54 =	vadd.f32 s19, v2;
	v53 =	vadd.f32 s21, v2;
	v26 =	vld [tilespmem:s16+$0xFFFFFFE0];
	(erf) = vrcp.f32 v15  }
0x341: {  	v44 =	vadd.f32 $-1.600000000e+01, v44;
	v37 =	vadd.f32 v47, v37;
	(xrf2) =	vadd.scan.msk.f32 $0xffff, v38;
	v42 =	vmax.f32 v42, $1.000000000e+00  }
0x342: {  	v39 =	vmul.f32 $1.953125000e-03, v39;
	v15 =	vadd.f32 v50, v14;
	v47 =	vadd.f32 $5.000000000e-01, v53;
	v50 =	vpop (erf)  }
0x343: {  	v14 =	vadd.f32 v45, v37;
	v37 =	vmul.f32 $1.442695020e+00, v44;
	(erf) = vrcp.f32 v42  }
0x344: {  	v40 =	vsub.f32 v51, v40;
	v39 =	vadd.f32 $-1.600000000e+01, v39;
	(erf) = vrcp.f32 v41  }
0x345: {  	v42 =	vmul.f32 v50, v46;
	v41 =	vadd.f32 v52, v32;
	v32, _, _ =	vpop (xrf2);
	(erf) = vrcp.f32 v10;
	s19 =	spop (v2sf)  }
0x346: {  	v10 =	vadd.f32 v29, v28;
	v29 =	vmul.f32 v48, v31;
	(xrf2) =	vadd.scan.msk.f32 $0xffff, v15;
	(erf) = vpow2.f32 v37;
	s20 =	sadd.f32 s19, s20;
	v28 =	vpop (erf)  }
0x347: {  	v31 =	vmul.f32 $1.442695020e+00, v39;
	v37 =	vsub.f32 v34, v42;
	v36 =	vmul.f32 v28, v36;
	s19 =	spop (v2sf)  }
0x348: {  	v42 =	vmul.f32 $1.953125000e-03, v47;
	v25 =	vadd.f32 v25, v10;
	(v2sf) =	vpush v32, $0xF;
	v28 =	vpop (erf);
	s19 =	sadd.f32 s19, s20  }
0x349: {  	(xrf2) =	vadd.scan.msk.f32 $0xffff, v16;
	(erf) = vpow2.f32 v31;
	v31 =	vmul.f32 v37, v33;
	v33 =	vadd.f32 s20, v43;
	v34 =	vpop (erf)  }
0x34a: {  	v39 =	vadd.f32 $-1.600000000e+01, v42;
	v37 =	vadd.f32 $1.000000000e+00, v28;
	v34 =	vmul.f32 v34, v49  }
0x34b: {  	v10, _, _ =	vpop (xrf2);
	v18 =	vsub.f32 v33, v18;
	v28 =	vadd.f32 v33, v5;
	(erf) = vrcp.f32 v9  }
0x34c: {  	v47 =	vadd.f32 v21, v5;
	(v2sf) =	vpush v10, $0xF;
	(erf) = vrcp.f32 v11;
	v11 =	vpop (erf)  }
0x34d: {  	s18 =	sadd.s32 $0x5, s18;
	v42 =	vadd.f32 s19, v10;
	v43 =	vadd.f32 v18, v5;
	(erf) = vrcp.f32 v8;
	v44 =	vpop (erf)  }
0x34e: {  	s18 =	scvt.s32.f32 s18;
	v45 =	vmax.f32 v47, $1.000000000e+00;
	v46 =	vmul.f32 v11, v19;
	v8 =	vmax.f32 v28, $1.000000000e+00;
	v9 =	vpop (erf)  }
0x34f: {  	v38 =	vsub.f32 v42, v38;
	v48 =	vadd.f32 v42, v5;
	v19 =	vpop (erf);
	v20 =	vmul.f32 v20, v9  }
0x350: {  	s18 =	smul.f32 $1.600000000e+01, s18;
	v10 =	vadd.f32 $1.000000000e+00, v35;
	v35 =	vadd.f32 $5.000000000e-01, v54;
	v28, _, _ =	vpop (xrf2);
	(erf) = vrcp.f32 v8  }
0x351: {  	v47 =	vmax.f32 v48, $1.000000000e+00;
	v9 =	vadd.f32 $1.000000000e+00, v19;
	v8 =	vmovc v37;
	v19 =	vadd.f32 v20, v24  }
0x352: {  	s18 =	sadd.f32 $8.192000000e+03, s18;
	v34 =	vsub.f32 v36, v34;
	v11 =	vpop (erf);
	(v2sf) =	vpush v28, $0xF;
	(erf) = vrcp.f32 v45  }
0x353: {  	v20 =	vadd.f32 v38, v5;
	v11 =	vadd.f32 $1.000000000e+00, v11;
	(erf) = vrcp.f32 v47;
	v36, _, _ =	vpop (xrf2)  }
0x354: {  	v37 =	vmul.f32 $1.442695020e+00, v39;
	v24 =	vadd.f32 s18, v2;
	(v2sf) =	vpush v36, $0xF;
	v39 =	vpop (erf)  }
0x355: {  	v22 =	vsub.f32 v22, v30;
	v35 =	vmul.f32 $1.953125000e-03, v35;
	v20 =	vmax.f32 v20, $1.000000000e+00;
	v30 =	vpop (erf)  }
0x356: {  	v24 =	vadd.f32 $5.000000000e-01, v24;
	v45 =	vld [tilespmem:s16+$0xFFFFDFE0];
	(erf) = vrcp.f32 v20;
	v20 =	vadd.f32 $1.000000000e+00, v27;
	v27 =	vpop (erf)  }
0x357: {  	v19 =	vadd.f32 v31, v19;
	s18 =	spop (v2sf);
	(erf) = vpow2.f32 v37;
	v47 =	vmul.f32 v22, v27  }
0x358: {  	v31 =	vadd.f32 $-1.600000000e+01, v35;
	v27 =	vmul.f32 $1.953125000e-03, v24;
	v37 =	vld [tilespmem:s16+$0xFFFFFFF0]  }
0x359: {  	v19 =	vadd.f32 v47, v19;
	v22 =	vpop (erf);
	(erf) = vrcp.f32 v20  }
0x35a: {  	v23 =	vsub.f32 v23, v29;
	v35 =	vmax.f32 v43, $1.000000000e+00;
	v20 =	vmul.f32 v40, v30  }
0x35b: {  	v24 =	vmul.f32 v22, v33;
	v30 =	vadd.f32 v45, v41;
	s20 =	spop (v2sf);
	v22 =	vpop (erf);
	(erf) = vrcp.f32 v35  }
.Ltmp7:
0x35c: {  	v27 =	vadd.f32 $-1.600000000e+01, v27;
	v33 =	vadd.f32 v20, v19;
	v35 =	vmul.f32 v23, v39;
	s20 =	sadd.f32 s20, s19;
	v29 =	vpop (erf);
	(pc) =	sbr.rel @p1 .LBB2_11-.Ltmp7, $4  }
0x35d: {  	v20 =	vmul.f32 v29, v42;
	v19 =	vadd.f32 v37, v25;
	(xrf2) =	vadd.scan.msk.f32 $0xffff, v14;
	v25 =	vmul.f32 v22, v21  }
0x35e: {  	v21 =	vadd.f32 v26, v30;
	v30 =	vadd.f32 v35, v33;
	v33 =	vmul.f32 v34, v44;
	s19 =	sadd.f32 s18, s20  }
0x35f: {  	v26 =	vmul.f32 $1.442695020e+00, v27;
	v22 =	vadd.f32 s20, v32;
	v23 =	vpop (erf);
	v29 =	vsub.f32 v25, v46  }
0x360: {  	s16 =	sadd.s32 $0x80, s16;
	s20 =	smov.u32 s17;
	v27 =	vadd.f32 v33, v30;
	v25 =	vmul.f32 v23, v38;
	v23 =	vadd.f32 s19, v36;
	v32 =	vpop (erf)  }
.Ltmp8:
0x361: {  	_ = 	snop;
	(pc) =	sbr.rel .LBB2_12-.Ltmp8, $1  }
0x362: {  	_ =	sdelay $0x3  }
.LBB2_14:
0x363: {  	_ =	sfence.sel $0x180000  }
0x364: {  	[bflag:$0x0] =	sbarrier.arrive $0xFFFF  }
0x365: {  	_ =	strace $0x90000047  }
0x366: {  	s0 =	stileid.u32;
	[bflag:$0x2] =	sbarrier.arrive $0xFFFF  }
0x367: {  	p0 =	sne.s32 s0, $0x0;
	s0 =	rddreg [dreg:$0x3]  }
0x368: {  	s0 =	sadd.s32 @!p0 $0x100000, s0  }
0x369: {  	[sflag:s0] =	ssyncadd.tile.s32 @!p0 $0x1;
	_ =	shalt  }
.Lfunc_end2:
_tile_overlayer_lowered:
.L_overlay_start_2:
0x36a: {  	(tag) =	ssettag $0x2  }
0x36b: {  	s0 =	rddreg [dreg:$0x0];
	s2 =	stileid.u32  }
0x36c: {  	s1 =	rddreg [dreg:$0x1];
	p0 =	sne.s32 s2, $0x0  }
0x36d: {  	s3 =	rddreg [dreg:$0x2];
	[bflag:$0x3] =	sbarrier.arrive $0xFFFF;
	s2 =	simm.s32 @!p0 $0x1C03  }
0x36e: {  	[timem:s3], [sflag:s2] =	dma.local @!p0 [hbm:s0], s1  }
0x36f: {  	s0 =	simm.s32 @!p0 $0x3  }
0x370: {  	_ =	swait.ge @!p0 [sflag:s0], s1  }
0x371: {  	s1 =	ssub.s32 @!p0 $0x0, s1;
	[sflag:s0] =	ssyncset.done @!p0 $0x0  }
0x372: {  	[sflag:s0] =	ssyncadd.s32 @!p0 s1  }
0x373: {  	[bflag:$0x3] =	sbarrier.arrive $0xFFFF  }
0x374: {  	_ =	shalt  }

</sc_bundles>
